<compile_context>
chip_gen: v7x
topology: tpu7x:2x2x1
jax: 0.10.2.dev20260603
libtpu: 0.0.44.dev20260713+nightly
codegen_flags: <defaults>
</compile_context>

<pallas_src>
import functools

import jax
import jax.numpy as jnp
from jax import lax
from jax.experimental import pallas as pl
from jax.experimental.pallas import tpu as pltpu
from jax.experimental.pallas import tpu_sc as plsc

_NUM_USERS = 20000
_NUM_ITEMS = 30000
_N = _NUM_USERS + _NUM_ITEMS
_D = 64
_L = 3
_E = 800000

_NC = 2
_NS = 16
_NPAD = 50048
_ROWS_PER_TILE = _NPAD // _NS
_SUB = 128
_NSUB = 3
_EB = _SUB * _NSUB
_ITERS = 132
_EP = _NS * _ITERS * _EB


def _sc_propagate(emb_v, src_e, src_b, dst_g, zeros):
    mesh = plsc.VectorSubcoreMesh(core_axis_name="c", subcore_axis_name="s")
    table = jax.ShapeDtypeStruct((_NC * _NPAD, 32), jnp.float32)

    @functools.partial(
        pl.kernel,
        out_type=(table, table, table),
        mesh=mesh,
        scratch_types=[
            pltpu.VMEM((2, _EB), jnp.int32),
            pltpu.VMEM((2, _NSUB, _SUB), jnp.int32),
            pltpu.VMEM((2, _EB, 32), jnp.float32),
            pltpu.VMEM_SHARED((_NPAD, 32), jnp.float32),
            pltpu.SemaphoreType.DMA,
            pltpu.SemaphoreType.DMA,
            pltpu.SemaphoreType.DMA,
            pltpu.SemaphoreType.DMA,
        ],
        compiler_params=pltpu.CompilerParams(use_tc_tiling_on_sc=False),
    )
    def run(emb_hbm, srce_hbm, srcb_hbm, dst_hbm, z_hbm, o1, o2, o3,
            src_v, dst_v, rows_v, acc, gsem, ssem, isem, osem):
        c = lax.axis_index("c")
        t = lax.axis_index("s")
        reg0 = t * _ROWS_PER_TILE

        pltpu.sync_copy(z_hbm, acc.at[pl.ds(reg0, _ROWS_PER_TILE)])
        plsc.subcore_barrier()

        def fire_scatters(q):
            for j in range(_NSUB):
                pltpu.async_copy(rows_v.at[q, pl.ds(j * _SUB, _SUB)],
                                 acc.at[dst_v.at[q, j]], ssem, add=True)

        def drain_scatters(q):
            for j in range(_NSUB):
                pltpu.make_async_copy(rows_v.at[q, pl.ds(j * _SUB, _SUB)],
                                      acc.at[dst_v.at[q, j]], ssem).wait()

        def make_body(xin, src_hbm):
            def body(i2, carry):
                for p in range(2):
                    q, b = 1 - p, 2 * i2 + p
                    gd = pltpu.async_copy(xin.at[src_v.at[p]],
                                          rows_v.at[p], gsem)

                    @pl.when(b > 0)
                    def _():
                        fire_scatters(q)
                        drain_scatters(q)

                    @pl.when(b + 1 < _ITERS)
                    def _():
                        pltpu.async_copy(
                            src_hbm.at[(c * _NS + t) * _ITERS + b + 1],
                            src_v.at[q], isem)
                        pltpu.async_copy(
                            dst_hbm.at[t * _ITERS + b + 1], dst_v.at[q], isem)

                    gd.wait()

                    @pl.when(b + 1 < _ITERS)
                    def _():
                        pltpu.make_async_copy(
                            src_hbm.at[(c * _NS + t) * _ITERS + b + 1],
                            src_v.at[q], isem).wait()
                        pltpu.make_async_copy(
                            dst_hbm.at[t * _ITERS + b + 1], dst_v.at[q],
                            isem).wait()
                return carry
            return body

        outs = (o1, o2, o3)
        for l in range(_L):
            xin = emb_hbm if l == 0 else outs[l - 1]
            src_hbm = srce_hbm if l == 0 else srcb_hbm
            pltpu.sync_copy(src_hbm.at[(c * _NS + t) * _ITERS], src_v.at[0])
            pltpu.sync_copy(dst_hbm.at[t * _ITERS], dst_v.at[0])
            lax.fori_loop(0, _ITERS // 2, make_body(xin, src_hbm), 0)
            fire_scatters(1)
            drain_scatters(1)
            plsc.subcore_barrier()
            pltpu.async_copy(acc.at[pl.ds(reg0, _ROWS_PER_TILE)],
                             outs[l].at[pl.ds(c * _NPAD + reg0,
                                              _ROWS_PER_TILE)], osem).wait()
            if l < _L - 1:
                pltpu.sync_copy(z_hbm, acc.at[pl.ds(reg0, _ROWS_PER_TILE)])
            plsc.subcore_barrier()

    return run(emb_v, src_e, src_b, dst_g, zeros)


def _combine_body(e_ref, a_ref, b_ref, c_ref, o_ref):
    left = (e_ref[:, :32] + a_ref[0] + b_ref[0] + c_ref[0]) * 0.25
    right = (e_ref[:, 32:] + a_ref[1] + b_ref[1] + c_ref[1]) * 0.25
    o_ref[:, :] = jnp.concatenate([left, right], axis=-1)


def _combine(emb, x1, x2, x3):
    blk = 400
    half_spec = pl.BlockSpec((2, blk, 32), lambda i: (0, i, 0))
    return pl.pallas_call(
        _combine_body,
        grid=(_N // blk,),
        in_specs=[pl.BlockSpec((blk, _D), lambda i: (i, 0)),
                  half_spec, half_spec, half_spec],
        out_specs=pl.BlockSpec((blk, _D), lambda i: (i, 0)),
        out_shape=jax.ShapeDtypeStruct((_N, _D), jnp.float32),
    )(emb, x1.reshape(_NC, _NPAD, 32), x2.reshape(_NC, _NPAD, 32),
      x3.reshape(_NC, _NPAD, 32))


def kernel(edge_index, emb_weight):
    src = edge_index[0]
    dst = edge_index[1]

    pad = _EP - _E
    src_p = jnp.concatenate([src, jnp.zeros((pad,), jnp.int32)])
    dst_p = jnp.concatenate([dst, jnp.full((pad,), _N, jnp.int32)])
    src_e = jnp.stack([2 * src_p, 2 * src_p + 1]).reshape(
        _NC * _NS * _ITERS, _EB)
    src_b = jnp.stack([src_p, src_p + _NPAD]).reshape(
        _NC * _NS * _ITERS, _EB)
    dst_g = dst_p.reshape(_NS * _ITERS, _NSUB, _SUB)

    emb_v = emb_weight.reshape(2 * _N, 32)
    zeros = jnp.zeros((_ROWS_PER_TILE, 32), jnp.float32)

    x1, x2, x3 = _sc_propagate(emb_v, src_e, src_b, dst_g, zeros)
    final = _combine(emb_weight, x1, x2, x3)
    return (final[:_NUM_USERS], final[_NUM_USERS:])

# --- scband reference (transcript-rebuilt; emitter-appended) ---
"""Pipeline reference for scband-light-gcn-78202764525892 (READ-ONLY COPY).

The authoritative reference and input builder live on the scoring server;
editing this copy changes nothing except your own understanding.
"""

import jax, jax.numpy as jnp
import numpy as np

NUM_USERS = 20000
NUM_ITEMS = 30000
N = NUM_USERS + NUM_ITEMS
D = 64
L = 3
E = 800000


def setup_inputs(seed: int = 0) -> dict:
    key = jax.random.key(seed)
    k1, k2 = jax.random.split(key)
    edge_index = jax.random.randint(k1, (2, E), 0, N, dtype=jnp.int32)
    # nn.Embedding weight initialized with normal(std=0.1)
    emb_weight = jax.random.normal(k2, (N, D), dtype=jnp.float32) * 0.1
    return {"edge_index": edge_index, "emb_weight": emb_weight}


def reference(edge_index, emb_weight):
    # LightGCN forward: x = embedding.weight; L rounds of LGConv(normalize=False),
    # which is plain sum-aggregation of source features onto destination nodes,
    # then average of all layer-wise embeddings.
    src = edge_index[0]
    dst = edge_index[1]
    x = emb_weight
    acc = x
    for _ in range(L):
        msg = jnp.take(x, src, axis=0)
        x = jax.ops.segment_sum(msg, dst, num_segments=N)
        acc = acc + x
    final = acc / (L + 1)
    user_embedding = final[:NUM_USERS]
    item_embedding = final[NUM_USERS:]
    return (user_embedding, item_embedding)

if __name__ == "__main__":
    import jax
    _d = setup_inputs()
    print(jax.jit(kernel)(*tuple(_d.values())))

</pallas_src>

<mosaic_0001>
#map = affine_map<(d0, d1) -> (0, 0)>
#map1 = affine_map<(d0, d1) -> (0, 0, 0)>
module attributes {stable_mosaic.version = 14 : i64} {
  func.func @run(%arg0: i32, %arg1: i32, %arg2: memref<100000x32xf32, #tpu.memory_space<hbm>>, %arg3: memref<4224x384xi32, #tpu.memory_space<hbm>>, %arg4: memref<4224x384xi32, #tpu.memory_space<hbm>>, %arg5: memref<2112x3x128xi32, #tpu.memory_space<hbm>>, %arg6: memref<3128x32xf32, #tpu.memory_space<hbm>>, %arg7: memref<100096x32xf32, #tpu.memory_space<hbm>>, %arg8: memref<100096x32xf32, #tpu.memory_space<hbm>>, %arg9: memref<100096x32xf32, #tpu.memory_space<hbm>>, %arg10: memref<2x384xi32, #tpu.memory_space<vmem>>, %arg11: memref<2x3x128xi32, #tpu.memory_space<vmem>>, %arg12: memref<2x384x32xf32, #tpu.memory_space<vmem>>, %arg13: memref<50048x32xf32, #tpu.memory_space<vmem_shared>>, %arg14: memref<!tpu.dma_semaphore, #tpu.memory_space<semaphore_mem>>, %arg15: memref<!tpu.dma_semaphore, #tpu.memory_space<semaphore_mem>>, %arg16: memref<!tpu.dma_semaphore, #tpu.memory_space<semaphore_mem>>, %arg17: memref<!tpu.dma_semaphore, #tpu.memory_space<semaphore_mem>>) attributes {dimension_semantics = [#tpu.dimension_semantics<core_parallel>, #tpu.dimension_semantics<subcore_parallel>], iteration_bounds = array<i64: 2, 16>, scalar_prefetch = 0 : i64, scratch_operands = 8 : i64, tpu.core_type = #tpu.core_type<sc_vector_subcore>, window_params = [{transform_indices = #map}, {transform_indices = #map}, {transform_indices = #map}, {transform_indices = #map1}, {transform_indices = #map}, {transform_indices = #map}, {transform_indices = #map}, {transform_indices = #map}]} {
    %mul3A = arith.constant 3128 : i32
    %mul3A_0 = arith.muli %arg1, %mul3A : i32
    "tpu.region"() ({
      %run_scoped3A_314 = tpu.sem_alloc : memref<!tpu.dma_semaphore, #tpu.memory_space<semaphore_mem>>
      %dma_start3A_315 = arith.constant 0 : i32
      %dma_start3A_316 = tpu.memref_slice %arg13[%mul3A_0, %dma_start3A_315] : memref<50048x32xf32, #tpu.memory_space<vmem_shared>> -> memref<3128x32xf32, #tpu.memory_space<vmem_shared>>
      tpu.enqueue_dma source(%arg6 : memref<3128x32xf32, #tpu.memory_space<hbm>>) target(%dma_start3A_316 : memref<3128x32xf32, #tpu.memory_space<vmem_shared>>) target_semaphore(%run_scoped3A_314 : memref<!tpu.dma_semaphore, #tpu.memory_space<semaphore_mem>>)
      %dma_wait3A_317 = arith.constant 0 : i32
      %dma_wait3A_318 = tpu.memref_slice %arg13[%mul3A_0, %dma_wait3A_317] : memref<50048x32xf32, #tpu.memory_space<vmem_shared>> -> memref<3128x32xf32, #tpu.memory_space<vmem_shared>>
      tpu.wait_dma2 semaphore(%run_scoped3A_314 : memref<!tpu.dma_semaphore, #tpu.memory_space<semaphore_mem>>) src(%arg6 : memref<3128x32xf32, #tpu.memory_space<hbm>>) dst(%dma_wait3A_318 : memref<3128x32xf32, #tpu.memory_space<vmem_shared>>)
      tpu.yield
    }) : () -> ()
    %barrier3A = arith.constant 0 : index
    tpu.barrier barrier_id(%barrier3A)
    %mul3A_1 = arith.constant 16 : i32
    %mul3A_2 = arith.muli %arg0, %mul3A_1 : i32
    %add3A = arith.addi %mul3A_2, %arg1 : i32
    %mul3A_3 = arith.constant 132 : i32
    %mul3A_4 = arith.muli %add3A, %mul3A_3 : i32
    %run_scoped3A = arith.constant 0 : i32
    "tpu.region"() ({
      %run_scoped3A_314 = tpu.sem_alloc : memref<!tpu.dma_semaphore, #tpu.memory_space<semaphore_mem>>
      %dma_start3A_315 = arith.constant 0 : i32
      %dma_start3A_316 = tpu.memref_slice %arg10[%run_scoped3A, %dma_start3A_315] : memref<2x384xi32, #tpu.memory_space<vmem>> -> memref<1x384xi32, #tpu.memory_space<vmem>>
      %dma_start3A_317 = tpu.memref_squeeze %dma_start3A_316 : memref<1x384xi32, #tpu.memory_space<vmem>> -> memref<384xi32, #tpu.memory_space<vmem>>
      %dma_start3A_318 = arith.constant 0 : i32
      %dma_start3A_319 = tpu.memref_slice %arg3[%mul3A_4, %dma_start3A_318] : memref<4224x384xi32, #tpu.memory_space<hbm>> -> memref<1x384xi32, #tpu.memory_space<hbm>>
      %dma_start3A_320 = tpu.memref_squeeze %dma_start3A_319 : memref<1x384xi32, #tpu.memory_space<hbm>> -> memref<384xi32, #tpu.memory_space<hbm>>
      %dma_start3A_321 = arith.constant 0 : i32
      %dma_start3A_322 = tpu.memref_slice %arg10[%run_scoped3A, %dma_start3A_321] : memref<2x384xi32, #tpu.memory_space<vmem>> -> memref<1x384xi32, #tpu.memory_space<vmem>>
      %dma_start3A_323 = tpu.memref_squeeze %dma_start3A_322 : memref<1x384xi32, #tpu.memory_space<vmem>> -> memref<384xi32, #tpu.memory_space<vmem>>
      %dma_start3A_324 = arith.constant 0 : i32
      %dma_start3A_325 = tpu.memref_slice %arg3[%mul3A_4, %dma_start3A_324] : memref<4224x384xi32, #tpu.memory_space<hbm>> -> memref<1x384xi32, #tpu.memory_space<hbm>>
      %dma_start3A_326 = tpu.memref_squeeze %dma_start3A_325 : memref<1x384xi32, #tpu.memory_space<hbm>> -> memref<384xi32, #tpu.memory_space<hbm>>
      tpu.enqueue_dma source(%dma_start3A_326 : memref<384xi32, #tpu.memory_space<hbm>>) target(%dma_start3A_323 : memref<384xi32, #tpu.memory_space<vmem>>) target_semaphore(%run_scoped3A_314 : memref<!tpu.dma_semaphore, #tpu.memory_space<semaphore_mem>>)
      %dma_wait3A_327 = arith.constant 0 : i32
      %dma_wait3A_328 = tpu.memref_slice %arg10[%run_scoped3A, %dma_wait3A_327] : memref<2x384xi32, #tpu.memory_space<vmem>> -> memref<1x384xi32, #tpu.memory_space<vmem>>
      %dma_wait3A_329 = tpu.memref_squeeze %dma_wait3A_328 : memref<1x384xi32, #tpu.memory_space<vmem>> -> memref<384xi32, #tpu.memory_space<vmem>>
      %dma_wait3A_330 = arith.constant 0 : i32
      %dma_wait3A_331 = tpu.memref_slice %arg3[%mul3A_4, %dma_wait3A_330] : memref<4224x384xi32, #tpu.memory_space<hbm>> -> memref<1x384xi32, #tpu.memory_space<hbm>>
      %dma_wait3A_332 = tpu.memref_squeeze %dma_wait3A_331 : memref<1x384xi32, #tpu.memory_space<hbm>> -> memref<384xi32, #tpu.memory_space<hbm>>
      %dma_wait3A_333 = arith.constant 0 : i32
      %dma_wait3A_334 = tpu.memref_slice %arg10[%run_scoped3A, %dma_wait3A_333] : memref<2x384xi32, #tpu.memory_space<vmem>> -> memref<1x384xi32, #tpu.memory_space<vmem>>
      %dma_wait3A_335 = tpu.memref_squeeze %dma_wait3A_334 : memref<1x384xi32, #tpu.memory_space<vmem>> -> memref<384xi32, #tpu.memory_space<vmem>>
      %dma_wait3A_336 = arith.constant 0 : i32
      %dma_wait3A_337 = tpu.memref_slice %arg3[%mul3A_4, %dma_wait3A_336] : memref<4224x384xi32, #tpu.memory_space<hbm>> -> memref<1x384xi32, #tpu.memory_space<hbm>>
      %dma_wait3A_338 = tpu.memref_squeeze %dma_wait3A_337 : memref<1x384xi32, #tpu.memory_space<hbm>> -> memref<384xi32, #tpu.memory_space<hbm>>
      tpu.wait_dma2 semaphore(%run_scoped3A_314 : memref<!tpu.dma_semaphore, #tpu.memory_space<semaphore_mem>>) src(%dma_wait3A_338 : memref<384xi32, #tpu.memory_space<hbm>>) dst(%dma_wait3A_335 : memref<384xi32, #tpu.memory_space<vmem>>)
      tpu.yield
    }) : () -> ()
    %mul3A_5 = arith.constant 132 : i32
    %mul3A_6 = arith.muli %arg1, %mul3A_5 : i32
    %run_scoped3A_7 = arith.constant 0 : i32
    "tpu.region"() ({
      %run_scoped3A_314 = tpu.sem_alloc : memref<!tpu.dma_semaphore, #tpu.memory_space<semaphore_mem>>
      %dma_start3A_315 = arith.constant 0 : i32
      %dma_start3A_316 = arith.constant 0 : i32
      %dma_start3A_317 = tpu.memref_slice %arg11[%run_scoped3A_7, %dma_start3A_315, %dma_start3A_316] : memref<2x3x128xi32, #tpu.memory_space<vmem>> -> memref<1x3x128xi32, #tpu.memory_space<vmem>>
      %dma_start3A_318 = tpu.memref_squeeze %dma_start3A_317 : memref<1x3x128xi32, #tpu.memory_space<vmem>> -> memref<3x128xi32, #tpu.memory_space<vmem>>
      %dma_start3A_319 = arith.constant 0 : i32
      %dma_start3A_320 = arith.constant 0 : i32
      %dma_start3A_321 = tpu.memref_slice %arg5[%mul3A_6, %dma_start3A_319, %dma_start3A_320] : memref<2112x3x128xi32, #tpu.memory_space<hbm>> -> memref<1x3x128xi32, #tpu.memory_space<hbm>>
      %dma_start3A_322 = tpu.memref_squeeze %dma_start3A_321 : memref<1x3x128xi32, #tpu.memory_space<hbm>> -> memref<3x128xi32, #tpu.memory_space<hbm>>
      %dma_start3A_323 = arith.constant 0 : i32
      %dma_start3A_324 = arith.constant 0 : i32
      %dma_start3A_325 = tpu.memref_slice %arg11[%run_scoped3A_7, %dma_start3A_323, %dma_start3A_324] : memref<2x3x128xi32, #tpu.memory_space<vmem>> -> memref<1x3x128xi32, #tpu.memory_space<vmem>>
      %dma_start3A_326 = tpu.memref_squeeze %dma_start3A_325 : memref<1x3x128xi32, #tpu.memory_space<vmem>> -> memref<3x128xi32, #tpu.memory_space<vmem>>
      %dma_start3A_327 = arith.constant 0 : i32
      %dma_start3A_328 = arith.constant 0 : i32
      %dma_start3A_329 = tpu.memref_slice %arg5[%mul3A_6, %dma_start3A_327, %dma_start3A_328] : memref<2112x3x128xi32, #tpu.memory_space<hbm>> -> memref<1x3x128xi32, #tpu.memory_space<hbm>>
      %dma_start3A_330 = tpu.memref_squeeze %dma_start3A_329 : memref<1x3x128xi32, #tpu.memory_space<hbm>> -> memref<3x128xi32, #tpu.memory_space<hbm>>
      tpu.enqueue_dma source(%dma_start3A_330 : memref<3x128xi32, #tpu.memory_space<hbm>>) target(%dma_start3A_326 : memref<3x128xi32, #tpu.memory_space<vmem>>) target_semaphore(%run_scoped3A_314 : memref<!tpu.dma_semaphore, #tpu.memory_space<semaphore_mem>>)
      %dma_wait3A_331 = arith.constant 0 : i32
      %dma_wait3A_332 = arith.constant 0 : i32
      %dma_wait3A_333 = tpu.memref_slice %arg11[%run_scoped3A_7, %dma_wait3A_331, %dma_wait3A_332] : memref<2x3x128xi32, #tpu.memory_space<vmem>> -> memref<1x3x128xi32, #tpu.memory_space<vmem>>
      %dma_wait3A_334 = tpu.memref_squeeze %dma_wait3A_333 : memref<1x3x128xi32, #tpu.memory_space<vmem>> -> memref<3x128xi32, #tpu.memory_space<vmem>>
      %dma_wait3A_335 = arith.constant 0 : i32
      %dma_wait3A_336 = arith.constant 0 : i32
      %dma_wait3A_337 = tpu.memref_slice %arg5[%mul3A_6, %dma_wait3A_335, %dma_wait3A_336] : memref<2112x3x128xi32, #tpu.memory_space<hbm>> -> memref<1x3x128xi32, #tpu.memory_space<hbm>>
      %dma_wait3A_338 = tpu.memref_squeeze %dma_wait3A_337 : memref<1x3x128xi32, #tpu.memory_space<hbm>> -> memref<3x128xi32, #tpu.memory_space<hbm>>
      %dma_wait3A_339 = arith.constant 0 : i32
      %dma_wait3A_340 = arith.constant 0 : i32
      %dma_wait3A_341 = tpu.memref_slice %arg11[%run_scoped3A_7, %dma_wait3A_339, %dma_wait3A_340] : memref<2x3x128xi32, #tpu.memory_space<vmem>> -> memref<1x3x128xi32, #tpu.memory_space<vmem>>
      %dma_wait3A_342 = tpu.memref_squeeze %dma_wait3A_341 : memref<1x3x128xi32, #tpu.memory_space<vmem>> -> memref<3x128xi32, #tpu.memory_space<vmem>>
      %dma_wait3A_343 = arith.constant 0 : i32
      %dma_wait3A_344 = arith.constant 0 : i32
      %dma_wait3A_345 = tpu.memref_slice %arg5[%mul3A_6, %dma_wait3A_343, %dma_wait3A_344] : memref<2112x3x128xi32, #tpu.memory_space<hbm>> -> memref<1x3x128xi32, #tpu.memory_space<hbm>>
      %dma_wait3A_346 = tpu.memref_squeeze %dma_wait3A_345 : memref<1x3x128xi32, #tpu.memory_space<hbm>> -> memref<3x128xi32, #tpu.memory_space<hbm>>
      tpu.wait_dma2 semaphore(%run_scoped3A_314 : memref<!tpu.dma_semaphore, #tpu.memory_space<semaphore_mem>>) src(%dma_wait3A_346 : memref<3x128xi32, #tpu.memory_space<hbm>>) dst(%dma_wait3A_342 : memref<3x128xi32, #tpu.memory_space<vmem>>)
      tpu.yield
    }) : () -> ()
    %scan3A = arith.constant 0 : i32
    %scan3A_8 = arith.constant 0 : i32
    %scan3A_9 = arith.constant 66 : i32
    %scan3A_10 = arith.addi %scan3A_8, %scan3A_9 : i32
    %scan3A_11 = arith.constant 1 : i32
    scf.for %scan3A_314 = %scan3A_8 to %scan3A_10 step %scan3A_11  : i32 {
      %mul3A_315 = arith.constant 2 : i32
      %mul3A_316 = arith.muli %mul3A_315, %scan3A_314 : i32
      %add3A_317 = arith.constant 0 : i32
      %add3A_318 = arith.addi %mul3A_316, %add3A_317 : i32
      %dma_start3A_319 = arith.constant 0 : i32
      %dma_start3A_320 = arith.constant 0 : i32
      %dma_start3A_321 = arith.constant 0 : i32
      %dma_start3A_322 = arith.constant 0 : i32
      %dma_start3A_323 = tpu.memref_slice %arg12[%dma_start3A_320, %dma_start3A_321, %dma_start3A_322] : memref<2x384x32xf32, #tpu.memory_space<vmem>> -> memref<1x384x32xf32, #tpu.memory_space<vmem>>
      %dma_start3A_324 = tpu.memref_squeeze %dma_start3A_323 : memref<1x384x32xf32, #tpu.memory_space<vmem>> -> memref<384x32xf32, #tpu.memory_space<vmem>>
      %dma_start3A_325 = arith.constant 0 : i32
      %dma_start3A_326 = tpu.memref_slice %arg10[%dma_start3A_319, %dma_start3A_325] : memref<2x384xi32, #tpu.memory_space<vmem>> -> memref<1x384xi32, #tpu.memory_space<vmem>>
      %dma_start3A_327 = tpu.memref_squeeze %dma_start3A_326 : memref<1x384xi32, #tpu.memory_space<vmem>> -> memref<384xi32, #tpu.memory_space<vmem>>
      %dma_start3A_328 = arith.constant 0 : i32
      %dma_start3A_329 = arith.constant 0 : i32
      %dma_start3A_330 = tpu.memref_slice %arg2[%dma_start3A_328, %dma_start3A_329] : memref<100000x32xf32, #tpu.memory_space<hbm>> -> memref<100000x32xf32, #tpu.memory_space<hbm>>
      tpu.enqueue_indirect_dma source(%dma_start3A_330 : memref<100000x32xf32, #tpu.memory_space<hbm>>) target(%dma_start3A_324 : memref<384x32xf32, #tpu.memory_space<vmem>>) offsets(%dma_start3A_327 : memref<384xi32, #tpu.memory_space<vmem>>) semaphore(%arg14 : memref<!tpu.dma_semaphore, #tpu.memory_space<semaphore_mem>>)
      %gt3A = arith.constant 0 : i32
      %gt3A_331 = arith.cmpi sgt, %add3A_318, %gt3A : i32
      %convert_element_type3A = arith.extui %gt3A_331 : i1 to i32
      %cond3A = arith.constant 0 : i32
      %cond3A_332 = arith.cmpi ne, %convert_element_type3A, %cond3A : i32
      scf.if %cond3A_332 {
        %dma_start3A_405 = arith.constant 1 : i32
        %dma_start3A_406 = arith.constant 1 : i32
        %dma_start3A_407 = arith.constant 0 : i32
        %dma_start3A_408 = arith.constant 0 : i32
        %dma_start3A_409 = arith.constant 0 : i32
        %dma_start3A_410 = tpu.memref_slice %arg12[%dma_start3A_405, %dma_start3A_408, %dma_start3A_409] : memref<2x384x32xf32, #tpu.memory_space<vmem>> -> memref<1x128x32xf32, #tpu.memory_space<vmem>>
        %dma_start3A_411 = tpu.memref_squeeze %dma_start3A_410 : memref<1x128x32xf32, #tpu.memory_space<vmem>> -> memref<128x32xf32, #tpu.memory_space<vmem>>
        %dma_start3A_412 = arith.constant 0 : i32
        %dma_start3A_413 = tpu.memref_slice %arg11[%dma_start3A_406, %dma_start3A_407, %dma_start3A_412] : memref<2x3x128xi32, #tpu.memory_space<vmem>> -> memref<1x1x128xi32, #tpu.memory_space<vmem>>
        %dma_start3A_414 = tpu.memref_squeeze %dma_start3A_413 : memref<1x1x128xi32, #tpu.memory_space<vmem>> -> memref<128xi32, #tpu.memory_space<vmem>>
        %dma_start3A_415 = arith.constant 0 : i32
        %dma_start3A_416 = arith.constant 0 : i32
        %dma_start3A_417 = tpu.memref_slice %arg13[%dma_start3A_415, %dma_start3A_416] : memref<50048x32xf32, #tpu.memory_space<vmem_shared>> -> memref<50048x32xf32, #tpu.memory_space<vmem_shared>>
        tpu.enqueue_indirect_dma source(%dma_start3A_411 : memref<128x32xf32, #tpu.memory_space<vmem>>) target(%dma_start3A_417 : memref<50048x32xf32, #tpu.memory_space<vmem_shared>>) offsets(%dma_start3A_414 : memref<128xi32, #tpu.memory_space<vmem>>) semaphore(%arg15 : memref<!tpu.dma_semaphore, #tpu.memory_space<semaphore_mem>>) {add = true}
        %dma_start3A_418 = arith.constant 1 : i32
        %dma_start3A_419 = arith.constant 1 : i32
        %dma_start3A_420 = arith.constant 1 : i32
        %dma_start3A_421 = arith.constant 128 : i32
        %dma_start3A_422 = arith.constant 0 : i32
        %dma_start3A_423 = tpu.memref_slice %arg12[%dma_start3A_418, %dma_start3A_421, %dma_start3A_422] : memref<2x384x32xf32, #tpu.memory_space<vmem>> -> memref<1x128x32xf32, #tpu.memory_space<vmem>>
        %dma_start3A_424 = tpu.memref_squeeze %dma_start3A_423 : memref<1x128x32xf32, #tpu.memory_space<vmem>> -> memref<128x32xf32, #tpu.memory_space<vmem>>
        %dma_start3A_425 = arith.constant 0 : i32
        %dma_start3A_426 = tpu.memref_slice %arg11[%dma_start3A_419, %dma_start3A_420, %dma_start3A_425] : memref<2x3x128xi32, #tpu.memory_space<vmem>> -> memref<1x1x128xi32, #tpu.memory_space<vmem>>
        %dma_start3A_427 = tpu.memref_squeeze %dma_start3A_426 : memref<1x1x128xi32, #tpu.memory_space<vmem>> -> memref<128xi32, #tpu.memory_space<vmem>>
        %dma_start3A_428 = arith.constant 0 : i32
        %dma_start3A_429 = arith.constant 0 : i32
        %dma_start3A_430 = tpu.memref_slice %arg13[%dma_start3A_428, %dma_start3A_429] : memref<50048x32xf32, #tpu.memory_space<vmem_shared>> -> memref<50048x32xf32, #tpu.memory_space<vmem_shared>>
        tpu.enqueue_indirect_dma source(%dma_start3A_424 : memref<128x32xf32, #tpu.memory_space<vmem>>) target(%dma_start3A_430 : memref<50048x32xf32, #tpu.memory_space<vmem_shared>>) offsets(%dma_start3A_427 : memref<128xi32, #tpu.memory_space<vmem>>) semaphore(%arg15 : memref<!tpu.dma_semaphore, #tpu.memory_space<semaphore_mem>>) {add = true}
        %dma_start3A_431 = arith.constant 1 : i32
        %dma_start3A_432 = arith.constant 1 : i32
        %dma_start3A_433 = arith.constant 2 : i32
        %dma_start3A_434 = arith.constant 256 : i32
        %dma_start3A_435 = arith.constant 0 : i32
        %dma_start3A_436 = tpu.memref_slice %arg12[%dma_start3A_431, %dma_start3A_434, %dma_start3A_435] : memref<2x384x32xf32, #tpu.memory_space<vmem>> -> memref<1x128x32xf32, #tpu.memory_space<vmem>>
        %dma_start3A_437 = tpu.memref_squeeze %dma_start3A_436 : memref<1x128x32xf32, #tpu.memory_space<vmem>> -> memref<128x32xf32, #tpu.memory_space<vmem>>
        %dma_start3A_438 = arith.constant 0 : i32
        %dma_start3A_439 = tpu.memref_slice %arg11[%dma_start3A_432, %dma_start3A_433, %dma_start3A_438] : memref<2x3x128xi32, #tpu.memory_space<vmem>> -> memref<1x1x128xi32, #tpu.memory_space<vmem>>
        %dma_start3A_440 = tpu.memref_squeeze %dma_start3A_439 : memref<1x1x128xi32, #tpu.memory_space<vmem>> -> memref<128xi32, #tpu.memory_space<vmem>>
        %dma_start3A_441 = arith.constant 0 : i32
        %dma_start3A_442 = arith.constant 0 : i32
        %dma_start3A_443 = tpu.memref_slice %arg13[%dma_start3A_441, %dma_start3A_442] : memref<50048x32xf32, #tpu.memory_space<vmem_shared>> -> memref<50048x32xf32, #tpu.memory_space<vmem_shared>>
        tpu.enqueue_indirect_dma source(%dma_start3A_437 : memref<128x32xf32, #tpu.memory_space<vmem>>) target(%dma_start3A_443 : memref<50048x32xf32, #tpu.memory_space<vmem_shared>>) offsets(%dma_start3A_440 : memref<128xi32, #tpu.memory_space<vmem>>) semaphore(%arg15 : memref<!tpu.dma_semaphore, #tpu.memory_space<semaphore_mem>>) {add = true}
        %dma_wait3A_444 = arith.constant 1 : i32
        %dma_wait3A_445 = arith.constant 1 : i32
        %dma_wait3A_446 = arith.constant 0 : i32
        %dma_wait3A_447 = arith.constant 0 : i32
        %dma_wait3A_448 = arith.constant 0 : i32
        %dma_wait3A_449 = tpu.memref_slice %arg12[%dma_wait3A_444, %dma_wait3A_447, %dma_wait3A_448] : memref<2x384x32xf32, #tpu.memory_space<vmem>> -> memref<1x128x32xf32, #tpu.memory_space<vmem>>
        %dma_wait3A_450 = tpu.memref_squeeze %dma_wait3A_449 : memref<1x128x32xf32, #tpu.memory_space<vmem>> -> memref<128x32xf32, #tpu.memory_space<vmem>>
        %dma_wait3A_451 = arith.constant 0 : i32
        %dma_wait3A_452 = tpu.memref_slice %arg11[%dma_wait3A_445, %dma_wait3A_446, %dma_wait3A_451] : memref<2x3x128xi32, #tpu.memory_space<vmem>> -> memref<1x1x128xi32, #tpu.memory_space<vmem>>
        %dma_wait3A_453 = tpu.memref_squeeze %dma_wait3A_452 : memref<1x1x128xi32, #tpu.memory_space<vmem>> -> memref<128xi32, #tpu.memory_space<vmem>>
        %dma_wait3A_454 = arith.constant 0 : i32
        %dma_wait3A_455 = arith.constant 0 : i32
        %dma_wait3A_456 = tpu.memref_slice %arg13[%dma_wait3A_454, %dma_wait3A_455] : memref<50048x32xf32, #tpu.memory_space<vmem_shared>> -> memref<50048x32xf32, #tpu.memory_space<vmem_shared>>
        tpu.wait_indirect_dma semaphore(%arg15 : memref<!tpu.dma_semaphore, #tpu.memory_space<semaphore_mem>>) src(%dma_wait3A_450 : memref<128x32xf32, #tpu.memory_space<vmem>>) dst(%dma_wait3A_456 : memref<50048x32xf32, #tpu.memory_space<vmem_shared>>)
        %dma_wait3A_457 = arith.constant 1 : i32
        %dma_wait3A_458 = arith.constant 1 : i32
        %dma_wait3A_459 = arith.constant 1 : i32
        %dma_wait3A_460 = arith.constant 128 : i32
        %dma_wait3A_461 = arith.constant 0 : i32
        %dma_wait3A_462 = tpu.memref_slice %arg12[%dma_wait3A_457, %dma_wait3A_460, %dma_wait3A_461] : memref<2x384x32xf32, #tpu.memory_space<vmem>> -> memref<1x128x32xf32, #tpu.memory_space<vmem>>
        %dma_wait3A_463 = tpu.memref_squeeze %dma_wait3A_462 : memref<1x128x32xf32, #tpu.memory_space<vmem>> -> memref<128x32xf32, #tpu.memory_space<vmem>>
        %dma_wait3A_464 = arith.constant 0 : i32
        %dma_wait3A_465 = tpu.memref_slice %arg11[%dma_wait3A_458, %dma_wait3A_459, %dma_wait3A_464] : memref<2x3x128xi32, #tpu.memory_space<vmem>> -> memref<1x1x128xi32, #tpu.memory_space<vmem>>
        %dma_wait3A_466 = tpu.memref_squeeze %dma_wait3A_465 : memref<1x1x128xi32, #tpu.memory_space<vmem>> -> memref<128xi32, #tpu.memory_space<vmem>>
        %dma_wait3A_467 = arith.constant 0 : i32
        %dma_wait3A_468 = arith.constant 0 : i32
        %dma_wait3A_469 = tpu.memref_slice %arg13[%dma_wait3A_467, %dma_wait3A_468] : memref<50048x32xf32, #tpu.memory_space<vmem_shared>> -> memref<50048x32xf32, #tpu.memory_space<vmem_shared>>
        tpu.wait_indirect_dma semaphore(%arg15 : memref<!tpu.dma_semaphore, #tpu.memory_space<semaphore_mem>>) src(%dma_wait3A_463 : memref<128x32xf32, #tpu.memory_space<vmem>>) dst(%dma_wait3A_469 : memref<50048x32xf32, #tpu.memory_space<vmem_shared>>)
        %dma_wait3A_470 = arith.constant 1 : i32
        %dma_wait3A_471 = arith.constant 1 : i32
        %dma_wait3A_472 = arith.constant 2 : i32
        %dma_wait3A_473 = arith.constant 256 : i32
        %dma_wait3A_474 = arith.constant 0 : i32
        %dma_wait3A_475 = tpu.memref_slice %arg12[%dma_wait3A_470, %dma_wait3A_473, %dma_wait3A_474] : memref<2x384x32xf32, #tpu.memory_space<vmem>> -> memref<1x128x32xf32, #tpu.memory_space<vmem>>
        %dma_wait3A_476 = tpu.memref_squeeze %dma_wait3A_475 : memref<1x128x32xf32, #tpu.memory_space<vmem>> -> memref<128x32xf32, #tpu.memory_space<vmem>>
        %dma_wait3A_477 = arith.constant 0 : i32
        %dma_wait3A_478 = tpu.memref_slice %arg11[%dma_wait3A_471, %dma_wait3A_472, %dma_wait3A_477] : memref<2x3x128xi32, #tpu.memory_space<vmem>> -> memref<1x1x128xi32, #tpu.memory_space<vmem>>
        %dma_wait3A_479 = tpu.memref_squeeze %dma_wait3A_478 : memref<1x1x128xi32, #tpu.memory_space<vmem>> -> memref<128xi32, #tpu.memory_space<vmem>>
        %dma_wait3A_480 = arith.constant 0 : i32
        %dma_wait3A_481 = arith.constant 0 : i32
        %dma_wait3A_482 = tpu.memref_slice %arg13[%dma_wait3A_480, %dma_wait3A_481] : memref<50048x32xf32, #tpu.memory_space<vmem_shared>> -> memref<50048x32xf32, #tpu.memory_space<vmem_shared>>
        tpu.wait_indirect_dma semaphore(%arg15 : memref<!tpu.dma_semaphore, #tpu.memory_space<semaphore_mem>>) src(%dma_wait3A_476 : memref<128x32xf32, #tpu.memory_space<vmem>>) dst(%dma_wait3A_482 : memref<50048x32xf32, #tpu.memory_space<vmem_shared>>)
      } else {
      }
      %add3A_333 = arith.constant 1 : i32
      %add3A_334 = arith.addi %add3A_318, %add3A_333 : i32
      %lt3A = arith.constant 132 : i32
      %lt3A_335 = arith.cmpi slt, %add3A_334, %lt3A : i32
      %convert_element_type3A_336 = arith.extui %lt3A_335 : i1 to i32
      %cond3A_337 = arith.constant 0 : i32
      %cond3A_338 = arith.cmpi ne, %convert_element_type3A_336, %cond3A_337 : i32
      scf.if %cond3A_338 {
        %mul3A_405 = arith.constant 16 : i32
        %mul3A_406 = arith.muli %arg0, %mul3A_405 : i32
        %add3A_407 = arith.addi %mul3A_406, %arg1 : i32
        %mul3A_408 = arith.constant 132 : i32
        %mul3A_409 = arith.muli %add3A_407, %mul3A_408 : i32
        %add3A_410 = arith.addi %mul3A_409, %add3A_318 : i32
        %add3A_411 = arith.constant 1 : i32
        %add3A_412 = arith.addi %add3A_410, %add3A_411 : i32
        %dma_start3A_413 = arith.constant 1 : i32
        %dma_start3A_414 = arith.constant 0 : i32
        %dma_start3A_415 = tpu.memref_slice %arg10[%dma_start3A_413, %dma_start3A_414] : memref<2x384xi32, #tpu.memory_space<vmem>> -> memref<1x384xi32, #tpu.memory_space<vmem>>
        %dma_start3A_416 = tpu.memref_squeeze %dma_start3A_415 : memref<1x384xi32, #tpu.memory_space<vmem>> -> memref<384xi32, #tpu.memory_space<vmem>>
        %dma_start3A_417 = arith.constant 0 : i32
        %dma_start3A_418 = tpu.memref_slice %arg3[%add3A_412, %dma_start3A_417] : memref<4224x384xi32, #tpu.memory_space<hbm>> -> memref<1x384xi32, #tpu.memory_space<hbm>>
        %dma_start3A_419 = tpu.memref_squeeze %dma_start3A_418 : memref<1x384xi32, #tpu.memory_space<hbm>> -> memref<384xi32, #tpu.memory_space<hbm>>
        %dma_start3A_420 = arith.constant 0 : i32
        %dma_start3A_421 = tpu.memref_slice %arg10[%dma_start3A_413, %dma_start3A_420] : memref<2x384xi32, #tpu.memory_space<vmem>> -> memref<1x384xi32, #tpu.memory_space<vmem>>
        %dma_start3A_422 = tpu.memref_squeeze %dma_start3A_421 : memref<1x384xi32, #tpu.memory_space<vmem>> -> memref<384xi32, #tpu.memory_space<vmem>>
        %dma_start3A_423 = arith.constant 0 : i32
        %dma_start3A_424 = tpu.memref_slice %arg3[%add3A_412, %dma_start3A_423] : memref<4224x384xi32, #tpu.memory_space<hbm>> -> memref<1x384xi32, #tpu.memory_space<hbm>>
        %dma_start3A_425 = tpu.memref_squeeze %dma_start3A_424 : memref<1x384xi32, #tpu.memory_space<hbm>> -> memref<384xi32, #tpu.memory_space<hbm>>
        tpu.enqueue_dma source(%dma_start3A_425 : memref<384xi32, #tpu.memory_space<hbm>>) target(%dma_start3A_422 : memref<384xi32, #tpu.memory_space<vmem>>) target_semaphore(%arg16 : memref<!tpu.dma_semaphore, #tpu.memory_space<semaphore_mem>>)
        %mul3A_426 = arith.constant 132 : i32
        %mul3A_427 = arith.muli %arg1, %mul3A_426 : i32
        %add3A_428 = arith.addi %mul3A_427, %add3A_318 : i32
        %add3A_429 = arith.constant 1 : i32
        %add3A_430 = arith.addi %add3A_428, %add3A_429 : i32
        %dma_start3A_431 = arith.constant 1 : i32
        %dma_start3A_432 = arith.constant 0 : i32
        %dma_start3A_433 = arith.constant 0 : i32
        %dma_start3A_434 = tpu.memref_slice %arg11[%dma_start3A_431, %dma_start3A_432, %dma_start3A_433] : memref<2x3x128xi32, #tpu.memory_space<vmem>> -> memref<1x3x128xi32, #tpu.memory_space<vmem>>
        %dma_start3A_435 = tpu.memref_squeeze %dma_start3A_434 : memref<1x3x128xi32, #tpu.memory_space<vmem>> -> memref<3x128xi32, #tpu.memory_space<vmem>>
        %dma_start3A_436 = arith.constant 0 : i32
        %dma_start3A_437 = arith.constant 0 : i32
        %dma_start3A_438 = tpu.memref_slice %arg5[%add3A_430, %dma_start3A_436, %dma_start3A_437] : memref<2112x3x128xi32, #tpu.memory_space<hbm>> -> memref<1x3x128xi32, #tpu.memory_space<hbm>>
        %dma_start3A_439 = tpu.memref_squeeze %dma_start3A_438 : memref<1x3x128xi32, #tpu.memory_space<hbm>> -> memref<3x128xi32, #tpu.memory_space<hbm>>
        %dma_start3A_440 = arith.constant 0 : i32
        %dma_start3A_441 = arith.constant 0 : i32
        %dma_start3A_442 = tpu.memref_slice %arg11[%dma_start3A_431, %dma_start3A_440, %dma_start3A_441] : memref<2x3x128xi32, #tpu.memory_space<vmem>> -> memref<1x3x128xi32, #tpu.memory_space<vmem>>
        %dma_start3A_443 = tpu.memref_squeeze %dma_start3A_442 : memref<1x3x128xi32, #tpu.memory_space<vmem>> -> memref<3x128xi32, #tpu.memory_space<vmem>>
        %dma_start3A_444 = arith.constant 0 : i32
        %dma_start3A_445 = arith.constant 0 : i32
        %dma_start3A_446 = tpu.memref_slice %arg5[%add3A_430, %dma_start3A_444, %dma_start3A_445] : memref<2112x3x128xi32, #tpu.memory_space<hbm>> -> memref<1x3x128xi32, #tpu.memory_space<hbm>>
        %dma_start3A_447 = tpu.memref_squeeze %dma_start3A_446 : memref<1x3x128xi32, #tpu.memory_space<hbm>> -> memref<3x128xi32, #tpu.memory_space<hbm>>
        tpu.enqueue_dma source(%dma_start3A_447 : memref<3x128xi32, #tpu.memory_space<hbm>>) target(%dma_start3A_443 : memref<3x128xi32, #tpu.memory_space<vmem>>) target_semaphore(%arg16 : memref<!tpu.dma_semaphore, #tpu.memory_space<semaphore_mem>>)
      } else {
      }
      %dma_wait3A_339 = arith.constant 0 : i32
      %dma_wait3A_340 = arith.constant 0 : i32
      %dma_wait3A_341 = arith.constant 0 : i32
      %dma_wait3A_342 = arith.constant 0 : i32
      %dma_wait3A_343 = tpu.memref_slice %arg12[%dma_wait3A_340, %dma_wait3A_341, %dma_wait3A_342] : memref<2x384x32xf32, #tpu.memory_space<vmem>> -> memref<1x384x32xf32, #tpu.memory_space<vmem>>
      %dma_wait3A_344 = tpu.memref_squeeze %dma_wait3A_343 : memref<1x384x32xf32, #tpu.memory_space<vmem>> -> memref<384x32xf32, #tpu.memory_space<vmem>>
      %dma_wait3A_345 = arith.constant 0 : i32
      %dma_wait3A_346 = tpu.memref_slice %arg10[%dma_wait3A_339, %dma_wait3A_345] : memref<2x384xi32, #tpu.memory_space<vmem>> -> memref<1x384xi32, #tpu.memory_space<vmem>>
      %dma_wait3A_347 = tpu.memref_squeeze %dma_wait3A_346 : memref<1x384xi32, #tpu.memory_space<vmem>> -> memref<384xi32, #tpu.memory_space<vmem>>
      %dma_wait3A_348 = arith.constant 0 : i32
      %dma_wait3A_349 = arith.constant 0 : i32
      %dma_wait3A_350 = tpu.memref_slice %arg2[%dma_wait3A_348, %dma_wait3A_349] : memref<100000x32xf32, #tpu.memory_space<hbm>> -> memref<100000x32xf32, #tpu.memory_space<hbm>>
      tpu.wait_indirect_dma semaphore(%arg14 : memref<!tpu.dma_semaphore, #tpu.memory_space<semaphore_mem>>) src(%dma_wait3A_350 : memref<100000x32xf32, #tpu.memory_space<hbm>>) dst(%dma_wait3A_344 : memref<384x32xf32, #tpu.memory_space<vmem>>)
      %add3A_351 = arith.constant 1 : i32
      %add3A_352 = arith.addi %add3A_318, %add3A_351 : i32
      %lt3A_353 = arith.constant 132 : i32
      %lt3A_354 = arith.cmpi slt, %add3A_352, %lt3A_353 : i32
      %convert_element_type3A_355 = arith.extui %lt3A_354 : i1 to i32
      %cond3A_356 = arith.constant 0 : i32
      %cond3A_357 = arith.cmpi ne, %convert_element_type3A_355, %cond3A_356 : i32
      scf.if %cond3A_357 {
        %mul3A_405 = arith.constant 16 : i32
        %mul3A_406 = arith.muli %arg0, %mul3A_405 : i32
        %add3A_407 = arith.addi %mul3A_406, %arg1 : i32
        %mul3A_408 = arith.constant 132 : i32
        %mul3A_409 = arith.muli %add3A_407, %mul3A_408 : i32
        %add3A_410 = arith.addi %mul3A_409, %add3A_318 : i32
        %add3A_411 = arith.constant 1 : i32
        %add3A_412 = arith.addi %add3A_410, %add3A_411 : i32
        %dma_wait3A_413 = arith.constant 1 : i32
        %dma_wait3A_414 = arith.constant 0 : i32
        %dma_wait3A_415 = tpu.memref_slice %arg10[%dma_wait3A_413, %dma_wait3A_414] : memref<2x384xi32, #tpu.memory_space<vmem>> -> memref<1x384xi32, #tpu.memory_space<vmem>>
        %dma_wait3A_416 = tpu.memref_squeeze %dma_wait3A_415 : memref<1x384xi32, #tpu.memory_space<vmem>> -> memref<384xi32, #tpu.memory_space<vmem>>
        %dma_wait3A_417 = arith.constant 0 : i32
        %dma_wait3A_418 = tpu.memref_slice %arg3[%add3A_412, %dma_wait3A_417] : memref<4224x384xi32, #tpu.memory_space<hbm>> -> memref<1x384xi32, #tpu.memory_space<hbm>>
        %dma_wait3A_419 = tpu.memref_squeeze %dma_wait3A_418 : memref<1x384xi32, #tpu.memory_space<hbm>> -> memref<384xi32, #tpu.memory_space<hbm>>
        %dma_wait3A_420 = arith.constant 0 : i32
        %dma_wait3A_421 = tpu.memref_slice %arg10[%dma_wait3A_413, %dma_wait3A_420] : memref<2x384xi32, #tpu.memory_space<vmem>> -> memref<1x384xi32, #tpu.memory_space<vmem>>
        %dma_wait3A_422 = tpu.memref_squeeze %dma_wait3A_421 : memref<1x384xi32, #tpu.memory_space<vmem>> -> memref<384xi32, #tpu.memory_space<vmem>>
        %dma_wait3A_423 = arith.constant 0 : i32
        %dma_wait3A_424 = tpu.memref_slice %arg3[%add3A_412, %dma_wait3A_423] : memref<4224x384xi32, #tpu.memory_space<hbm>> -> memref<1x384xi32, #tpu.memory_space<hbm>>
        %dma_wait3A_425 = tpu.memref_squeeze %dma_wait3A_424 : memref<1x384xi32, #tpu.memory_space<hbm>> -> memref<384xi32, #tpu.memory_space<hbm>>
        tpu.wait_dma2 semaphore(%arg16 : memref<!tpu.dma_semaphore, #tpu.memory_space<semaphore_mem>>) src(%dma_wait3A_425 : memref<384xi32, #tpu.memory_space<hbm>>) dst(%dma_wait3A_422 : memref<384xi32, #tpu.memory_space<vmem>>)
        %mul3A_426 = arith.constant 132 : i32
        %mul3A_427 = arith.muli %arg1, %mul3A_426 : i32
        %add3A_428 = arith.addi %mul3A_427, %add3A_318 : i32
        %add3A_429 = arith.constant 1 : i32
        %add3A_430 = arith.addi %add3A_428, %add3A_429 : i32
        %dma_wait3A_431 = arith.constant 1 : i32
        %dma_wait3A_432 = arith.constant 0 : i32
        %dma_wait3A_433 = arith.constant 0 : i32
        %dma_wait3A_434 = tpu.memref_slice %arg11[%dma_wait3A_431, %dma_wait3A_432, %dma_wait3A_433] : memref<2x3x128xi32, #tpu.memory_space<vmem>> -> memref<1x3x128xi32, #tpu.memory_space<vmem>>
        %dma_wait3A_435 = tpu.memref_squeeze %dma_wait3A_434 : memref<1x3x128xi32, #tpu.memory_space<vmem>> -> memref<3x128xi32, #tpu.memory_space<vmem>>
        %dma_wait3A_436 = arith.constant 0 : i32
        %dma_wait3A_437 = arith.constant 0 : i32
        %dma_wait3A_438 = tpu.memref_slice %arg5[%add3A_430, %dma_wait3A_436, %dma_wait3A_437] : memref<2112x3x128xi32, #tpu.memory_space<hbm>> -> memref<1x3x128xi32, #tpu.memory_space<hbm>>
        %dma_wait3A_439 = tpu.memref_squeeze %dma_wait3A_438 : memref<1x3x128xi32, #tpu.memory_space<hbm>> -> memref<3x128xi32, #tpu.memory_space<hbm>>
        %dma_wait3A_440 = arith.constant 0 : i32
        %dma_wait3A_441 = arith.constant 0 : i32
        %dma_wait3A_442 = tpu.memref_slice %arg11[%dma_wait3A_431, %dma_wait3A_440, %dma_wait3A_441] : memref<2x3x128xi32, #tpu.memory_space<vmem>> -> memref<1x3x128xi32, #tpu.memory_space<vmem>>
        %dma_wait3A_443 = tpu.memref_squeeze %dma_wait3A_442 : memref<1x3x128xi32, #tpu.memory_space<vmem>> -> memref<3x128xi32, #tpu.memory_space<vmem>>
        %dma_wait3A_444 = arith.constant 0 : i32
        %dma_wait3A_445 = arith.constant 0 : i32
        %dma_wait3A_446 = tpu.memref_slice %arg5[%add3A_430, %dma_wait3A_444, %dma_wait3A_445] : memref<2112x3x128xi32, #tpu.memory_space<hbm>> -> memref<1x3x128xi32, #tpu.memory_space<hbm>>
        %dma_wait3A_447 = tpu.memref_squeeze %dma_wait3A_446 : memref<1x3x128xi32, #tpu.memory_space<hbm>> -> memref<3x128xi32, #tpu.memory_space<hbm>>
        tpu.wait_dma2 semaphore(%arg16 : memref<!tpu.dma_semaphore, #tpu.memory_space<semaphore_mem>>) src(%dma_wait3A_447 : memref<3x128xi32, #tpu.memory_space<hbm>>) dst(%dma_wait3A_443 : memref<3x128xi32, #tpu.memory_space<vmem>>)
      } else {
      }
      %mul3A_358 = arith.constant 2 : i32
      %mul3A_359 = arith.muli %mul3A_358, %scan3A_314 : i32
      %add3A_360 = arith.constant 1 : i32
      %add3A_361 = arith.addi %mul3A_359, %add3A_360 : i32
      %dma_start3A_362 = arith.constant 1 : i32
      %dma_start3A_363 = arith.constant 1 : i32
      %dma_start3A_364 = arith.constant 0 : i32
      %dma_start3A_365 = arith.constant 0 : i32
      %dma_start3A_366 = tpu.memref_slice %arg12[%dma_start3A_363, %dma_start3A_364, %dma_start3A_365] : memref<2x384x32xf32, #tpu.memory_space<vmem>> -> memref<1x384x32xf32, #tpu.memory_space<vmem>>
      %dma_start3A_367 = tpu.memref_squeeze %dma_start3A_366 : memref<1x384x32xf32, #tpu.memory_space<vmem>> -> memref<384x32xf32, #tpu.memory_space<vmem>>
      %dma_start3A_368 = arith.constant 0 : i32
      %dma_start3A_369 = tpu.memref_slice %arg10[%dma_start3A_362, %dma_start3A_368] : memref<2x384xi32, #tpu.memory_space<vmem>> -> memref<1x384xi32, #tpu.memory_space<vmem>>
      %dma_start3A_370 = tpu.memref_squeeze %dma_start3A_369 : memref<1x384xi32, #tpu.memory_space<vmem>> -> memref<384xi32, #tpu.memory_space<vmem>>
      %dma_start3A_371 = arith.constant 0 : i32
      %dma_start3A_372 = arith.constant 0 : i32
      %dma_start3A_373 = tpu.memref_slice %arg2[%dma_start3A_371, %dma_start3A_372] : memref<100000x32xf32, #tpu.memory_space<hbm>> -> memref<100000x32xf32, #tpu.memory_space<hbm>>
      tpu.enqueue_indirect_dma source(%dma_start3A_373 : memref<100000x32xf32, #tpu.memory_space<hbm>>) target(%dma_start3A_367 : memref<384x32xf32, #tpu.memory_space<vmem>>) offsets(%dma_start3A_370 : memref<384xi32, #tpu.memory_space<vmem>>) semaphore(%arg14 : memref<!tpu.dma_semaphore, #tpu.memory_space<semaphore_mem>>)
      %gt3A_374 = arith.constant 0 : i32
      %gt3A_375 = arith.cmpi sgt, %add3A_361, %gt3A_374 : i32
      %convert_element_type3A_376 = arith.extui %gt3A_375 : i1 to i32
      %cond3A_377 = arith.constant 0 : i32
      %cond3A_378 = arith.cmpi ne, %convert_element_type3A_376, %cond3A_377 : i32
      scf.if %cond3A_378 {
        %dma_start3A_405 = arith.constant 0 : i32
        %dma_start3A_406 = arith.constant 0 : i32
        %dma_start3A_407 = arith.constant 0 : i32
        %dma_start3A_408 = arith.constant 0 : i32
        %dma_start3A_409 = arith.constant 0 : i32
        %dma_start3A_410 = tpu.memref_slice %arg12[%dma_start3A_405, %dma_start3A_408, %dma_start3A_409] : memref<2x384x32xf32, #tpu.memory_space<vmem>> -> memref<1x128x32xf32, #tpu.memory_space<vmem>>
        %dma_start3A_411 = tpu.memref_squeeze %dma_start3A_410 : memref<1x128x32xf32, #tpu.memory_space<vmem>> -> memref<128x32xf32, #tpu.memory_space<vmem>>
        %dma_start3A_412 = arith.constant 0 : i32
        %dma_start3A_413 = tpu.memref_slice %arg11[%dma_start3A_406, %dma_start3A_407, %dma_start3A_412] : memref<2x3x128xi32, #tpu.memory_space<vmem>> -> memref<1x1x128xi32, #tpu.memory_space<vmem>>
        %dma_start3A_414 = tpu.memref_squeeze %dma_start3A_413 : memref<1x1x128xi32, #tpu.memory_space<vmem>> -> memref<128xi32, #tpu.memory_space<vmem>>
        %dma_start3A_415 = arith.constant 0 : i32
        %dma_start3A_416 = arith.constant 0 : i32
        %dma_start3A_417 = tpu.memref_slice %arg13[%dma_start3A_415, %dma_start3A_416] : memref<50048x32xf32, #tpu.memory_space<vmem_shared>> -> memref<50048x32xf32, #tpu.memory_space<vmem_shared>>
        tpu.enqueue_indirect_dma source(%dma_start3A_411 : memref<128x32xf32, #tpu.memory_space<vmem>>) target(%dma_start3A_417 : memref<50048x32xf32, #tpu.memory_space<vmem_shared>>) offsets(%dma_start3A_414 : memref<128xi32, #tpu.memory_space<vmem>>) semaphore(%arg15 : memref<!tpu.dma_semaphore, #tpu.memory_space<semaphore_mem>>) {add = true}
        %dma_start3A_418 = arith.constant 0 : i32
        %dma_start3A_419 = arith.constant 0 : i32
        %dma_start3A_420 = arith.constant 1 : i32
        %dma_start3A_421 = arith.constant 128 : i32
        %dma_start3A_422 = arith.constant 0 : i32
        %dma_start3A_423 = tpu.memref_slice %arg12[%dma_start3A_418, %dma_start3A_421, %dma_start3A_422] : memref<2x384x32xf32, #tpu.memory_space<vmem>> -> memref<1x128x32xf32, #tpu.memory_space<vmem>>
        %dma_start3A_424 = tpu.memref_squeeze %dma_start3A_423 : memref<1x128x32xf32, #tpu.memory_space<vmem>> -> memref<128x32xf32, #tpu.memory_space<vmem>>
        %dma_start3A_425 = arith.constant 0 : i32
        %dma_start3A_426 = tpu.memref_slice %arg11[%dma_start3A_419, %dma_start3A_420, %dma_start3A_425] : memref<2x3x128xi32, #tpu.memory_space<vmem>> -> memref<1x1x128xi32, #tpu.memory_space<vmem>>
        %dma_start3A_427 = tpu.memref_squeeze %dma_start3A_426 : memref<1x1x128xi32, #tpu.memory_space<vmem>> -> memref<128xi32, #tpu.memory_space<vmem>>
        %dma_start3A_428 = arith.constant 0 : i32
        %dma_start3A_429 = arith.constant 0 : i32
        %dma_start3A_430 = tpu.memref_slice %arg13[%dma_start3A_428, %dma_start3A_429] : memref<50048x32xf32, #tpu.memory_space<vmem_shared>> -> memref<50048x32xf32, #tpu.memory_space<vmem_shared>>
        tpu.enqueue_indirect_dma source(%dma_start3A_424 : memref<128x32xf32, #tpu.memory_space<vmem>>) target(%dma_start3A_430 : memref<50048x32xf32, #tpu.memory_space<vmem_shared>>) offsets(%dma_start3A_427 : memref<128xi32, #tpu.memory_space<vmem>>) semaphore(%arg15 : memref<!tpu.dma_semaphore, #tpu.memory_space<semaphore_mem>>) {add = true}
        %dma_start3A_431 = arith.constant 0 : i32
        %dma_start3A_432 = arith.constant 0 : i32
        %dma_start3A_433 = arith.constant 2 : i32
        %dma_start3A_434 = arith.constant 256 : i32
        %dma_start3A_435 = arith.constant 0 : i32
        %dma_start3A_436 = tpu.memref_slice %arg12[%dma_start3A_431, %dma_start3A_434, %dma_start3A_435] : memref<2x384x32xf32, #tpu.memory_space<vmem>> -> memref<1x128x32xf32, #tpu.memory_space<vmem>>
        %dma_start3A_437 = tpu.memref_squeeze %dma_start3A_436 : memref<1x128x32xf32, #tpu.memory_space<vmem>> -> memref<128x32xf32, #tpu.memory_space<vmem>>
        %dma_start3A_438 = arith.constant 0 : i32
        %dma_start3A_439 = tpu.memref_slice %arg11[%dma_start3A_432, %dma_start3A_433, %dma_start3A_438] : memref<2x3x128xi32, #tpu.memory_space<vmem>> -> memref<1x1x128xi32, #tpu.memory_space<vmem>>
        %dma_start3A_440 = tpu.memref_squeeze %dma_start3A_439 : memref<1x1x128xi32, #tpu.memory_space<vmem>> -> memref<128xi32, #tpu.memory_space<vmem>>
        %dma_start3A_441 = arith.constant 0 : i32
        %dma_start3A_442 = arith.constant 0 : i32
        %dma_start3A_443 = tpu.memref_slice %arg13[%dma_start3A_441, %dma_start3A_442] : memref<50048x32xf32, #tpu.memory_space<vmem_shared>> -> memref<50048x32xf32, #tpu.memory_space<vmem_shared>>
        tpu.enqueue_indirect_dma source(%dma_start3A_437 : memref<128x32xf32, #tpu.memory_space<vmem>>) target(%dma_start3A_443 : memref<50048x32xf32, #tpu.memory_space<vmem_shared>>) offsets(%dma_start3A_440 : memref<128xi32, #tpu.memory_space<vmem>>) semaphore(%arg15 : memref<!tpu.dma_semaphore, #tpu.memory_space<semaphore_mem>>) {add = true}
        %dma_wait3A_444 = arith.constant 0 : i32
        %dma_wait3A_445 = arith.constant 0 : i32
        %dma_wait3A_446 = arith.constant 0 : i32
        %dma_wait3A_447 = arith.constant 0 : i32
        %dma_wait3A_448 = arith.constant 0 : i32
        %dma_wait3A_449 = tpu.memref_slice %arg12[%dma_wait3A_444, %dma_wait3A_447, %dma_wait3A_448] : memref<2x384x32xf32, #tpu.memory_space<vmem>> -> memref<1x128x32xf32, #tpu.memory_space<vmem>>
        %dma_wait3A_450 = tpu.memref_squeeze %dma_wait3A_449 : memref<1x128x32xf32, #tpu.memory_space<vmem>> -> memref<128x32xf32, #tpu.memory_space<vmem>>
        %dma_wait3A_451 = arith.constant 0 : i32
        %dma_wait3A_452 = tpu.memref_slice %arg11[%dma_wait3A_445, %dma_wait3A_446, %dma_wait3A_451] : memref<2x3x128xi32, #tpu.memory_space<vmem>> -> memref<1x1x128xi32, #tpu.memory_space<vmem>>
        %dma_wait3A_453 = tpu.memref_squeeze %dma_wait3A_452 : memref<1x1x128xi32, #tpu.memory_space<vmem>> -> memref<128xi32, #tpu.memory_space<vmem>>
        %dma_wait3A_454 = arith.constant 0 : i32
        %dma_wait3A_455 = arith.constant 0 : i32
        %dma_wait3A_456 = tpu.memref_slice %arg13[%dma_wait3A_454, %dma_wait3A_455] : memref<50048x32xf32, #tpu.memory_space<vmem_shared>> -> memref<50048x32xf32, #tpu.memory_space<vmem_shared>>
        tpu.wait_indirect_dma semaphore(%arg15 : memref<!tpu.dma_semaphore, #tpu.memory_space<semaphore_mem>>) src(%dma_wait3A_450 : memref<128x32xf32, #tpu.memory_space<vmem>>) dst(%dma_wait3A_456 : memref<50048x32xf32, #tpu.memory_space<vmem_shared>>)
        %dma_wait3A_457 = arith.constant 0 : i32
        %dma_wait3A_458 = arith.constant 0 : i32
        %dma_wait3A_459 = arith.constant 1 : i32
        %dma_wait3A_460 = arith.constant 128 : i32
        %dma_wait3A_461 = arith.constant 0 : i32
        %dma_wait3A_462 = tpu.memref_slice %arg12[%dma_wait3A_457, %dma_wait3A_460, %dma_wait3A_461] : memref<2x384x32xf32, #tpu.memory_space<vmem>> -> memref<1x128x32xf32, #tpu.memory_space<vmem>>
        %dma_wait3A_463 = tpu.memref_squeeze %dma_wait3A_462 : memref<1x128x32xf32, #tpu.memory_space<vmem>> -> memref<128x32xf32, #tpu.memory_space<vmem>>
        %dma_wait3A_464 = arith.constant 0 : i32
        %dma_wait3A_465 = tpu.memref_slice %arg11[%dma_wait3A_458, %dma_wait3A_459, %dma_wait3A_464] : memref<2x3x128xi32, #tpu.memory_space<vmem>> -> memref<1x1x128xi32, #tpu.memory_space<vmem>>
        %dma_wait3A_466 = tpu.memref_squeeze %dma_wait3A_465 : memref<1x1x128xi32, #tpu.memory_space<vmem>> -> memref<128xi32, #tpu.memory_space<vmem>>
        %dma_wait3A_467 = arith.constant 0 : i32
        %dma_wait3A_468 = arith.constant 0 : i32
        %dma_wait3A_469 = tpu.memref_slice %arg13[%dma_wait3A_467, %dma_wait3A_468] : memref<50048x32xf32, #tpu.memory_space<vmem_shared>> -> memref<50048x32xf32, #tpu.memory_space<vmem_shared>>
        tpu.wait_indirect_dma semaphore(%arg15 : memref<!tpu.dma_semaphore, #tpu.memory_space<semaphore_mem>>) src(%dma_wait3A_463 : memref<128x32xf32, #tpu.memory_space<vmem>>) dst(%dma_wait3A_469 : memref<50048x32xf32, #tpu.memory_space<vmem_shared>>)
        %dma_wait3A_470 = arith.constant 0 : i32
        %dma_wait3A_471 = arith.constant 0 : i32
        %dma_wait3A_472 = arith.constant 2 : i32
        %dma_wait3A_473 = arith.constant 256 : i32
        %dma_wait3A_474 = arith.constant 0 : i32
        %dma_wait3A_475 = tpu.memref_slice %arg12[%dma_wait3A_470, %dma_wait3A_473, %dma_wait3A_474] : memref<2x384x32xf32, #tpu.memory_space<vmem>> -> memref<1x128x32xf32, #tpu.memory_space<vmem>>
        %dma_wait3A_476 = tpu.memref_squeeze %dma_wait3A_475 : memref<1x128x32xf32, #tpu.memory_space<vmem>> -> memref<128x32xf32, #tpu.memory_space<vmem>>
        %dma_wait3A_477 = arith.constant 0 : i32
        %dma_wait3A_478 = tpu.memref_slice %arg11[%dma_wait3A_471, %dma_wait3A_472, %dma_wait3A_477] : memref<2x3x128xi32, #tpu.memory_space<vmem>> -> memref<1x1x128xi32, #tpu.memory_space<vmem>>
        %dma_wait3A_479 = tpu.memref_squeeze %dma_wait3A_478 : memref<1x1x128xi32, #tpu.memory_space<vmem>> -> memref<128xi32, #tpu.memory_space<vmem>>
        %dma_wait3A_480 = arith.constant 0 : i32
        %dma_wait3A_481 = arith.constant 0 : i32
        %dma_wait3A_482 = tpu.memref_slice %arg13[%dma_wait3A_480, %dma_wait3A_481] : memref<50048x32xf32, #tpu.memory_space<vmem_shared>> -> memref<50048x32xf32, #tpu.memory_space<vmem_shared>>
        tpu.wait_indirect_dma semaphore(%arg15 : memref<!tpu.dma_semaphore, #tpu.memory_space<semaphore_mem>>) src(%dma_wait3A_476 : memref<128x32xf32, #tpu.memory_space<vmem>>) dst(%dma_wait3A_482 : memref<50048x32xf32, #tpu.memory_space<vmem_shared>>)
      } else {
      }
      %add3A_379 = arith.constant 1 : i32
      %add3A_380 = arith.addi %add3A_361, %add3A_379 : i32
      %lt3A_381 = arith.constant 132 : i32
      %lt3A_382 = arith.cmpi slt, %add3A_380, %lt3A_381 : i32
      %convert_element_type3A_383 = arith.extui %lt3A_382 : i1 to i32
      %cond3A_384 = arith.constant 0 : i32
      %cond3A_385 = arith.cmpi ne, %convert_element_type3A_383, %cond3A_384 : i32
      scf.if %cond3A_385 {
        %mul3A_405 = arith.constant 16 : i32
        %mul3A_406 = arith.muli %arg0, %mul3A_405 : i32
        %add3A_407 = arith.addi %mul3A_406, %arg1 : i32
        %mul3A_408 = arith.constant 132 : i32
        %mul3A_409 = arith.muli %add3A_407, %mul3A_408 : i32
        %add3A_410 = arith.addi %mul3A_409, %add3A_361 : i32
        %add3A_411 = arith.constant 1 : i32
        %add3A_412 = arith.addi %add3A_410, %add3A_411 : i32
        %dma_start3A_413 = arith.constant 0 : i32
        %dma_start3A_414 = arith.constant 0 : i32
        %dma_start3A_415 = tpu.memref_slice %arg10[%dma_start3A_413, %dma_start3A_414] : memref<2x384xi32, #tpu.memory_space<vmem>> -> memref<1x384xi32, #tpu.memory_space<vmem>>
        %dma_start3A_416 = tpu.memref_squeeze %dma_start3A_415 : memref<1x384xi32, #tpu.memory_space<vmem>> -> memref<384xi32, #tpu.memory_space<vmem>>
        %dma_start3A_417 = arith.constant 0 : i32
        %dma_start3A_418 = tpu.memref_slice %arg3[%add3A_412, %dma_start3A_417] : memref<4224x384xi32, #tpu.memory_space<hbm>> -> memref<1x384xi32, #tpu.memory_space<hbm>>
        %dma_start3A_419 = tpu.memref_squeeze %dma_start3A_418 : memref<1x384xi32, #tpu.memory_space<hbm>> -> memref<384xi32, #tpu.memory_space<hbm>>
        %dma_start3A_420 = arith.constant 0 : i32
        %dma_start3A_421 = tpu.memref_slice %arg10[%dma_start3A_413, %dma_start3A_420] : memref<2x384xi32, #tpu.memory_space<vmem>> -> memref<1x384xi32, #tpu.memory_space<vmem>>
        %dma_start3A_422 = tpu.memref_squeeze %dma_start3A_421 : memref<1x384xi32, #tpu.memory_space<vmem>> -> memref<384xi32, #tpu.memory_space<vmem>>
        %dma_start3A_423 = arith.constant 0 : i32
        %dma_start3A_424 = tpu.memref_slice %arg3[%add3A_412, %dma_start3A_423] : memref<4224x384xi32, #tpu.memory_space<hbm>> -> memref<1x384xi32, #tpu.memory_space<hbm>>
        %dma_start3A_425 = tpu.memref_squeeze %dma_start3A_424 : memref<1x384xi32, #tpu.memory_space<hbm>> -> memref<384xi32, #tpu.memory_space<hbm>>
        tpu.enqueue_dma source(%dma_start3A_425 : memref<384xi32, #tpu.memory_space<hbm>>) target(%dma_start3A_422 : memref<384xi32, #tpu.memory_space<vmem>>) target_semaphore(%arg16 : memref<!tpu.dma_semaphore, #tpu.memory_space<semaphore_mem>>)
        %mul3A_426 = arith.constant 132 : i32
        %mul3A_427 = arith.muli %arg1, %mul3A_426 : i32
        %add3A_428 = arith.addi %mul3A_427, %add3A_361 : i32
        %add3A_429 = arith.constant 1 : i32
        %add3A_430 = arith.addi %add3A_428, %add3A_429 : i32
        %dma_start3A_431 = arith.constant 0 : i32
        %dma_start3A_432 = arith.constant 0 : i32
        %dma_start3A_433 = arith.constant 0 : i32
        %dma_start3A_434 = tpu.memref_slice %arg11[%dma_start3A_431, %dma_start3A_432, %dma_start3A_433] : memref<2x3x128xi32, #tpu.memory_space<vmem>> -> memref<1x3x128xi32, #tpu.memory_space<vmem>>
        %dma_start3A_435 = tpu.memref_squeeze %dma_start3A_434 : memref<1x3x128xi32, #tpu.memory_space<vmem>> -> memref<3x128xi32, #tpu.memory_space<vmem>>
        %dma_start3A_436 = arith.constant 0 : i32
        %dma_start3A_437 = arith.constant 0 : i32
        %dma_start3A_438 = tpu.memref_slice %arg5[%add3A_430, %dma_start3A_436, %dma_start3A_437] : memref<2112x3x128xi32, #tpu.memory_space<hbm>> -> memref<1x3x128xi32, #tpu.memory_space<hbm>>
        %dma_start3A_439 = tpu.memref_squeeze %dma_start3A_438 : memref<1x3x128xi32, #tpu.memory_space<hbm>> -> memref<3x128xi32, #tpu.memory_space<hbm>>
        %dma_start3A_440 = arith.constant 0 : i32
        %dma_start3A_441 = arith.constant 0 : i32
        %dma_start3A_442 = tpu.memref_slice %arg11[%dma_start3A_431, %dma_start3A_440, %dma_start3A_441] : memref<2x3x128xi32, #tpu.memory_space<vmem>> -> memref<1x3x128xi32, #tpu.memory_space<vmem>>
        %dma_start3A_443 = tpu.memref_squeeze %dma_start3A_442 : memref<1x3x128xi32, #tpu.memory_space<vmem>> -> memref<3x128xi32, #tpu.memory_space<vmem>>
        %dma_start3A_444 = arith.constant 0 : i32
        %dma_start3A_445 = arith.constant 0 : i32
        %dma_start3A_446 = tpu.memref_slice %arg5[%add3A_430, %dma_start3A_444, %dma_start3A_445] : memref<2112x3x128xi32, #tpu.memory_space<hbm>> -> memref<1x3x128xi32, #tpu.memory_space<hbm>>
        %dma_start3A_447 = tpu.memref_squeeze %dma_start3A_446 : memref<1x3x128xi32, #tpu.memory_space<hbm>> -> memref<3x128xi32, #tpu.memory_space<hbm>>
        tpu.enqueue_dma source(%dma_start3A_447 : memref<3x128xi32, #tpu.memory_space<hbm>>) target(%dma_start3A_443 : memref<3x128xi32, #tpu.memory_space<vmem>>) target_semaphore(%arg16 : memref<!tpu.dma_semaphore, #tpu.memory_space<semaphore_mem>>)
      } else {
      }
      %dma_wait3A_386 = arith.constant 1 : i32
      %dma_wait3A_387 = arith.constant 1 : i32
      %dma_wait3A_388 = arith.constant 0 : i32
      %dma_wait3A_389 = arith.constant 0 : i32
      %dma_wait3A_390 = tpu.memref_slice %arg12[%dma_wait3A_387, %dma_wait3A_388, %dma_wait3A_389] : memref<2x384x32xf32, #tpu.memory_space<vmem>> -> memref<1x384x32xf32, #tpu.memory_space<vmem>>
      %dma_wait3A_391 = tpu.memref_squeeze %dma_wait3A_390 : memref<1x384x32xf32, #tpu.memory_space<vmem>> -> memref<384x32xf32, #tpu.memory_space<vmem>>
      %dma_wait3A_392 = arith.constant 0 : i32
      %dma_wait3A_393 = tpu.memref_slice %arg10[%dma_wait3A_386, %dma_wait3A_392] : memref<2x384xi32, #tpu.memory_space<vmem>> -> memref<1x384xi32, #tpu.memory_space<vmem>>
      %dma_wait3A_394 = tpu.memref_squeeze %dma_wait3A_393 : memref<1x384xi32, #tpu.memory_space<vmem>> -> memref<384xi32, #tpu.memory_space<vmem>>
      %dma_wait3A_395 = arith.constant 0 : i32
      %dma_wait3A_396 = arith.constant 0 : i32
      %dma_wait3A_397 = tpu.memref_slice %arg2[%dma_wait3A_395, %dma_wait3A_396] : memref<100000x32xf32, #tpu.memory_space<hbm>> -> memref<100000x32xf32, #tpu.memory_space<hbm>>
      tpu.wait_indirect_dma semaphore(%arg14 : memref<!tpu.dma_semaphore, #tpu.memory_space<semaphore_mem>>) src(%dma_wait3A_397 : memref<100000x32xf32, #tpu.memory_space<hbm>>) dst(%dma_wait3A_391 : memref<384x32xf32, #tpu.memory_space<vmem>>)
      %add3A_398 = arith.constant 1 : i32
      %add3A_399 = arith.addi %add3A_361, %add3A_398 : i32
      %lt3A_400 = arith.constant 132 : i32
      %lt3A_401 = arith.cmpi slt, %add3A_399, %lt3A_400 : i32
      %convert_element_type3A_402 = arith.extui %lt3A_401 : i1 to i32
      %cond3A_403 = arith.constant 0 : i32
      %cond3A_404 = arith.cmpi ne, %convert_element_type3A_402, %cond3A_403 : i32
      scf.if %cond3A_404 {
        %mul3A_405 = arith.constant 16 : i32
        %mul3A_406 = arith.muli %arg0, %mul3A_405 : i32
        %add3A_407 = arith.addi %mul3A_406, %arg1 : i32
        %mul3A_408 = arith.constant 132 : i32
        %mul3A_409 = arith.muli %add3A_407, %mul3A_408 : i32
        %add3A_410 = arith.addi %mul3A_409, %add3A_361 : i32
        %add3A_411 = arith.constant 1 : i32
        %add3A_412 = arith.addi %add3A_410, %add3A_411 : i32
        %dma_wait3A_413 = arith.constant 0 : i32
        %dma_wait3A_414 = arith.constant 0 : i32
        %dma_wait3A_415 = tpu.memref_slice %arg10[%dma_wait3A_413, %dma_wait3A_414] : memref<2x384xi32, #tpu.memory_space<vmem>> -> memref<1x384xi32, #tpu.memory_space<vmem>>
        %dma_wait3A_416 = tpu.memref_squeeze %dma_wait3A_415 : memref<1x384xi32, #tpu.memory_space<vmem>> -> memref<384xi32, #tpu.memory_space<vmem>>
        %dma_wait3A_417 = arith.constant 0 : i32
        %dma_wait3A_418 = tpu.memref_slice %arg3[%add3A_412, %dma_wait3A_417] : memref<4224x384xi32, #tpu.memory_space<hbm>> -> memref<1x384xi32, #tpu.memory_space<hbm>>
        %dma_wait3A_419 = tpu.memref_squeeze %dma_wait3A_418 : memref<1x384xi32, #tpu.memory_space<hbm>> -> memref<384xi32, #tpu.memory_space<hbm>>
        %dma_wait3A_420 = arith.constant 0 : i32
        %dma_wait3A_421 = tpu.memref_slice %arg10[%dma_wait3A_413, %dma_wait3A_420] : memref<2x384xi32, #tpu.memory_space<vmem>> -> memref<1x384xi32, #tpu.memory_space<vmem>>
        %dma_wait3A_422 = tpu.memref_squeeze %dma_wait3A_421 : memref<1x384xi32, #tpu.memory_space<vmem>> -> memref<384xi32, #tpu.memory_space<vmem>>
        %dma_wait3A_423 = arith.constant 0 : i32
        %dma_wait3A_424 = tpu.memref_slice %arg3[%add3A_412, %dma_wait3A_423] : memref<4224x384xi32, #tpu.memory_space<hbm>> -> memref<1x384xi32, #tpu.memory_space<hbm>>
        %dma_wait3A_425 = tpu.memref_squeeze %dma_wait3A_424 : memref<1x384xi32, #tpu.memory_space<hbm>> -> memref<384xi32, #tpu.memory_space<hbm>>
        tpu.wait_dma2 semaphore(%arg16 : memref<!tpu.dma_semaphore, #tpu.memory_space<semaphore_mem>>) src(%dma_wait3A_425 : memref<384xi32, #tpu.memory_space<hbm>>) dst(%dma_wait3A_422 : memref<384xi32, #tpu.memory_space<vmem>>)
        %mul3A_426 = arith.constant 132 : i32
        %mul3A_427 = arith.muli %arg1, %mul3A_426 : i32
        %add3A_428 = arith.addi %mul3A_427, %add3A_361 : i32
        %add3A_429 = arith.constant 1 : i32
        %add3A_430 = arith.addi %add3A_428, %add3A_429 : i32
        %dma_wait3A_431 = arith.constant 0 : i32
        %dma_wait3A_432 = arith.constant 0 : i32
        %dma_wait3A_433 = arith.constant 0 : i32
        %dma_wait3A_434 = tpu.memref_slice %arg11[%dma_wait3A_431, %dma_wait3A_432, %dma_wait3A_433] : memref<2x3x128xi32, #tpu.memory_space<vmem>> -> memref<1x3x128xi32, #tpu.memory_space<vmem>>
        %dma_wait3A_435 = tpu.memref_squeeze %dma_wait3A_434 : memref<1x3x128xi32, #tpu.memory_space<vmem>> -> memref<3x128xi32, #tpu.memory_space<vmem>>
        %dma_wait3A_436 = arith.constant 0 : i32
        %dma_wait3A_437 = arith.constant 0 : i32
        %dma_wait3A_438 = tpu.memref_slice %arg5[%add3A_430, %dma_wait3A_436, %dma_wait3A_437] : memref<2112x3x128xi32, #tpu.memory_space<hbm>> -> memref<1x3x128xi32, #tpu.memory_space<hbm>>
        %dma_wait3A_439 = tpu.memref_squeeze %dma_wait3A_438 : memref<1x3x128xi32, #tpu.memory_space<hbm>> -> memref<3x128xi32, #tpu.memory_space<hbm>>
        %dma_wait3A_440 = arith.constant 0 : i32
        %dma_wait3A_441 = arith.constant 0 : i32
        %dma_wait3A_442 = tpu.memref_slice %arg11[%dma_wait3A_431, %dma_wait3A_440, %dma_wait3A_441] : memref<2x3x128xi32, #tpu.memory_space<vmem>> -> memref<1x3x128xi32, #tpu.memory_space<vmem>>
        %dma_wait3A_443 = tpu.memref_squeeze %dma_wait3A_442 : memref<1x3x128xi32, #tpu.memory_space<vmem>> -> memref<3x128xi32, #tpu.memory_space<vmem>>
        %dma_wait3A_444 = arith.constant 0 : i32
        %dma_wait3A_445 = arith.constant 0 : i32
        %dma_wait3A_446 = tpu.memref_slice %arg5[%add3A_430, %dma_wait3A_444, %dma_wait3A_445] : memref<2112x3x128xi32, #tpu.memory_space<hbm>> -> memref<1x3x128xi32, #tpu.memory_space<hbm>>
        %dma_wait3A_447 = tpu.memref_squeeze %dma_wait3A_446 : memref<1x3x128xi32, #tpu.memory_space<hbm>> -> memref<3x128xi32, #tpu.memory_space<hbm>>
        tpu.wait_dma2 semaphore(%arg16 : memref<!tpu.dma_semaphore, #tpu.memory_space<semaphore_mem>>) src(%dma_wait3A_447 : memref<3x128xi32, #tpu.memory_space<hbm>>) dst(%dma_wait3A_443 : memref<3x128xi32, #tpu.memory_space<vmem>>)
      } else {
      }
    }
    %scan3A_12 = arith.constant 66 : i32
    %dma_start3A = arith.constant 1 : i32
    %dma_start3A_13 = arith.constant 1 : i32
    %dma_start3A_14 = arith.constant 0 : i32
    %dma_start3A_15 = arith.constant 0 : i32
    %dma_start3A_16 = arith.constant 0 : i32
    %dma_start3A_17 = tpu.memref_slice %arg12[%dma_start3A, %dma_start3A_15, %dma_start3A_16] : memref<2x384x32xf32, #tpu.memory_space<vmem>> -> memref<1x128x32xf32, #tpu.memory_space<vmem>>
    %dma_start3A_18 = tpu.memref_squeeze %dma_start3A_17 : memref<1x128x32xf32, #tpu.memory_space<vmem>> -> memref<128x32xf32, #tpu.memory_space<vmem>>
    %dma_start3A_19 = arith.constant 0 : i32
    %dma_start3A_20 = tpu.memref_slice %arg11[%dma_start3A_13, %dma_start3A_14, %dma_start3A_19] : memref<2x3x128xi32, #tpu.memory_space<vmem>> -> memref<1x1x128xi32, #tpu.memory_space<vmem>>
    %dma_start3A_21 = tpu.memref_squeeze %dma_start3A_20 : memref<1x1x128xi32, #tpu.memory_space<vmem>> -> memref<128xi32, #tpu.memory_space<vmem>>
    %dma_start3A_22 = arith.constant 0 : i32
    %dma_start3A_23 = arith.constant 0 : i32
    %dma_start3A_24 = tpu.memref_slice %arg13[%dma_start3A_22, %dma_start3A_23] : memref<50048x32xf32, #tpu.memory_space<vmem_shared>> -> memref<50048x32xf32, #tpu.memory_space<vmem_shared>>
    tpu.enqueue_indirect_dma source(%dma_start3A_18 : memref<128x32xf32, #tpu.memory_space<vmem>>) target(%dma_start3A_24 : memref<50048x32xf32, #tpu.memory_space<vmem_shared>>) offsets(%dma_start3A_21 : memref<128xi32, #tpu.memory_space<vmem>>) semaphore(%arg15 : memref<!tpu.dma_semaphore, #tpu.memory_space<semaphore_mem>>) {add = true}
    %dma_start3A_25 = arith.constant 1 : i32
    %dma_start3A_26 = arith.constant 1 : i32
    %dma_start3A_27 = arith.constant 1 : i32
    %dma_start3A_28 = arith.constant 128 : i32
    %dma_start3A_29 = arith.constant 0 : i32
    %dma_start3A_30 = tpu.memref_slice %arg12[%dma_start3A_25, %dma_start3A_28, %dma_start3A_29] : memref<2x384x32xf32, #tpu.memory_space<vmem>> -> memref<1x128x32xf32, #tpu.memory_space<vmem>>
    %dma_start3A_31 = tpu.memref_squeeze %dma_start3A_30 : memref<1x128x32xf32, #tpu.memory_space<vmem>> -> memref<128x32xf32, #tpu.memory_space<vmem>>
    %dma_start3A_32 = arith.constant 0 : i32
    %dma_start3A_33 = tpu.memref_slice %arg11[%dma_start3A_26, %dma_start3A_27, %dma_start3A_32] : memref<2x3x128xi32, #tpu.memory_space<vmem>> -> memref<1x1x128xi32, #tpu.memory_space<vmem>>
    %dma_start3A_34 = tpu.memref_squeeze %dma_start3A_33 : memref<1x1x128xi32, #tpu.memory_space<vmem>> -> memref<128xi32, #tpu.memory_space<vmem>>
    %dma_start3A_35 = arith.constant 0 : i32
    %dma_start3A_36 = arith.constant 0 : i32
    %dma_start3A_37 = tpu.memref_slice %arg13[%dma_start3A_35, %dma_start3A_36] : memref<50048x32xf32, #tpu.memory_space<vmem_shared>> -> memref<50048x32xf32, #tpu.memory_space<vmem_shared>>
    tpu.enqueue_indirect_dma source(%dma_start3A_31 : memref<128x32xf32, #tpu.memory_space<vmem>>) target(%dma_start3A_37 : memref<50048x32xf32, #tpu.memory_space<vmem_shared>>) offsets(%dma_start3A_34 : memref<128xi32, #tpu.memory_space<vmem>>) semaphore(%arg15 : memref<!tpu.dma_semaphore, #tpu.memory_space<semaphore_mem>>) {add = true}
    %dma_start3A_38 = arith.constant 1 : i32
    %dma_start3A_39 = arith.constant 1 : i32
    %dma_start3A_40 = arith.constant 2 : i32
    %dma_start3A_41 = arith.constant 256 : i32
    %dma_start3A_42 = arith.constant 0 : i32
    %dma_start3A_43 = tpu.memref_slice %arg12[%dma_start3A_38, %dma_start3A_41, %dma_start3A_42] : memref<2x384x32xf32, #tpu.memory_space<vmem>> -> memref<1x128x32xf32, #tpu.memory_space<vmem>>
    %dma_start3A_44 = tpu.memref_squeeze %dma_start3A_43 : memref<1x128x32xf32, #tpu.memory_space<vmem>> -> memref<128x32xf32, #tpu.memory_space<vmem>>
    %dma_start3A_45 = arith.constant 0 : i32
    %dma_start3A_46 = tpu.memref_slice %arg11[%dma_start3A_39, %dma_start3A_40, %dma_start3A_45] : memref<2x3x128xi32, #tpu.memory_space<vmem>> -> memref<1x1x128xi32, #tpu.memory_space<vmem>>
    %dma_start3A_47 = tpu.memref_squeeze %dma_start3A_46 : memref<1x1x128xi32, #tpu.memory_space<vmem>> -> memref<128xi32, #tpu.memory_space<vmem>>
    %dma_start3A_48 = arith.constant 0 : i32
    %dma_start3A_49 = arith.constant 0 : i32
    %dma_start3A_50 = tpu.memref_slice %arg13[%dma_start3A_48, %dma_start3A_49] : memref<50048x32xf32, #tpu.memory_space<vmem_shared>> -> memref<50048x32xf32, #tpu.memory_space<vmem_shared>>
    tpu.enqueue_indirect_dma source(%dma_start3A_44 : memref<128x32xf32, #tpu.memory_space<vmem>>) target(%dma_start3A_50 : memref<50048x32xf32, #tpu.memory_space<vmem_shared>>) offsets(%dma_start3A_47 : memref<128xi32, #tpu.memory_space<vmem>>) semaphore(%arg15 : memref<!tpu.dma_semaphore, #tpu.memory_space<semaphore_mem>>) {add = true}
    %dma_wait3A = arith.constant 1 : i32
    %dma_wait3A_51 = arith.constant 1 : i32
    %dma_wait3A_52 = arith.constant 0 : i32
    %dma_wait3A_53 = arith.constant 0 : i32
    %dma_wait3A_54 = arith.constant 0 : i32
    %dma_wait3A_55 = tpu.memref_slice %arg12[%dma_wait3A, %dma_wait3A_53, %dma_wait3A_54] : memref<2x384x32xf32, #tpu.memory_space<vmem>> -> memref<1x128x32xf32, #tpu.memory_space<vmem>>
    %dma_wait3A_56 = tpu.memref_squeeze %dma_wait3A_55 : memref<1x128x32xf32, #tpu.memory_space<vmem>> -> memref<128x32xf32, #tpu.memory_space<vmem>>
    %dma_wait3A_57 = arith.constant 0 : i32
    %dma_wait3A_58 = tpu.memref_slice %arg11[%dma_wait3A_51, %dma_wait3A_52, %dma_wait3A_57] : memref<2x3x128xi32, #tpu.memory_space<vmem>> -> memref<1x1x128xi32, #tpu.memory_space<vmem>>
    %dma_wait3A_59 = tpu.memref_squeeze %dma_wait3A_58 : memref<1x1x128xi32, #tpu.memory_space<vmem>> -> memref<128xi32, #tpu.memory_space<vmem>>
    %dma_wait3A_60 = arith.constant 0 : i32
    %dma_wait3A_61 = arith.constant 0 : i32
    %dma_wait3A_62 = tpu.memref_slice %arg13[%dma_wait3A_60, %dma_wait3A_61] : memref<50048x32xf32, #tpu.memory_space<vmem_shared>> -> memref<50048x32xf32, #tpu.memory_space<vmem_shared>>
    tpu.wait_indirect_dma semaphore(%arg15 : memref<!tpu.dma_semaphore, #tpu.memory_space<semaphore_mem>>) src(%dma_wait3A_56 : memref<128x32xf32, #tpu.memory_space<vmem>>) dst(%dma_wait3A_62 : memref<50048x32xf32, #tpu.memory_space<vmem_shared>>)
    %dma_wait3A_63 = arith.constant 1 : i32
    %dma_wait3A_64 = arith.constant 1 : i32
    %dma_wait3A_65 = arith.constant 1 : i32
    %dma_wait3A_66 = arith.constant 128 : i32
    %dma_wait3A_67 = arith.constant 0 : i32
    %dma_wait3A_68 = tpu.memref_slice %arg12[%dma_wait3A_63, %dma_wait3A_66, %dma_wait3A_67] : memref<2x384x32xf32, #tpu.memory_space<vmem>> -> memref<1x128x32xf32, #tpu.memory_space<vmem>>
    %dma_wait3A_69 = tpu.memref_squeeze %dma_wait3A_68 : memref<1x128x32xf32, #tpu.memory_space<vmem>> -> memref<128x32xf32, #tpu.memory_space<vmem>>
    %dma_wait3A_70 = arith.constant 0 : i32
    %dma_wait3A_71 = tpu.memref_slice %arg11[%dma_wait3A_64, %dma_wait3A_65, %dma_wait3A_70] : memref<2x3x128xi32, #tpu.memory_space<vmem>> -> memref<1x1x128xi32, #tpu.memory_space<vmem>>
    %dma_wait3A_72 = tpu.memref_squeeze %dma_wait3A_71 : memref<1x1x128xi32, #tpu.memory_space<vmem>> -> memref<128xi32, #tpu.memory_space<vmem>>
    %dma_wait3A_73 = arith.constant 0 : i32
    %dma_wait3A_74 = arith.constant 0 : i32
    %dma_wait3A_75 = tpu.memref_slice %arg13[%dma_wait3A_73, %dma_wait3A_74] : memref<50048x32xf32, #tpu.memory_space<vmem_shared>> -> memref<50048x32xf32, #tpu.memory_space<vmem_shared>>
    tpu.wait_indirect_dma semaphore(%arg15 : memref<!tpu.dma_semaphore, #tpu.memory_space<semaphore_mem>>) src(%dma_wait3A_69 : memref<128x32xf32, #tpu.memory_space<vmem>>) dst(%dma_wait3A_75 : memref<50048x32xf32, #tpu.memory_space<vmem_shared>>)
    %dma_wait3A_76 = arith.constant 1 : i32
    %dma_wait3A_77 = arith.constant 1 : i32
    %dma_wait3A_78 = arith.constant 2 : i32
    %dma_wait3A_79 = arith.constant 256 : i32
    %dma_wait3A_80 = arith.constant 0 : i32
    %dma_wait3A_81 = tpu.memref_slice %arg12[%dma_wait3A_76, %dma_wait3A_79, %dma_wait3A_80] : memref<2x384x32xf32, #tpu.memory_space<vmem>> -> memref<1x128x32xf32, #tpu.memory_space<vmem>>
    %dma_wait3A_82 = tpu.memref_squeeze %dma_wait3A_81 : memref<1x128x32xf32, #tpu.memory_space<vmem>> -> memref<128x32xf32, #tpu.memory_space<vmem>>
    %dma_wait3A_83 = arith.constant 0 : i32
    %dma_wait3A_84 = tpu.memref_slice %arg11[%dma_wait3A_77, %dma_wait3A_78, %dma_wait3A_83] : memref<2x3x128xi32, #tpu.memory_space<vmem>> -> memref<1x1x128xi32, #tpu.memory_space<vmem>>
    %dma_wait3A_85 = tpu.memref_squeeze %dma_wait3A_84 : memref<1x1x128xi32, #tpu.memory_space<vmem>> -> memref<128xi32, #tpu.memory_space<vmem>>
    %dma_wait3A_86 = arith.constant 0 : i32
    %dma_wait3A_87 = arith.constant 0 : i32
    %dma_wait3A_88 = tpu.memref_slice %arg13[%dma_wait3A_86, %dma_wait3A_87] : memref<50048x32xf32, #tpu.memory_space<vmem_shared>> -> memref<50048x32xf32, #tpu.memory_space<vmem_shared>>
    tpu.wait_indirect_dma semaphore(%arg15 : memref<!tpu.dma_semaphore, #tpu.memory_space<semaphore_mem>>) src(%dma_wait3A_82 : memref<128x32xf32, #tpu.memory_space<vmem>>) dst(%dma_wait3A_88 : memref<50048x32xf32, #tpu.memory_space<vmem_shared>>)
    %barrier3A_89 = arith.constant 0 : index
    tpu.barrier barrier_id(%barrier3A_89)
    %mul3A_90 = arith.constant 50048 : i32
    %mul3A_91 = arith.muli %arg0, %mul3A_90 : i32
    %add3A_92 = arith.addi %mul3A_91, %mul3A_0 : i32
    %dma_start3A_93 = arith.constant 0 : i32
    %dma_start3A_94 = tpu.memref_slice %arg7[%add3A_92, %dma_start3A_93] : memref<100096x32xf32, #tpu.memory_space<hbm>> -> memref<3128x32xf32, #tpu.memory_space<hbm>>
    %dma_start3A_95 = arith.constant 0 : i32
    %dma_start3A_96 = tpu.memref_slice %arg13[%mul3A_0, %dma_start3A_95] : memref<50048x32xf32, #tpu.memory_space<vmem_shared>> -> memref<3128x32xf32, #tpu.memory_space<vmem_shared>>
    tpu.enqueue_dma source(%dma_start3A_96 : memref<3128x32xf32, #tpu.memory_space<vmem_shared>>) target(%dma_start3A_94 : memref<3128x32xf32, #tpu.memory_space<hbm>>) target_semaphore(%arg17 : memref<!tpu.dma_semaphore, #tpu.memory_space<semaphore_mem>>)
    %dma_wait3A_97 = arith.constant 0 : i32
    %dma_wait3A_98 = tpu.memref_slice %arg7[%add3A_92, %dma_wait3A_97] : memref<100096x32xf32, #tpu.memory_space<hbm>> -> memref<3128x32xf32, #tpu.memory_space<hbm>>
    %dma_wait3A_99 = arith.constant 0 : i32
    %dma_wait3A_100 = tpu.memref_slice %arg13[%mul3A_0, %dma_wait3A_99] : memref<50048x32xf32, #tpu.memory_space<vmem_shared>> -> memref<3128x32xf32, #tpu.memory_space<vmem_shared>>
    tpu.wait_dma2 semaphore(%arg17 : memref<!tpu.dma_semaphore, #tpu.memory_space<semaphore_mem>>) src(%dma_wait3A_100 : memref<3128x32xf32, #tpu.memory_space<vmem_shared>>) dst(%dma_wait3A_98 : memref<3128x32xf32, #tpu.memory_space<hbm>>)
    "tpu.region"() ({
      %run_scoped3A_314 = tpu.sem_alloc : memref<!tpu.dma_semaphore, #tpu.memory_space<semaphore_mem>>
      %dma_start3A_315 = arith.constant 0 : i32
      %dma_start3A_316 = tpu.memref_slice %arg13[%mul3A_0, %dma_start3A_315] : memref<50048x32xf32, #tpu.memory_space<vmem_shared>> -> memref<3128x32xf32, #tpu.memory_space<vmem_shared>>
      tpu.enqueue_dma source(%arg6 : memref<3128x32xf32, #tpu.memory_space<hbm>>) target(%dma_start3A_316 : memref<3128x32xf32, #tpu.memory_space<vmem_shared>>) target_semaphore(%run_scoped3A_314 : memref<!tpu.dma_semaphore, #tpu.memory_space<semaphore_mem>>)
      %dma_wait3A_317 = arith.constant 0 : i32
      %dma_wait3A_318 = tpu.memref_slice %arg13[%mul3A_0, %dma_wait3A_317] : memref<50048x32xf32, #tpu.memory_space<vmem_shared>> -> memref<3128x32xf32, #tpu.memory_space<vmem_shared>>
      tpu.wait_dma2 semaphore(%run_scoped3A_314 : memref<!tpu.dma_semaphore, #tpu.memory_space<semaphore_mem>>) src(%arg6 : memref<3128x32xf32, #tpu.memory_space<hbm>>) dst(%dma_wait3A_318 : memref<3128x32xf32, #tpu.memory_space<vmem_shared>>)
      tpu.yield
    }) : () -> ()
    %barrier3A_101 = arith.constant 0 : index
    tpu.barrier barrier_id(%barrier3A_101)
    %mul3A_102 = arith.constant 16 : i32
    %mul3A_103 = arith.muli %arg0, %mul3A_102 : i32
    %add3A_104 = arith.addi %mul3A_103, %arg1 : i32
    %mul3A_105 = arith.constant 132 : i32
    %mul3A_106 = arith.muli %add3A_104, %mul3A_105 : i32
    %run_scoped3A_107 = arith.constant 0 : i32
    "tpu.region"() ({
      %run_scoped3A_314 = tpu.sem_alloc : memref<!tpu.dma_semaphore, #tpu.memory_space<semaphore_mem>>
      %dma_start3A_315 = arith.constant 0 : i32
      %dma_start3A_316 = tpu.memref_slice %arg10[%run_scoped3A_107, %dma_start3A_315] : memref<2x384xi32, #tpu.memory_space<vmem>> -> memref<1x384xi32, #tpu.memory_space<vmem>>
      %dma_start3A_317 = tpu.memref_squeeze %dma_start3A_316 : memref<1x384xi32, #tpu.memory_space<vmem>> -> memref<384xi32, #tpu.memory_space<vmem>>
      %dma_start3A_318 = arith.constant 0 : i32
      %dma_start3A_319 = tpu.memref_slice %arg4[%mul3A_106, %dma_start3A_318] : memref<4224x384xi32, #tpu.memory_space<hbm>> -> memref<1x384xi32, #tpu.memory_space<hbm>>
      %dma_start3A_320 = tpu.memref_squeeze %dma_start3A_319 : memref<1x384xi32, #tpu.memory_space<hbm>> -> memref<384xi32, #tpu.memory_space<hbm>>
      %dma_start3A_321 = arith.constant 0 : i32
      %dma_start3A_322 = tpu.memref_slice %arg10[%run_scoped3A_107, %dma_start3A_321] : memref<2x384xi32, #tpu.memory_space<vmem>> -> memref<1x384xi32, #tpu.memory_space<vmem>>
      %dma_start3A_323 = tpu.memref_squeeze %dma_start3A_322 : memref<1x384xi32, #tpu.memory_space<vmem>> -> memref<384xi32, #tpu.memory_space<vmem>>
      %dma_start3A_324 = arith.constant 0 : i32
      %dma_start3A_325 = tpu.memref_slice %arg4[%mul3A_106, %dma_start3A_324] : memref<4224x384xi32, #tpu.memory_space<hbm>> -> memref<1x384xi32, #tpu.memory_space<hbm>>
      %dma_start3A_326 = tpu.memref_squeeze %dma_start3A_325 : memref<1x384xi32, #tpu.memory_space<hbm>> -> memref<384xi32, #tpu.memory_space<hbm>>
      tpu.enqueue_dma source(%dma_start3A_326 : memref<384xi32, #tpu.memory_space<hbm>>) target(%dma_start3A_323 : memref<384xi32, #tpu.memory_space<vmem>>) target_semaphore(%run_scoped3A_314 : memref<!tpu.dma_semaphore, #tpu.memory_space<semaphore_mem>>)
      %dma_wait3A_327 = arith.constant 0 : i32
      %dma_wait3A_328 = tpu.memref_slice %arg10[%run_scoped3A_107, %dma_wait3A_327] : memref<2x384xi32, #tpu.memory_space<vmem>> -> memref<1x384xi32, #tpu.memory_space<vmem>>
      %dma_wait3A_329 = tpu.memref_squeeze %dma_wait3A_328 : memref<1x384xi32, #tpu.memory_space<vmem>> -> memref<384xi32, #tpu.memory_space<vmem>>
      %dma_wait3A_330 = arith.constant 0 : i32
      %dma_wait3A_331 = tpu.memref_slice %arg4[%mul3A_106, %dma_wait3A_330] : memref<4224x384xi32, #tpu.memory_space<hbm>> -> memref<1x384xi32, #tpu.memory_space<hbm>>
      %dma_wait3A_332 = tpu.memref_squeeze %dma_wait3A_331 : memref<1x384xi32, #tpu.memory_space<hbm>> -> memref<384xi32, #tpu.memory_space<hbm>>
      %dma_wait3A_333 = arith.constant 0 : i32
      %dma_wait3A_334 = tpu.memref_slice %arg10[%run_scoped3A_107, %dma_wait3A_333] : memref<2x384xi32, #tpu.memory_space<vmem>> -> memref<1x384xi32, #tpu.memory_space<vmem>>
      %dma_wait3A_335 = tpu.memref_squeeze %dma_wait3A_334 : memref<1x384xi32, #tpu.memory_space<vmem>> -> memref<384xi32, #tpu.memory_space<vmem>>
      %dma_wait3A_336 = arith.constant 0 : i32
      %dma_wait3A_337 = tpu.memref_slice %arg4[%mul3A_106, %dma_wait3A_336] : memref<4224x384xi32, #tpu.memory_space<hbm>> -> memref<1x384xi32, #tpu.memory_space<hbm>>
      %dma_wait3A_338 = tpu.memref_squeeze %dma_wait3A_337 : memref<1x384xi32, #tpu.memory_space<hbm>> -> memref<384xi32, #tpu.memory_space<hbm>>
      tpu.wait_dma2 semaphore(%run_scoped3A_314 : memref<!tpu.dma_semaphore, #tpu.memory_space<semaphore_mem>>) src(%dma_wait3A_338 : memref<384xi32, #tpu.memory_space<hbm>>) dst(%dma_wait3A_335 : memref<384xi32, #tpu.memory_space<vmem>>)
      tpu.yield
    }) : () -> ()
    %mul3A_108 = arith.constant 132 : i32
    %mul3A_109 = arith.muli %arg1, %mul3A_108 : i32
    %run_scoped3A_110 = arith.constant 0 : i32
    "tpu.region"() ({
      %run_scoped3A_314 = tpu.sem_alloc : memref<!tpu.dma_semaphore, #tpu.memory_space<semaphore_mem>>
      %dma_start3A_315 = arith.constant 0 : i32
      %dma_start3A_316 = arith.constant 0 : i32
      %dma_start3A_317 = tpu.memref_slice %arg11[%run_scoped3A_110, %dma_start3A_315, %dma_start3A_316] : memref<2x3x128xi32, #tpu.memory_space<vmem>> -> memref<1x3x128xi32, #tpu.memory_space<vmem>>
      %dma_start3A_318 = tpu.memref_squeeze %dma_start3A_317 : memref<1x3x128xi32, #tpu.memory_space<vmem>> -> memref<3x128xi32, #tpu.memory_space<vmem>>
      %dma_start3A_319 = arith.constant 0 : i32
      %dma_start3A_320 = arith.constant 0 : i32
      %dma_start3A_321 = tpu.memref_slice %arg5[%mul3A_109, %dma_start3A_319, %dma_start3A_320] : memref<2112x3x128xi32, #tpu.memory_space<hbm>> -> memref<1x3x128xi32, #tpu.memory_space<hbm>>
      %dma_start3A_322 = tpu.memref_squeeze %dma_start3A_321 : memref<1x3x128xi32, #tpu.memory_space<hbm>> -> memref<3x128xi32, #tpu.memory_space<hbm>>
      %dma_start3A_323 = arith.constant 0 : i32
      %dma_start3A_324 = arith.constant 0 : i32
      %dma_start3A_325 = tpu.memref_slice %arg11[%run_scoped3A_110, %dma_start3A_323, %dma_start3A_324] : memref<2x3x128xi32, #tpu.memory_space<vmem>> -> memref<1x3x128xi32, #tpu.memory_space<vmem>>
      %dma_start3A_326 = tpu.memref_squeeze %dma_start3A_325 : memref<1x3x128xi32, #tpu.memory_space<vmem>> -> memref<3x128xi32, #tpu.memory_space<vmem>>
      %dma_start3A_327 = arith.constant 0 : i32
      %dma_start3A_328 = arith.constant 0 : i32
      %dma_start3A_329 = tpu.memref_slice %arg5[%mul3A_109, %dma_start3A_327, %dma_start3A_328] : memref<2112x3x128xi32, #tpu.memory_space<hbm>> -> memref<1x3x128xi32, #tpu.memory_space<hbm>>
      %dma_start3A_330 = tpu.memref_squeeze %dma_start3A_329 : memref<1x3x128xi32, #tpu.memory_space<hbm>> -> memref<3x128xi32, #tpu.memory_space<hbm>>
      tpu.enqueue_dma source(%dma_start3A_330 : memref<3x128xi32, #tpu.memory_space<hbm>>) target(%dma_start3A_326 : memref<3x128xi32, #tpu.memory_space<vmem>>) target_semaphore(%run_scoped3A_314 : memref<!tpu.dma_semaphore, #tpu.memory_space<semaphore_mem>>)
      %dma_wait3A_331 = arith.constant 0 : i32
      %dma_wait3A_332 = arith.constant 0 : i32
      %dma_wait3A_333 = tpu.memref_slice %arg11[%run_scoped3A_110, %dma_wait3A_331, %dma_wait3A_332] : memref<2x3x128xi32, #tpu.memory_space<vmem>> -> memref<1x3x128xi32, #tpu.memory_space<vmem>>
      %dma_wait3A_334 = tpu.memref_squeeze %dma_wait3A_333 : memref<1x3x128xi32, #tpu.memory_space<vmem>> -> memref<3x128xi32, #tpu.memory_space<vmem>>
      %dma_wait3A_335 = arith.constant 0 : i32
      %dma_wait3A_336 = arith.constant 0 : i32
      %dma_wait3A_337 = tpu.memref_slice %arg5[%mul3A_109, %dma_wait3A_335, %dma_wait3A_336] : memref<2112x3x128xi32, #tpu.memory_space<hbm>> -> memref<1x3x128xi32, #tpu.memory_space<hbm>>
      %dma_wait3A_338 = tpu.memref_squeeze %dma_wait3A_337 : memref<1x3x128xi32, #tpu.memory_space<hbm>> -> memref<3x128xi32, #tpu.memory_space<hbm>>
      %dma_wait3A_339 = arith.constant 0 : i32
      %dma_wait3A_340 = arith.constant 0 : i32
      %dma_wait3A_341 = tpu.memref_slice %arg11[%run_scoped3A_110, %dma_wait3A_339, %dma_wait3A_340] : memref<2x3x128xi32, #tpu.memory_space<vmem>> -> memref<1x3x128xi32, #tpu.memory_space<vmem>>
      %dma_wait3A_342 = tpu.memref_squeeze %dma_wait3A_341 : memref<1x3x128xi32, #tpu.memory_space<vmem>> -> memref<3x128xi32, #tpu.memory_space<vmem>>
      %dma_wait3A_343 = arith.constant 0 : i32
      %dma_wait3A_344 = arith.constant 0 : i32
      %dma_wait3A_345 = tpu.memref_slice %arg5[%mul3A_109, %dma_wait3A_343, %dma_wait3A_344] : memref<2112x3x128xi32, #tpu.memory_space<hbm>> -> memref<1x3x128xi32, #tpu.memory_space<hbm>>
      %dma_wait3A_346 = tpu.memref_squeeze %dma_wait3A_345 : memref<1x3x128xi32, #tpu.memory_space<hbm>> -> memref<3x128xi32, #tpu.memory_space<hbm>>
      tpu.wait_dma2 semaphore(%run_scoped3A_314 : memref<!tpu.dma_semaphore, #tpu.memory_space<semaphore_mem>>) src(%dma_wait3A_346 : memref<3x128xi32, #tpu.memory_space<hbm>>) dst(%dma_wait3A_342 : memref<3x128xi32, #tpu.memory_space<vmem>>)
      tpu.yield
    }) : () -> ()
    %scan3A_111 = arith.constant 0 : i32
    %scan3A_112 = arith.constant 0 : i32
    %scan3A_113 = arith.constant 66 : i32
    %scan3A_114 = arith.addi %scan3A_112, %scan3A_113 : i32
    %scan3A_115 = arith.constant 1 : i32
    scf.for %scan3A_314 = %scan3A_112 to %scan3A_114 step %scan3A_115  : i32 {
      %mul3A_315 = arith.constant 2 : i32
      %mul3A_316 = arith.muli %mul3A_315, %scan3A_314 : i32
      %add3A_317 = arith.constant 0 : i32
      %add3A_318 = arith.addi %mul3A_316, %add3A_317 : i32
      %dma_start3A_319 = arith.constant 0 : i32
      %dma_start3A_320 = arith.constant 0 : i32
      %dma_start3A_321 = arith.constant 0 : i32
      %dma_start3A_322 = arith.constant 0 : i32
      %dma_start3A_323 = tpu.memref_slice %arg12[%dma_start3A_320, %dma_start3A_321, %dma_start3A_322] : memref<2x384x32xf32, #tpu.memory_space<vmem>> -> memref<1x384x32xf32, #tpu.memory_space<vmem>>
      %dma_start3A_324 = tpu.memref_squeeze %dma_start3A_323 : memref<1x384x32xf32, #tpu.memory_space<vmem>> -> memref<384x32xf32, #tpu.memory_space<vmem>>
      %dma_start3A_325 = arith.constant 0 : i32
      %dma_start3A_326 = tpu.memref_slice %arg10[%dma_start3A_319, %dma_start3A_325] : memref<2x384xi32, #tpu.memory_space<vmem>> -> memref<1x384xi32, #tpu.memory_space<vmem>>
      %dma_start3A_327 = tpu.memref_squeeze %dma_start3A_326 : memref<1x384xi32, #tpu.memory_space<vmem>> -> memref<384xi32, #tpu.memory_space<vmem>>
      %dma_start3A_328 = arith.constant 0 : i32
      %dma_start3A_329 = arith.constant 0 : i32
      %dma_start3A_330 = tpu.memref_slice %arg7[%dma_start3A_328, %dma_start3A_329] : memref<100096x32xf32, #tpu.memory_space<hbm>> -> memref<100096x32xf32, #tpu.memory_space<hbm>>
      tpu.enqueue_indirect_dma source(%dma_start3A_330 : memref<100096x32xf32, #tpu.memory_space<hbm>>) target(%dma_start3A_324 : memref<384x32xf32, #tpu.memory_space<vmem>>) offsets(%dma_start3A_327 : memref<384xi32, #tpu.memory_space<vmem>>) semaphore(%arg14 : memref<!tpu.dma_semaphore, #tpu.memory_space<semaphore_mem>>)
      %gt3A = arith.constant 0 : i32
      %gt3A_331 = arith.cmpi sgt, %add3A_318, %gt3A : i32
      %convert_element_type3A = arith.extui %gt3A_331 : i1 to i32
      %cond3A = arith.constant 0 : i32
      %cond3A_332 = arith.cmpi ne, %convert_element_type3A, %cond3A : i32
      scf.if %cond3A_332 {
        %dma_start3A_405 = arith.constant 1 : i32
        %dma_start3A_406 = arith.constant 1 : i32
        %dma_start3A_407 = arith.constant 0 : i32
        %dma_start3A_408 = arith.constant 0 : i32
        %dma_start3A_409 = arith.constant 0 : i32
        %dma_start3A_410 = tpu.memref_slice %arg12[%dma_start3A_405, %dma_start3A_408, %dma_start3A_409] : memref<2x384x32xf32, #tpu.memory_space<vmem>> -> memref<1x128x32xf32, #tpu.memory_space<vmem>>
        %dma_start3A_411 = tpu.memref_squeeze %dma_start3A_410 : memref<1x128x32xf32, #tpu.memory_space<vmem>> -> memref<128x32xf32, #tpu.memory_space<vmem>>
        %dma_start3A_412 = arith.constant 0 : i32
        %dma_start3A_413 = tpu.memref_slice %arg11[%dma_start3A_406, %dma_start3A_407, %dma_start3A_412] : memref<2x3x128xi32, #tpu.memory_space<vmem>> -> memref<1x1x128xi32, #tpu.memory_space<vmem>>
        %dma_start3A_414 = tpu.memref_squeeze %dma_start3A_413 : memref<1x1x128xi32, #tpu.memory_space<vmem>> -> memref<128xi32, #tpu.memory_space<vmem>>
        %dma_start3A_415 = arith.constant 0 : i32
        %dma_start3A_416 = arith.constant 0 : i32
        %dma_start3A_417 = tpu.memref_slice %arg13[%dma_start3A_415, %dma_start3A_416] : memref<50048x32xf32, #tpu.memory_space<vmem_shared>> -> memref<50048x32xf32, #tpu.memory_space<vmem_shared>>
        tpu.enqueue_indirect_dma source(%dma_start3A_411 : memref<128x32xf32, #tpu.memory_space<vmem>>) target(%dma_start3A_417 : memref<50048x32xf32, #tpu.memory_space<vmem_shared>>) offsets(%dma_start3A_414 : memref<128xi32, #tpu.memory_space<vmem>>) semaphore(%arg15 : memref<!tpu.dma_semaphore, #tpu.memory_space<semaphore_mem>>) {add = true}
        %dma_start3A_418 = arith.constant 1 : i32
        %dma_start3A_419 = arith.constant 1 : i32
        %dma_start3A_420 = arith.constant 1 : i32
        %dma_start3A_421 = arith.constant 128 : i32
        %dma_start3A_422 = arith.constant 0 : i32
        %dma_start3A_423 = tpu.memref_slice %arg12[%dma_start3A_418, %dma_start3A_421, %dma_start3A_422] : memref<2x384x32xf32, #tpu.memory_space<vmem>> -> memref<1x128x32xf32, #tpu.memory_space<vmem>>
        %dma_start3A_424 = tpu.memref_squeeze %dma_start3A_423 : memref<1x128x32xf32, #tpu.memory_space<vmem>> -> memref<128x32xf32, #tpu.memory_space<vmem>>
        %dma_start3A_425 = arith.constant 0 : i32
        %dma_start3A_426 = tpu.memref_slice %arg11[%dma_start3A_419, %dma_start3A_420, %dma_start3A_425] : memref<2x3x128xi32, #tpu.memory_space<vmem>> -> memref<1x1x128xi32, #tpu.memory_space<vmem>>
        %dma_start3A_427 = tpu.memref_squeeze %dma_start3A_426 : memref<1x1x128xi32, #tpu.memory_space<vmem>> -> memref<128xi32, #tpu.memory_space<vmem>>
        %dma_start3A_428 = arith.constant 0 : i32
        %dma_start3A_429 = arith.constant 0 : i32
        %dma_start3A_430 = tpu.memref_slice %arg13[%dma_start3A_428, %dma_start3A_429] : memref<50048x32xf32, #tpu.memory_space<vmem_shared>> -> memref<50048x32xf32, #tpu.memory_space<vmem_shared>>
        tpu.enqueue_indirect_dma source(%dma_start3A_424 : memref<128x32xf32, #tpu.memory_space<vmem>>) target(%dma_start3A_430 : memref<50048x32xf32, #tpu.memory_space<vmem_shared>>) offsets(%dma_start3A_427 : memref<128xi32, #tpu.memory_space<vmem>>) semaphore(%arg15 : memref<!tpu.dma_semaphore, #tpu.memory_space<semaphore_mem>>) {add = true}
        %dma_start3A_431 = arith.constant 1 : i32
        %dma_start3A_432 = arith.constant 1 : i32
        %dma_start3A_433 = arith.constant 2 : i32
        %dma_start3A_434 = arith.constant 256 : i32
        %dma_start3A_435 = arith.constant 0 : i32
        %dma_start3A_436 = tpu.memref_slice %arg12[%dma_start3A_431, %dma_start3A_434, %dma_start3A_435] : memref<2x384x32xf32, #tpu.memory_space<vmem>> -> memref<1x128x32xf32, #tpu.memory_space<vmem>>
        %dma_start3A_437 = tpu.memref_squeeze %dma_start3A_436 : memref<1x128x32xf32, #tpu.memory_space<vmem>> -> memref<128x32xf32, #tpu.memory_space<vmem>>
        %dma_start3A_438 = arith.constant 0 : i32
        %dma_start3A_439 = tpu.memref_slice %arg11[%dma_start3A_432, %dma_start3A_433, %dma_start3A_438] : memref<2x3x128xi32, #tpu.memory_space<vmem>> -> memref<1x1x128xi32, #tpu.memory_space<vmem>>
        %dma_start3A_440 = tpu.memref_squeeze %dma_start3A_439 : memref<1x1x128xi32, #tpu.memory_space<vmem>> -> memref<128xi32, #tpu.memory_space<vmem>>
        %dma_start3A_441 = arith.constant 0 : i32
        %dma_start3A_442 = arith.constant 0 : i32
        %dma_start3A_443 = tpu.memref_slice %arg13[%dma_start3A_441, %dma_start3A_442] : memref<50048x32xf32, #tpu.memory_space<vmem_shared>> -> memref<50048x32xf32, #tpu.memory_space<vmem_shared>>
        tpu.enqueue_indirect_dma source(%dma_start3A_437 : memref<128x32xf32, #tpu.memory_space<vmem>>) target(%dma_start3A_443 : memref<50048x32xf32, #tpu.memory_space<vmem_shared>>) offsets(%dma_start3A_440 : memref<128xi32, #tpu.memory_space<vmem>>) semaphore(%arg15 : memref<!tpu.dma_semaphore, #tpu.memory_space<semaphore_mem>>) {add = true}
        %dma_wait3A_444 = arith.constant 1 : i32
        %dma_wait3A_445 = arith.constant 1 : i32
        %dma_wait3A_446 = arith.constant 0 : i32
        %dma_wait3A_447 = arith.constant 0 : i32
        %dma_wait3A_448 = arith.constant 0 : i32
        %dma_wait3A_449 = tpu.memref_slice %arg12[%dma_wait3A_444, %dma_wait3A_447, %dma_wait3A_448] : memref<2x384x32xf32, #tpu.memory_space<vmem>> -> memref<1x128x32xf32, #tpu.memory_space<vmem>>
        %dma_wait3A_450 = tpu.memref_squeeze %dma_wait3A_449 : memref<1x128x32xf32, #tpu.memory_space<vmem>> -> memref<128x32xf32, #tpu.memory_space<vmem>>
        %dma_wait3A_451 = arith.constant 0 : i32
        %dma_wait3A_452 = tpu.memref_slice %arg11[%dma_wait3A_445, %dma_wait3A_446, %dma_wait3A_451] : memref<2x3x128xi32, #tpu.memory_space<vmem>> -> memref<1x1x128xi32, #tpu.memory_space<vmem>>
        %dma_wait3A_453 = tpu.memref_squeeze %dma_wait3A_452 : memref<1x1x128xi32, #tpu.memory_space<vmem>> -> memref<128xi32, #tpu.memory_space<vmem>>
        %dma_wait3A_454 = arith.constant 0 : i32
        %dma_wait3A_455 = arith.constant 0 : i32
        %dma_wait3A_456 = tpu.memref_slice %arg13[%dma_wait3A_454, %dma_wait3A_455] : memref<50048x32xf32, #tpu.memory_space<vmem_shared>> -> memref<50048x32xf32, #tpu.memory_space<vmem_shared>>
        tpu.wait_indirect_dma semaphore(%arg15 : memref<!tpu.dma_semaphore, #tpu.memory_space<semaphore_mem>>) src(%dma_wait3A_450 : memref<128x32xf32, #tpu.memory_space<vmem>>) dst(%dma_wait3A_456 : memref<50048x32xf32, #tpu.memory_space<vmem_shared>>)
        %dma_wait3A_457 = arith.constant 1 : i32
        %dma_wait3A_458 = arith.constant 1 : i32
        %dma_wait3A_459 = arith.constant 1 : i32
        %dma_wait3A_460 = arith.constant 128 : i32
        %dma_wait3A_461 = arith.constant 0 : i32
        %dma_wait3A_462 = tpu.memref_slice %arg12[%dma_wait3A_457, %dma_wait3A_460, %dma_wait3A_461] : memref<2x384x32xf32, #tpu.memory_space<vmem>> -> memref<1x128x32xf32, #tpu.memory_space<vmem>>
        %dma_wait3A_463 = tpu.memref_squeeze %dma_wait3A_462 : memref<1x128x32xf32, #tpu.memory_space<vmem>> -> memref<128x32xf32, #tpu.memory_space<vmem>>
        %dma_wait3A_464 = arith.constant 0 : i32
        %dma_wait3A_465 = tpu.memref_slice %arg11[%dma_wait3A_458, %dma_wait3A_459, %dma_wait3A_464] : memref<2x3x128xi32, #tpu.memory_space<vmem>> -> memref<1x1x128xi32, #tpu.memory_space<vmem>>
        %dma_wait3A_466 = tpu.memref_squeeze %dma_wait3A_465 : memref<1x1x128xi32, #tpu.memory_space<vmem>> -> memref<128xi32, #tpu.memory_space<vmem>>
        %dma_wait3A_467 = arith.constant 0 : i32
        %dma_wait3A_468 = arith.constant 0 : i32
        %dma_wait3A_469 = tpu.memref_slice %arg13[%dma_wait3A_467, %dma_wait3A_468] : memref<50048x32xf32, #tpu.memory_space<vmem_shared>> -> memref<50048x32xf32, #tpu.memory_space<vmem_shared>>
        tpu.wait_indirect_dma semaphore(%arg15 : memref<!tpu.dma_semaphore, #tpu.memory_space<semaphore_mem>>) src(%dma_wait3A_463 : memref<128x32xf32, #tpu.memory_space<vmem>>) dst(%dma_wait3A_469 : memref<50048x32xf32, #tpu.memory_space<vmem_shared>>)
        %dma_wait3A_470 = arith.constant 1 : i32
        %dma_wait3A_471 = arith.constant 1 : i32
        %dma_wait3A_472 = arith.constant 2 : i32
        %dma_wait3A_473 = arith.constant 256 : i32
        %dma_wait3A_474 = arith.constant 0 : i32
        %dma_wait3A_475 = tpu.memref_slice %arg12[%dma_wait3A_470, %dma_wait3A_473, %dma_wait3A_474] : memref<2x384x32xf32, #tpu.memory_space<vmem>> -> memref<1x128x32xf32, #tpu.memory_space<vmem>>
        %dma_wait3A_476 = tpu.memref_squeeze %dma_wait3A_475 : memref<1x128x32xf32, #tpu.memory_space<vmem>> -> memref<128x32xf32, #tpu.memory_space<vmem>>
        %dma_wait3A_477 = arith.constant 0 : i32
        %dma_wait3A_478 = tpu.memref_slice %arg11[%dma_wait3A_471, %dma_wait3A_472, %dma_wait3A_477] : memref<2x3x128xi32, #tpu.memory_space<vmem>> -> memref<1x1x128xi32, #tpu.memory_space<vmem>>
        %dma_wait3A_479 = tpu.memref_squeeze %dma_wait3A_478 : memref<1x1x128xi32, #tpu.memory_space<vmem>> -> memref<128xi32, #tpu.memory_space<vmem>>
        %dma_wait3A_480 = arith.constant 0 : i32
        %dma_wait3A_481 = arith.constant 0 : i32
        %dma_wait3A_482 = tpu.memref_slice %arg13[%dma_wait3A_480, %dma_wait3A_481] : memref<50048x32xf32, #tpu.memory_space<vmem_shared>> -> memref<50048x32xf32, #tpu.memory_space<vmem_shared>>
        tpu.wait_indirect_dma semaphore(%arg15 : memref<!tpu.dma_semaphore, #tpu.memory_space<semaphore_mem>>) src(%dma_wait3A_476 : memref<128x32xf32, #tpu.memory_space<vmem>>) dst(%dma_wait3A_482 : memref<50048x32xf32, #tpu.memory_space<vmem_shared>>)
      } else {
      }
      %add3A_333 = arith.constant 1 : i32
      %add3A_334 = arith.addi %add3A_318, %add3A_333 : i32
      %lt3A = arith.constant 132 : i32
      %lt3A_335 = arith.cmpi slt, %add3A_334, %lt3A : i32
      %convert_element_type3A_336 = arith.extui %lt3A_335 : i1 to i32
      %cond3A_337 = arith.constant 0 : i32
      %cond3A_338 = arith.cmpi ne, %convert_element_type3A_336, %cond3A_337 : i32
      scf.if %cond3A_338 {
        %mul3A_405 = arith.constant 16 : i32
        %mul3A_406 = arith.muli %arg0, %mul3A_405 : i32
        %add3A_407 = arith.addi %mul3A_406, %arg1 : i32
        %mul3A_408 = arith.constant 132 : i32
        %mul3A_409 = arith.muli %add3A_407, %mul3A_408 : i32
        %add3A_410 = arith.addi %mul3A_409, %add3A_318 : i32
        %add3A_411 = arith.constant 1 : i32
        %add3A_412 = arith.addi %add3A_410, %add3A_411 : i32
        %dma_start3A_413 = arith.constant 1 : i32
        %dma_start3A_414 = arith.constant 0 : i32
        %dma_start3A_415 = tpu.memref_slice %arg10[%dma_start3A_413, %dma_start3A_414] : memref<2x384xi32, #tpu.memory_space<vmem>> -> memref<1x384xi32, #tpu.memory_space<vmem>>
        %dma_start3A_416 = tpu.memref_squeeze %dma_start3A_415 : memref<1x384xi32, #tpu.memory_space<vmem>> -> memref<384xi32, #tpu.memory_space<vmem>>
        %dma_start3A_417 = arith.constant 0 : i32
        %dma_start3A_418 = tpu.memref_slice %arg4[%add3A_412, %dma_start3A_417] : memref<4224x384xi32, #tpu.memory_space<hbm>> -> memref<1x384xi32, #tpu.memory_space<hbm>>
        %dma_start3A_419 = tpu.memref_squeeze %dma_start3A_418 : memref<1x384xi32, #tpu.memory_space<hbm>> -> memref<384xi32, #tpu.memory_space<hbm>>
        %dma_start3A_420 = arith.constant 0 : i32
        %dma_start3A_421 = tpu.memref_slice %arg10[%dma_start3A_413, %dma_start3A_420] : memref<2x384xi32, #tpu.memory_space<vmem>> -> memref<1x384xi32, #tpu.memory_space<vmem>>
        %dma_start3A_422 = tpu.memref_squeeze %dma_start3A_421 : memref<1x384xi32, #tpu.memory_space<vmem>> -> memref<384xi32, #tpu.memory_space<vmem>>
        %dma_start3A_423 = arith.constant 0 : i32
        %dma_start3A_424 = tpu.memref_slice %arg4[%add3A_412, %dma_start3A_423] : memref<4224x384xi32, #tpu.memory_space<hbm>> -> memref<1x384xi32, #tpu.memory_space<hbm>>
        %dma_start3A_425 = tpu.memref_squeeze %dma_start3A_424 : memref<1x384xi32, #tpu.memory_space<hbm>> -> memref<384xi32, #tpu.memory_space<hbm>>
        tpu.enqueue_dma source(%dma_start3A_425 : memref<384xi32, #tpu.memory_space<hbm>>) target(%dma_start3A_422 : memref<384xi32, #tpu.memory_space<vmem>>) target_semaphore(%arg16 : memref<!tpu.dma_semaphore, #tpu.memory_space<semaphore_mem>>)
        %mul3A_426 = arith.constant 132 : i32
        %mul3A_427 = arith.muli %arg1, %mul3A_426 : i32
        %add3A_428 = arith.addi %mul3A_427, %add3A_318 : i32
        %add3A_429 = arith.constant 1 : i32
        %add3A_430 = arith.addi %add3A_428, %add3A_429 : i32
        %dma_start3A_431 = arith.constant 1 : i32
        %dma_start3A_432 = arith.constant 0 : i32
        %dma_start3A_433 = arith.constant 0 : i32
        %dma_start3A_434 = tpu.memref_slice %arg11[%dma_start3A_431, %dma_start3A_432, %dma_start3A_433] : memref<2x3x128xi32, #tpu.memory_space<vmem>> -> memref<1x3x128xi32, #tpu.memory_space<vmem>>
        %dma_start3A_435 = tpu.memref_squeeze %dma_start3A_434 : memref<1x3x128xi32, #tpu.memory_space<vmem>> -> memref<3x128xi32, #tpu.memory_space<vmem>>
        %dma_start3A_436 = arith.constant 0 : i32
        %dma_start3A_437 = arith.constant 0 : i32
        %dma_start3A_438 = tpu.memref_slice %arg5[%add3A_430, %dma_start3A_436, %dma_start3A_437] : memref<2112x3x128xi32, #tpu.memory_space<hbm>> -> memref<1x3x128xi32, #tpu.memory_space<hbm>>
        %dma_start3A_439 = tpu.memref_squeeze %dma_start3A_438 : memref<1x3x128xi32, #tpu.memory_space<hbm>> -> memref<3x128xi32, #tpu.memory_space<hbm>>
        %dma_start3A_440 = arith.constant 0 : i32
        %dma_start3A_441 = arith.constant 0 : i32
        %dma_start3A_442 = tpu.memref_slice %arg11[%dma_start3A_431, %dma_start3A_440, %dma_start3A_441] : memref<2x3x128xi32, #tpu.memory_space<vmem>> -> memref<1x3x128xi32, #tpu.memory_space<vmem>>
        %dma_start3A_443 = tpu.memref_squeeze %dma_start3A_442 : memref<1x3x128xi32, #tpu.memory_space<vmem>> -> memref<3x128xi32, #tpu.memory_space<vmem>>
        %dma_start3A_444 = arith.constant 0 : i32
        %dma_start3A_445 = arith.constant 0 : i32
        %dma_start3A_446 = tpu.memref_slice %arg5[%add3A_430, %dma_start3A_444, %dma_start3A_445] : memref<2112x3x128xi32, #tpu.memory_space<hbm>> -> memref<1x3x128xi32, #tpu.memory_space<hbm>>
        %dma_start3A_447 = tpu.memref_squeeze %dma_start3A_446 : memref<1x3x128xi32, #tpu.memory_space<hbm>> -> memref<3x128xi32, #tpu.memory_space<hbm>>
        tpu.enqueue_dma source(%dma_start3A_447 : memref<3x128xi32, #tpu.memory_space<hbm>>) target(%dma_start3A_443 : memref<3x128xi32, #tpu.memory_space<vmem>>) target_semaphore(%arg16 : memref<!tpu.dma_semaphore, #tpu.memory_space<semaphore_mem>>)
      } else {
      }
      %dma_wait3A_339 = arith.constant 0 : i32
      %dma_wait3A_340 = arith.constant 0 : i32
      %dma_wait3A_341 = arith.constant 0 : i32
      %dma_wait3A_342 = arith.constant 0 : i32
      %dma_wait3A_343 = tpu.memref_slice %arg12[%dma_wait3A_340, %dma_wait3A_341, %dma_wait3A_342] : memref<2x384x32xf32, #tpu.memory_space<vmem>> -> memref<1x384x32xf32, #tpu.memory_space<vmem>>
      %dma_wait3A_344 = tpu.memref_squeeze %dma_wait3A_343 : memref<1x384x32xf32, #tpu.memory_space<vmem>> -> memref<384x32xf32, #tpu.memory_space<vmem>>
      %dma_wait3A_345 = arith.constant 0 : i32
      %dma_wait3A_346 = tpu.memref_slice %arg10[%dma_wait3A_339, %dma_wait3A_345] : memref<2x384xi32, #tpu.memory_space<vmem>> -> memref<1x384xi32, #tpu.memory_space<vmem>>
      %dma_wait3A_347 = tpu.memref_squeeze %dma_wait3A_346 : memref<1x384xi32, #tpu.memory_space<vmem>> -> memref<384xi32, #tpu.memory_space<vmem>>
      %dma_wait3A_348 = arith.constant 0 : i32
      %dma_wait3A_349 = arith.constant 0 : i32
      %dma_wait3A_350 = tpu.memref_slice %arg7[%dma_wait3A_348, %dma_wait3A_349] : memref<100096x32xf32, #tpu.memory_space<hbm>> -> memref<100096x32xf32, #tpu.memory_space<hbm>>
      tpu.wait_indirect_dma semaphore(%arg14 : memref<!tpu.dma_semaphore, #tpu.memory_space<semaphore_mem>>) src(%dma_wait3A_350 : memref<100096x32xf32, #tpu.memory_space<hbm>>) dst(%dma_wait3A_344 : memref<384x32xf32, #tpu.memory_space<vmem>>)
      %add3A_351 = arith.constant 1 : i32
      %add3A_352 = arith.addi %add3A_318, %add3A_351 : i32
      %lt3A_353 = arith.constant 132 : i32
      %lt3A_354 = arith.cmpi slt, %add3A_352, %lt3A_353 : i32
      %convert_element_type3A_355 = arith.extui %lt3A_354 : i1 to i32
      %cond3A_356 = arith.constant 0 : i32
      %cond3A_357 = arith.cmpi ne, %convert_element_type3A_355, %cond3A_356 : i32
      scf.if %cond3A_357 {
        %mul3A_405 = arith.constant 16 : i32
        %mul3A_406 = arith.muli %arg0, %mul3A_405 : i32
        %add3A_407 = arith.addi %mul3A_406, %arg1 : i32
        %mul3A_408 = arith.constant 132 : i32
        %mul3A_409 = arith.muli %add3A_407, %mul3A_408 : i32
        %add3A_410 = arith.addi %mul3A_409, %add3A_318 : i32
        %add3A_411 = arith.constant 1 : i32
        %add3A_412 = arith.addi %add3A_410, %add3A_411 : i32
        %dma_wait3A_413 = arith.constant 1 : i32
        %dma_wait3A_414 = arith.constant 0 : i32
        %dma_wait3A_415 = tpu.memref_slice %arg10[%dma_wait3A_413, %dma_wait3A_414] : memref<2x384xi32, #tpu.memory_space<vmem>> -> memref<1x384xi32, #tpu.memory_space<vmem>>
        %dma_wait3A_416 = tpu.memref_squeeze %dma_wait3A_415 : memref<1x384xi32, #tpu.memory_space<vmem>> -> memref<384xi32, #tpu.memory_space<vmem>>
        %dma_wait3A_417 = arith.constant 0 : i32
        %dma_wait3A_418 = tpu.memref_slice %arg4[%add3A_412, %dma_wait3A_417] : memref<4224x384xi32, #tpu.memory_space<hbm>> -> memref<1x384xi32, #tpu.memory_space<hbm>>
        %dma_wait3A_419 = tpu.memref_squeeze %dma_wait3A_418 : memref<1x384xi32, #tpu.memory_space<hbm>> -> memref<384xi32, #tpu.memory_space<hbm>>
        %dma_wait3A_420 = arith.constant 0 : i32
        %dma_wait3A_421 = tpu.memref_slice %arg10[%dma_wait3A_413, %dma_wait3A_420] : memref<2x384xi32, #tpu.memory_space<vmem>> -> memref<1x384xi32, #tpu.memory_space<vmem>>
        %dma_wait3A_422 = tpu.memref_squeeze %dma_wait3A_421 : memref<1x384xi32, #tpu.memory_space<vmem>> -> memref<384xi32, #tpu.memory_space<vmem>>
        %dma_wait3A_423 = arith.constant 0 : i32
        %dma_wait3A_424 = tpu.memref_slice %arg4[%add3A_412, %dma_wait3A_423] : memref<4224x384xi32, #tpu.memory_space<hbm>> -> memref<1x384xi32, #tpu.memory_space<hbm>>
        %dma_wait3A_425 = tpu.memref_squeeze %dma_wait3A_424 : memref<1x384xi32, #tpu.memory_space<hbm>> -> memref<384xi32, #tpu.memory_space<hbm>>
        tpu.wait_dma2 semaphore(%arg16 : memref<!tpu.dma_semaphore, #tpu.memory_space<semaphore_mem>>) src(%dma_wait3A_425 : memref<384xi32, #tpu.memory_space<hbm>>) dst(%dma_wait3A_422 : memref<384xi32, #tpu.memory_space<vmem>>)
        %mul3A_426 = arith.constant 132 : i32
        %mul3A_427 = arith.muli %arg1, %mul3A_426 : i32
        %add3A_428 = arith.addi %mul3A_427, %add3A_318 : i32
        %add3A_429 = arith.constant 1 : i32
        %add3A_430 = arith.addi %add3A_428, %add3A_429 : i32
        %dma_wait3A_431 = arith.constant 1 : i32
        %dma_wait3A_432 = arith.constant 0 : i32
        %dma_wait3A_433 = arith.constant 0 : i32
        %dma_wait3A_434 = tpu.memref_slice %arg11[%dma_wait3A_431, %dma_wait3A_432, %dma_wait3A_433] : memref<2x3x128xi32, #tpu.memory_space<vmem>> -> memref<1x3x128xi32, #tpu.memory_space<vmem>>
        %dma_wait3A_435 = tpu.memref_squeeze %dma_wait3A_434 : memref<1x3x128xi32, #tpu.memory_space<vmem>> -> memref<3x128xi32, #tpu.memory_space<vmem>>
        %dma_wait3A_436 = arith.constant 0 : i32
        %dma_wait3A_437 = arith.constant 0 : i32
        %dma_wait3A_438 = tpu.memref_slice %arg5[%add3A_430, %dma_wait3A_436, %dma_wait3A_437] : memref<2112x3x128xi32, #tpu.memory_space<hbm>> -> memref<1x3x128xi32, #tpu.memory_space<hbm>>
        %dma_wait3A_439 = tpu.memref_squeeze %dma_wait3A_438 : memref<1x3x128xi32, #tpu.memory_space<hbm>> -> memref<3x128xi32, #tpu.memory_space<hbm>>
        %dma_wait3A_440 = arith.constant 0 : i32
        %dma_wait3A_441 = arith.constant 0 : i32
        %dma_wait3A_442 = tpu.memref_slice %arg11[%dma_wait3A_431, %dma_wait3A_440, %dma_wait3A_441] : memref<2x3x128xi32, #tpu.memory_space<vmem>> -> memref<1x3x128xi32, #tpu.memory_space<vmem>>
        %dma_wait3A_443 = tpu.memref_squeeze %dma_wait3A_442 : memref<1x3x128xi32, #tpu.memory_space<vmem>> -> memref<3x128xi32, #tpu.memory_space<vmem>>
        %dma_wait3A_444 = arith.constant 0 : i32
        %dma_wait3A_445 = arith.constant 0 : i32
        %dma_wait3A_446 = tpu.memref_slice %arg5[%add3A_430, %dma_wait3A_444, %dma_wait3A_445] : memref<2112x3x128xi32, #tpu.memory_space<hbm>> -> memref<1x3x128xi32, #tpu.memory_space<hbm>>
        %dma_wait3A_447 = tpu.memref_squeeze %dma_wait3A_446 : memref<1x3x128xi32, #tpu.memory_space<hbm>> -> memref<3x128xi32, #tpu.memory_space<hbm>>
        tpu.wait_dma2 semaphore(%arg16 : memref<!tpu.dma_semaphore, #tpu.memory_space<semaphore_mem>>) src(%dma_wait3A_447 : memref<3x128xi32, #tpu.memory_space<hbm>>) dst(%dma_wait3A_443 : memref<3x128xi32, #tpu.memory_space<vmem>>)
      } else {
      }
      %mul3A_358 = arith.constant 2 : i32
      %mul3A_359 = arith.muli %mul3A_358, %scan3A_314 : i32
      %add3A_360 = arith.constant 1 : i32
      %add3A_361 = arith.addi %mul3A_359, %add3A_360 : i32
      %dma_start3A_362 = arith.constant 1 : i32
      %dma_start3A_363 = arith.constant 1 : i32
      %dma_start3A_364 = arith.constant 0 : i32
      %dma_start3A_365 = arith.constant 0 : i32
      %dma_start3A_366 = tpu.memref_slice %arg12[%dma_start3A_363, %dma_start3A_364, %dma_start3A_365] : memref<2x384x32xf32, #tpu.memory_space<vmem>> -> memref<1x384x32xf32, #tpu.memory_space<vmem>>
      %dma_start3A_367 = tpu.memref_squeeze %dma_start3A_366 : memref<1x384x32xf32, #tpu.memory_space<vmem>> -> memref<384x32xf32, #tpu.memory_space<vmem>>
      %dma_start3A_368 = arith.constant 0 : i32
      %dma_start3A_369 = tpu.memref_slice %arg10[%dma_start3A_362, %dma_start3A_368] : memref<2x384xi32, #tpu.memory_space<vmem>> -> memref<1x384xi32, #tpu.memory_space<vmem>>
      %dma_start3A_370 = tpu.memref_squeeze %dma_start3A_369 : memref<1x384xi32, #tpu.memory_space<vmem>> -> memref<384xi32, #tpu.memory_space<vmem>>
      %dma_start3A_371 = arith.constant 0 : i32
      %dma_start3A_372 = arith.constant 0 : i32
      %dma_start3A_373 = tpu.memref_slice %arg7[%dma_start3A_371, %dma_start3A_372] : memref<100096x32xf32, #tpu.memory_space<hbm>> -> memref<100096x32xf32, #tpu.memory_space<hbm>>
      tpu.enqueue_indirect_dma source(%dma_start3A_373 : memref<100096x32xf32, #tpu.memory_space<hbm>>) target(%dma_start3A_367 : memref<384x32xf32, #tpu.memory_space<vmem>>) offsets(%dma_start3A_370 : memref<384xi32, #tpu.memory_space<vmem>>) semaphore(%arg14 : memref<!tpu.dma_semaphore, #tpu.memory_space<semaphore_mem>>)
      %gt3A_374 = arith.constant 0 : i32
      %gt3A_375 = arith.cmpi sgt, %add3A_361, %gt3A_374 : i32
      %convert_element_type3A_376 = arith.extui %gt3A_375 : i1 to i32
      %cond3A_377 = arith.constant 0 : i32
      %cond3A_378 = arith.cmpi ne, %convert_element_type3A_376, %cond3A_377 : i32
      scf.if %cond3A_378 {
        %dma_start3A_405 = arith.constant 0 : i32
        %dma_start3A_406 = arith.constant 0 : i32
        %dma_start3A_407 = arith.constant 0 : i32
        %dma_start3A_408 = arith.constant 0 : i32
        %dma_start3A_409 = arith.constant 0 : i32
        %dma_start3A_410 = tpu.memref_slice %arg12[%dma_start3A_405, %dma_start3A_408, %dma_start3A_409] : memref<2x384x32xf32, #tpu.memory_space<vmem>> -> memref<1x128x32xf32, #tpu.memory_space<vmem>>
        %dma_start3A_411 = tpu.memref_squeeze %dma_start3A_410 : memref<1x128x32xf32, #tpu.memory_space<vmem>> -> memref<128x32xf32, #tpu.memory_space<vmem>>
        %dma_start3A_412 = arith.constant 0 : i32
        %dma_start3A_413 = tpu.memref_slice %arg11[%dma_start3A_406, %dma_start3A_407, %dma_start3A_412] : memref<2x3x128xi32, #tpu.memory_space<vmem>> -> memref<1x1x128xi32, #tpu.memory_space<vmem>>
        %dma_start3A_414 = tpu.memref_squeeze %dma_start3A_413 : memref<1x1x128xi32, #tpu.memory_space<vmem>> -> memref<128xi32, #tpu.memory_space<vmem>>
        %dma_start3A_415 = arith.constant 0 : i32
        %dma_start3A_416 = arith.constant 0 : i32
        %dma_start3A_417 = tpu.memref_slice %arg13[%dma_start3A_415, %dma_start3A_416] : memref<50048x32xf32, #tpu.memory_space<vmem_shared>> -> memref<50048x32xf32, #tpu.memory_space<vmem_shared>>
        tpu.enqueue_indirect_dma source(%dma_start3A_411 : memref<128x32xf32, #tpu.memory_space<vmem>>) target(%dma_start3A_417 : memref<50048x32xf32, #tpu.memory_space<vmem_shared>>) offsets(%dma_start3A_414 : memref<128xi32, #tpu.memory_space<vmem>>) semaphore(%arg15 : memref<!tpu.dma_semaphore, #tpu.memory_space<semaphore_mem>>) {add = true}
        %dma_start3A_418 = arith.constant 0 : i32
        %dma_start3A_419 = arith.constant 0 : i32
        %dma_start3A_420 = arith.constant 1 : i32
        %dma_start3A_421 = arith.constant 128 : i32
        %dma_start3A_422 = arith.constant 0 : i32
        %dma_start3A_423 = tpu.memref_slice %arg12[%dma_start3A_418, %dma_start3A_421, %dma_start3A_422] : memref<2x384x32xf32, #tpu.memory_space<vmem>> -> memref<1x128x32xf32, #tpu.memory_space<vmem>>
        %dma_start3A_424 = tpu.memref_squeeze %dma_start3A_423 : memref<1x128x32xf32, #tpu.memory_space<vmem>> -> memref<128x32xf32, #tpu.memory_space<vmem>>
        %dma_start3A_425 = arith.constant 0 : i32
        %dma_start3A_426 = tpu.memref_slice %arg11[%dma_start3A_419, %dma_start3A_420, %dma_start3A_425] : memref<2x3x128xi32, #tpu.memory_space<vmem>> -> memref<1x1x128xi32, #tpu.memory_space<vmem>>
        %dma_start3A_427 = tpu.memref_squeeze %dma_start3A_426 : memref<1x1x128xi32, #tpu.memory_space<vmem>> -> memref<128xi32, #tpu.memory_space<vmem>>
        %dma_start3A_428 = arith.constant 0 : i32
        %dma_start3A_429 = arith.constant 0 : i32
        %dma_start3A_430 = tpu.memref_slice %arg13[%dma_start3A_428, %dma_start3A_429] : memref<50048x32xf32, #tpu.memory_space<vmem_shared>> -> memref<50048x32xf32, #tpu.memory_space<vmem_shared>>
        tpu.enqueue_indirect_dma source(%dma_start3A_424 : memref<128x32xf32, #tpu.memory_space<vmem>>) target(%dma_start3A_430 : memref<50048x32xf32, #tpu.memory_space<vmem_shared>>) offsets(%dma_start3A_427 : memref<128xi32, #tpu.memory_space<vmem>>) semaphore(%arg15 : memref<!tpu.dma_semaphore, #tpu.memory_space<semaphore_mem>>) {add = true}
        %dma_start3A_431 = arith.constant 0 : i32
        %dma_start3A_432 = arith.constant 0 : i32
        %dma_start3A_433 = arith.constant 2 : i32
        %dma_start3A_434 = arith.constant 256 : i32
        %dma_start3A_435 = arith.constant 0 : i32
        %dma_start3A_436 = tpu.memref_slice %arg12[%dma_start3A_431, %dma_start3A_434, %dma_start3A_435] : memref<2x384x32xf32, #tpu.memory_space<vmem>> -> memref<1x128x32xf32, #tpu.memory_space<vmem>>
        %dma_start3A_437 = tpu.memref_squeeze %dma_start3A_436 : memref<1x128x32xf32, #tpu.memory_space<vmem>> -> memref<128x32xf32, #tpu.memory_space<vmem>>
        %dma_start3A_438 = arith.constant 0 : i32
        %dma_start3A_439 = tpu.memref_slice %arg11[%dma_start3A_432, %dma_start3A_433, %dma_start3A_438] : memref<2x3x128xi32, #tpu.memory_space<vmem>> -> memref<1x1x128xi32, #tpu.memory_space<vmem>>
        %dma_start3A_440 = tpu.memref_squeeze %dma_start3A_439 : memref<1x1x128xi32, #tpu.memory_space<vmem>> -> memref<128xi32, #tpu.memory_space<vmem>>
        %dma_start3A_441 = arith.constant 0 : i32
        %dma_start3A_442 = arith.constant 0 : i32
        %dma_start3A_443 = tpu.memref_slice %arg13[%dma_start3A_441, %dma_start3A_442] : memref<50048x32xf32, #tpu.memory_space<vmem_shared>> -> memref<50048x32xf32, #tpu.memory_space<vmem_shared>>
        tpu.enqueue_indirect_dma source(%dma_start3A_437 : memref<128x32xf32, #tpu.memory_space<vmem>>) target(%dma_start3A_443 : memref<50048x32xf32, #tpu.memory_space<vmem_shared>>) offsets(%dma_start3A_440 : memref<128xi32, #tpu.memory_space<vmem>>) semaphore(%arg15 : memref<!tpu.dma_semaphore, #tpu.memory_space<semaphore_mem>>) {add = true}
        %dma_wait3A_444 = arith.constant 0 : i32
        %dma_wait3A_445 = arith.constant 0 : i32
        %dma_wait3A_446 = arith.constant 0 : i32
        %dma_wait3A_447 = arith.constant 0 : i32
        %dma_wait3A_448 = arith.constant 0 : i32
        %dma_wait3A_449 = tpu.memref_slice %arg12[%dma_wait3A_444, %dma_wait3A_447, %dma_wait3A_448] : memref<2x384x32xf32, #tpu.memory_space<vmem>> -> memref<1x128x32xf32, #tpu.memory_space<vmem>>
        %dma_wait3A_450 = tpu.memref_squeeze %dma_wait3A_449 : memref<1x128x32xf32, #tpu.memory_space<vmem>> -> memref<128x32xf32, #tpu.memory_space<vmem>>
        %dma_wait3A_451 = arith.constant 0 : i32
        %dma_wait3A_452 = tpu.memref_slice %arg11[%dma_wait3A_445, %dma_wait3A_446, %dma_wait3A_451] : memref<2x3x128xi32, #tpu.memory_space<vmem>> -> memref<1x1x128xi32, #tpu.memory_space<vmem>>
        %dma_wait3A_453 = tpu.memref_squeeze %dma_wait3A_452 : memref<1x1x128xi32, #tpu.memory_space<vmem>> -> memref<128xi32, #tpu.memory_space<vmem>>
        %dma_wait3A_454 = arith.constant 0 : i32
        %dma_wait3A_455 = arith.constant 0 : i32
        %dma_wait3A_456 = tpu.memref_slice %arg13[%dma_wait3A_454, %dma_wait3A_455] : memref<50048x32xf32, #tpu.memory_space<vmem_shared>> -> memref<50048x32xf32, #tpu.memory_space<vmem_shared>>
        tpu.wait_indirect_dma semaphore(%arg15 : memref<!tpu.dma_semaphore, #tpu.memory_space<semaphore_mem>>) src(%dma_wait3A_450 : memref<128x32xf32, #tpu.memory_space<vmem>>) dst(%dma_wait3A_456 : memref<50048x32xf32, #tpu.memory_space<vmem_shared>>)
        %dma_wait3A_457 = arith.constant 0 : i32
        %dma_wait3A_458 = arith.constant 0 : i32
        %dma_wait3A_459 = arith.constant 1 : i32
        %dma_wait3A_460 = arith.constant 128 : i32
        %dma_wait3A_461 = arith.constant 0 : i32
        %dma_wait3A_462 = tpu.memref_slice %arg12[%dma_wait3A_457, %dma_wait3A_460, %dma_wait3A_461] : memref<2x384x32xf32, #tpu.memory_space<vmem>> -> memref<1x128x32xf32, #tpu.memory_space<vmem>>
        %dma_wait3A_463 = tpu.memref_squeeze %dma_wait3A_462 : memref<1x128x32xf32, #tpu.memory_space<vmem>> -> memref<128x32xf32, #tpu.memory_space<vmem>>
        %dma_wait3A_464 = arith.constant 0 : i32
        %dma_wait3A_465 = tpu.memref_slice %arg11[%dma_wait3A_458, %dma_wait3A_459, %dma_wait3A_464] : memref<2x3x128xi32, #tpu.memory_space<vmem>> -> memref<1x1x128xi32, #tpu.memory_space<vmem>>
        %dma_wait3A_466 = tpu.memref_squeeze %dma_wait3A_465 : memref<1x1x128xi32, #tpu.memory_space<vmem>> -> memref<128xi32, #tpu.memory_space<vmem>>
        %dma_wait3A_467 = arith.constant 0 : i32
        %dma_wait3A_468 = arith.constant 0 : i32
        %dma_wait3A_469 = tpu.memref_slice %arg13[%dma_wait3A_467, %dma_wait3A_468] : memref<50048x32xf32, #tpu.memory_space<vmem_shared>> -> memref<50048x32xf32, #tpu.memory_space<vmem_shared>>
        tpu.wait_indirect_dma semaphore(%arg15 : memref<!tpu.dma_semaphore, #tpu.memory_space<semaphore_mem>>) src(%dma_wait3A_463 : memref<128x32xf32, #tpu.memory_space<vmem>>) dst(%dma_wait3A_469 : memref<50048x32xf32, #tpu.memory_space<vmem_shared>>)
        %dma_wait3A_470 = arith.constant 0 : i32
        %dma_wait3A_471 = arith.constant 0 : i32
        %dma_wait3A_472 = arith.constant 2 : i32
        %dma_wait3A_473 = arith.constant 256 : i32
        %dma_wait3A_474 = arith.constant 0 : i32
        %dma_wait3A_475 = tpu.memref_slice %arg12[%dma_wait3A_470, %dma_wait3A_473, %dma_wait3A_474] : memref<2x384x32xf32, #tpu.memory_space<vmem>> -> memref<1x128x32xf32, #tpu.memory_space<vmem>>
        %dma_wait3A_476 = tpu.memref_squeeze %dma_wait3A_475 : memref<1x128x32xf32, #tpu.memory_space<vmem>> -> memref<128x32xf32, #tpu.memory_space<vmem>>
        %dma_wait3A_477 = arith.constant 0 : i32
        %dma_wait3A_478 = tpu.memref_slice %arg11[%dma_wait3A_471, %dma_wait3A_472, %dma_wait3A_477] : memref<2x3x128xi32, #tpu.memory_space<vmem>> -> memref<1x1x128xi32, #tpu.memory_space<vmem>>
        %dma_wait3A_479 = tpu.memref_squeeze %dma_wait3A_478 : memref<1x1x128xi32, #tpu.memory_space<vmem>> -> memref<128xi32, #tpu.memory_space<vmem>>
        %dma_wait3A_480 = arith.constant 0 : i32
        %dma_wait3A_481 = arith.constant 0 : i32
        %dma_wait3A_482 = tpu.memref_slice %arg13[%dma_wait3A_480, %dma_wait3A_481] : memref<50048x32xf32, #tpu.memory_space<vmem_shared>> -> memref<50048x32xf32, #tpu.memory_space<vmem_shared>>
        tpu.wait_indirect_dma semaphore(%arg15 : memref<!tpu.dma_semaphore, #tpu.memory_space<semaphore_mem>>) src(%dma_wait3A_476 : memref<128x32xf32, #tpu.memory_space<vmem>>) dst(%dma_wait3A_482 : memref<50048x32xf32, #tpu.memory_space<vmem_shared>>)
      } else {
      }
      %add3A_379 = arith.constant 1 : i32
      %add3A_380 = arith.addi %add3A_361, %add3A_379 : i32
      %lt3A_381 = arith.constant 132 : i32
      %lt3A_382 = arith.cmpi slt, %add3A_380, %lt3A_381 : i32
      %convert_element_type3A_383 = arith.extui %lt3A_382 : i1 to i32
      %cond3A_384 = arith.constant 0 : i32
      %cond3A_385 = arith.cmpi ne, %convert_element_type3A_383, %cond3A_384 : i32
      scf.if %cond3A_385 {
        %mul3A_405 = arith.constant 16 : i32
        %mul3A_406 = arith.muli %arg0, %mul3A_405 : i32
        %add3A_407 = arith.addi %mul3A_406, %arg1 : i32
        %mul3A_408 = arith.constant 132 : i32
        %mul3A_409 = arith.muli %add3A_407, %mul3A_408 : i32
        %add3A_410 = arith.addi %mul3A_409, %add3A_361 : i32
        %add3A_411 = arith.constant 1 : i32
        %add3A_412 = arith.addi %add3A_410, %add3A_411 : i32
        %dma_start3A_413 = arith.constant 0 : i32
        %dma_start3A_414 = arith.constant 0 : i32
        %dma_start3A_415 = tpu.memref_slice %arg10[%dma_start3A_413, %dma_start3A_414] : memref<2x384xi32, #tpu.memory_space<vmem>> -> memref<1x384xi32, #tpu.memory_space<vmem>>
        %dma_start3A_416 = tpu.memref_squeeze %dma_start3A_415 : memref<1x384xi32, #tpu.memory_space<vmem>> -> memref<384xi32, #tpu.memory_space<vmem>>
        %dma_start3A_417 = arith.constant 0 : i32
        %dma_start3A_418 = tpu.memref_slice %arg4[%add3A_412, %dma_start3A_417] : memref<4224x384xi32, #tpu.memory_space<hbm>> -> memref<1x384xi32, #tpu.memory_space<hbm>>
        %dma_start3A_419 = tpu.memref_squeeze %dma_start3A_418 : memref<1x384xi32, #tpu.memory_space<hbm>> -> memref<384xi32, #tpu.memory_space<hbm>>
        %dma_start3A_420 = arith.constant 0 : i32
        %dma_start3A_421 = tpu.memref_slice %arg10[%dma_start3A_413, %dma_start3A_420] : memref<2x384xi32, #tpu.memory_space<vmem>> -> memref<1x384xi32, #tpu.memory_space<vmem>>
        %dma_start3A_422 = tpu.memref_squeeze %dma_start3A_421 : memref<1x384xi32, #tpu.memory_space<vmem>> -> memref<384xi32, #tpu.memory_space<vmem>>
        %dma_start3A_423 = arith.constant 0 : i32
        %dma_start3A_424 = tpu.memref_slice %arg4[%add3A_412, %dma_start3A_423] : memref<4224x384xi32, #tpu.memory_space<hbm>> -> memref<1x384xi32, #tpu.memory_space<hbm>>
        %dma_start3A_425 = tpu.memref_squeeze %dma_start3A_424 : memref<1x384xi32, #tpu.memory_space<hbm>> -> memref<384xi32, #tpu.memory_space<hbm>>
        tpu.enqueue_dma source(%dma_start3A_425 : memref<384xi32, #tpu.memory_space<hbm>>) target(%dma_start3A_422 : memref<384xi32, #tpu.memory_space<vmem>>) target_semaphore(%arg16 : memref<!tpu.dma_semaphore, #tpu.memory_space<semaphore_mem>>)
        %mul3A_426 = arith.constant 132 : i32
        %mul3A_427 = arith.muli %arg1, %mul3A_426 : i32
        %add3A_428 = arith.addi %mul3A_427, %add3A_361 : i32
        %add3A_429 = arith.constant 1 : i32
        %add3A_430 = arith.addi %add3A_428, %add3A_429 : i32
        %dma_start3A_431 = arith.constant 0 : i32
        %dma_start3A_432 = arith.constant 0 : i32
        %dma_start3A_433 = arith.constant 0 : i32
        %dma_start3A_434 = tpu.memref_slice %arg11[%dma_start3A_431, %dma_start3A_432, %dma_start3A_433] : memref<2x3x128xi32, #tpu.memory_space<vmem>> -> memref<1x3x128xi32, #tpu.memory_space<vmem>>
        %dma_start3A_435 = tpu.memref_squeeze %dma_start3A_434 : memref<1x3x128xi32, #tpu.memory_space<vmem>> -> memref<3x128xi32, #tpu.memory_space<vmem>>
        %dma_start3A_436 = arith.constant 0 : i32
        %dma_start3A_437 = arith.constant 0 : i32
        %dma_start3A_438 = tpu.memref_slice %arg5[%add3A_430, %dma_start3A_436, %dma_start3A_437] : memref<2112x3x128xi32, #tpu.memory_space<hbm>> -> memref<1x3x128xi32, #tpu.memory_space<hbm>>
        %dma_start3A_439 = tpu.memref_squeeze %dma_start3A_438 : memref<1x3x128xi32, #tpu.memory_space<hbm>> -> memref<3x128xi32, #tpu.memory_space<hbm>>
        %dma_start3A_440 = arith.constant 0 : i32
        %dma_start3A_441 = arith.constant 0 : i32
        %dma_start3A_442 = tpu.memref_slice %arg11[%dma_start3A_431, %dma_start3A_440, %dma_start3A_441] : memref<2x3x128xi32, #tpu.memory_space<vmem>> -> memref<1x3x128xi32, #tpu.memory_space<vmem>>
        %dma_start3A_443 = tpu.memref_squeeze %dma_start3A_442 : memref<1x3x128xi32, #tpu.memory_space<vmem>> -> memref<3x128xi32, #tpu.memory_space<vmem>>
        %dma_start3A_444 = arith.constant 0 : i32
        %dma_start3A_445 = arith.constant 0 : i32
        %dma_start3A_446 = tpu.memref_slice %arg5[%add3A_430, %dma_start3A_444, %dma_start3A_445] : memref<2112x3x128xi32, #tpu.memory_space<hbm>> -> memref<1x3x128xi32, #tpu.memory_space<hbm>>
        %dma_start3A_447 = tpu.memref_squeeze %dma_start3A_446 : memref<1x3x128xi32, #tpu.memory_space<hbm>> -> memref<3x128xi32, #tpu.memory_space<hbm>>
        tpu.enqueue_dma source(%dma_start3A_447 : memref<3x128xi32, #tpu.memory_space<hbm>>) target(%dma_start3A_443 : memref<3x128xi32, #tpu.memory_space<vmem>>) target_semaphore(%arg16 : memref<!tpu.dma_semaphore, #tpu.memory_space<semaphore_mem>>)
      } else {
      }
      %dma_wait3A_386 = arith.constant 1 : i32
      %dma_wait3A_387 = arith.constant 1 : i32
      %dma_wait3A_388 = arith.constant 0 : i32
      %dma_wait3A_389 = arith.constant 0 : i32
      %dma_wait3A_390 = tpu.memref_slice %arg12[%dma_wait3A_387, %dma_wait3A_388, %dma_wait3A_389] : memref<2x384x32xf32, #tpu.memory_space<vmem>> -> memref<1x384x32xf32, #tpu.memory_space<vmem>>
      %dma_wait3A_391 = tpu.memref_squeeze %dma_wait3A_390 : memref<1x384x32xf32, #tpu.memory_space<vmem>> -> memref<384x32xf32, #tpu.memory_space<vmem>>
      %dma_wait3A_392 = arith.constant 0 : i32
      %dma_wait3A_393 = tpu.memref_slice %arg10[%dma_wait3A_386, %dma_wait3A_392] : memref<2x384xi32, #tpu.memory_space<vmem>> -> memref<1x384xi32, #tpu.memory_space<vmem>>
      %dma_wait3A_394 = tpu.memref_squeeze %dma_wait3A_393 : memref<1x384xi32, #tpu.memory_space<vmem>> -> memref<384xi32, #tpu.memory_space<vmem>>
      %dma_wait3A_395 = arith.constant 0 : i32
      %dma_wait3A_396 = arith.constant 0 : i32
      %dma_wait3A_397 = tpu.memref_slice %arg7[%dma_wait3A_395, %dma_wait3A_396] : memref<100096x32xf32, #tpu.memory_space<hbm>> -> memref<100096x32xf32, #tpu.memory_space<hbm>>
      tpu.wait_indirect_dma semaphore(%arg14 : memref<!tpu.dma_semaphore, #tpu.memory_space<semaphore_mem>>) src(%dma_wait3A_397 : memref<100096x32xf32, #tpu.memory_space<hbm>>) dst(%dma_wait3A_391 : memref<384x32xf32, #tpu.memory_space<vmem>>)
      %add3A_398 = arith.constant 1 : i32
      %add3A_399 = arith.addi %add3A_361, %add3A_398 : i32
      %lt3A_400 = arith.constant 132 : i32
      %lt3A_401 = arith.cmpi slt, %add3A_399, %lt3A_400 : i32
      %convert_element_type3A_402 = arith.extui %lt3A_401 : i1 to i32
      %cond3A_403 = arith.constant 0 : i32
      %cond3A_404 = arith.cmpi ne, %convert_element_type3A_402, %cond3A_403 : i32
      scf.if %cond3A_404 {
        %mul3A_405 = arith.constant 16 : i32
        %mul3A_406 = arith.muli %arg0, %mul3A_405 : i32
        %add3A_407 = arith.addi %mul3A_406, %arg1 : i32
        %mul3A_408 = arith.constant 132 : i32
        %mul3A_409 = arith.muli %add3A_407, %mul3A_408 : i32
        %add3A_410 = arith.addi %mul3A_409, %add3A_361 : i32
        %add3A_411 = arith.constant 1 : i32
        %add3A_412 = arith.addi %add3A_410, %add3A_411 : i32
        %dma_wait3A_413 = arith.constant 0 : i32
        %dma_wait3A_414 = arith.constant 0 : i32
        %dma_wait3A_415 = tpu.memref_slice %arg10[%dma_wait3A_413, %dma_wait3A_414] : memref<2x384xi32, #tpu.memory_space<vmem>> -> memref<1x384xi32, #tpu.memory_space<vmem>>
        %dma_wait3A_416 = tpu.memref_squeeze %dma_wait3A_415 : memref<1x384xi32, #tpu.memory_space<vmem>> -> memref<384xi32, #tpu.memory_space<vmem>>
        %dma_wait3A_417 = arith.constant 0 : i32
        %dma_wait3A_418 = tpu.memref_slice %arg4[%add3A_412, %dma_wait3A_417] : memref<4224x384xi32, #tpu.memory_space<hbm>> -> memref<1x384xi32, #tpu.memory_space<hbm>>
        %dma_wait3A_419 = tpu.memref_squeeze %dma_wait3A_418 : memref<1x384xi32, #tpu.memory_space<hbm>> -> memref<384xi32, #tpu.memory_space<hbm>>
        %dma_wait3A_420 = arith.constant 0 : i32
        %dma_wait3A_421 = tpu.memref_slice %arg10[%dma_wait3A_413, %dma_wait3A_420] : memref<2x384xi32, #tpu.memory_space<vmem>> -> memref<1x384xi32, #tpu.memory_space<vmem>>
        %dma_wait3A_422 = tpu.memref_squeeze %dma_wait3A_421 : memref<1x384xi32, #tpu.memory_space<vmem>> -> memref<384xi32, #tpu.memory_space<vmem>>
        %dma_wait3A_423 = arith.constant 0 : i32
        %dma_wait3A_424 = tpu.memref_slice %arg4[%add3A_412, %dma_wait3A_423] : memref<4224x384xi32, #tpu.memory_space<hbm>> -> memref<1x384xi32, #tpu.memory_space<hbm>>
        %dma_wait3A_425 = tpu.memref_squeeze %dma_wait3A_424 : memref<1x384xi32, #tpu.memory_space<hbm>> -> memref<384xi32, #tpu.memory_space<hbm>>
        tpu.wait_dma2 semaphore(%arg16 : memref<!tpu.dma_semaphore, #tpu.memory_space<semaphore_mem>>) src(%dma_wait3A_425 : memref<384xi32, #tpu.memory_space<hbm>>) dst(%dma_wait3A_422 : memref<384xi32, #tpu.memory_space<vmem>>)
        %mul3A_426 = arith.constant 132 : i32
        %mul3A_427 = arith.muli %arg1, %mul3A_426 : i32
        %add3A_428 = arith.addi %mul3A_427, %add3A_361 : i32
        %add3A_429 = arith.constant 1 : i32
        %add3A_430 = arith.addi %add3A_428, %add3A_429 : i32
        %dma_wait3A_431 = arith.constant 0 : i32
        %dma_wait3A_432 = arith.constant 0 : i32
        %dma_wait3A_433 = arith.constant 0 : i32
        %dma_wait3A_434 = tpu.memref_slice %arg11[%dma_wait3A_431, %dma_wait3A_432, %dma_wait3A_433] : memref<2x3x128xi32, #tpu.memory_space<vmem>> -> memref<1x3x128xi32, #tpu.memory_space<vmem>>
        %dma_wait3A_435 = tpu.memref_squeeze %dma_wait3A_434 : memref<1x3x128xi32, #tpu.memory_space<vmem>> -> memref<3x128xi32, #tpu.memory_space<vmem>>
        %dma_wait3A_436 = arith.constant 0 : i32
        %dma_wait3A_437 = arith.constant 0 : i32
        %dma_wait3A_438 = tpu.memref_slice %arg5[%add3A_430, %dma_wait3A_436, %dma_wait3A_437] : memref<2112x3x128xi32, #tpu.memory_space<hbm>> -> memref<1x3x128xi32, #tpu.memory_space<hbm>>
        %dma_wait3A_439 = tpu.memref_squeeze %dma_wait3A_438 : memref<1x3x128xi32, #tpu.memory_space<hbm>> -> memref<3x128xi32, #tpu.memory_space<hbm>>
        %dma_wait3A_440 = arith.constant 0 : i32
        %dma_wait3A_441 = arith.constant 0 : i32
        %dma_wait3A_442 = tpu.memref_slice %arg11[%dma_wait3A_431, %dma_wait3A_440, %dma_wait3A_441] : memref<2x3x128xi32, #tpu.memory_space<vmem>> -> memref<1x3x128xi32, #tpu.memory_space<vmem>>
        %dma_wait3A_443 = tpu.memref_squeeze %dma_wait3A_442 : memref<1x3x128xi32, #tpu.memory_space<vmem>> -> memref<3x128xi32, #tpu.memory_space<vmem>>
        %dma_wait3A_444 = arith.constant 0 : i32
        %dma_wait3A_445 = arith.constant 0 : i32
        %dma_wait3A_446 = tpu.memref_slice %arg5[%add3A_430, %dma_wait3A_444, %dma_wait3A_445] : memref<2112x3x128xi32, #tpu.memory_space<hbm>> -> memref<1x3x128xi32, #tpu.memory_space<hbm>>
        %dma_wait3A_447 = tpu.memref_squeeze %dma_wait3A_446 : memref<1x3x128xi32, #tpu.memory_space<hbm>> -> memref<3x128xi32, #tpu.memory_space<hbm>>
        tpu.wait_dma2 semaphore(%arg16 : memref<!tpu.dma_semaphore, #tpu.memory_space<semaphore_mem>>) src(%dma_wait3A_447 : memref<3x128xi32, #tpu.memory_space<hbm>>) dst(%dma_wait3A_443 : memref<3x128xi32, #tpu.memory_space<vmem>>)
      } else {
      }
    }
    %scan3A_116 = arith.constant 66 : i32
    %dma_start3A_117 = arith.constant 1 : i32
    %dma_start3A_118 = arith.constant 1 : i32
    %dma_start3A_119 = arith.constant 0 : i32
    %dma_start3A_120 = arith.constant 0 : i32
    %dma_start3A_121 = arith.constant 0 : i32
    %dma_start3A_122 = tpu.memref_slice %arg12[%dma_start3A_117, %dma_start3A_120, %dma_start3A_121] : memref<2x384x32xf32, #tpu.memory_space<vmem>> -> memref<1x128x32xf32, #tpu.memory_space<vmem>>
    %dma_start3A_123 = tpu.memref_squeeze %dma_start3A_122 : memref<1x128x32xf32, #tpu.memory_space<vmem>> -> memref<128x32xf32, #tpu.memory_space<vmem>>
    %dma_start3A_124 = arith.constant 0 : i32
    %dma_start3A_125 = tpu.memref_slice %arg11[%dma_start3A_118, %dma_start3A_119, %dma_start3A_124] : memref<2x3x128xi32, #tpu.memory_space<vmem>> -> memref<1x1x128xi32, #tpu.memory_space<vmem>>
    %dma_start3A_126 = tpu.memref_squeeze %dma_start3A_125 : memref<1x1x128xi32, #tpu.memory_space<vmem>> -> memref<128xi32, #tpu.memory_space<vmem>>
    %dma_start3A_127 = arith.constant 0 : i32
    %dma_start3A_128 = arith.constant 0 : i32
    %dma_start3A_129 = tpu.memref_slice %arg13[%dma_start3A_127, %dma_start3A_128] : memref<50048x32xf32, #tpu.memory_space<vmem_shared>> -> memref<50048x32xf32, #tpu.memory_space<vmem_shared>>
    tpu.enqueue_indirect_dma source(%dma_start3A_123 : memref<128x32xf32, #tpu.memory_space<vmem>>) target(%dma_start3A_129 : memref<50048x32xf32, #tpu.memory_space<vmem_shared>>) offsets(%dma_start3A_126 : memref<128xi32, #tpu.memory_space<vmem>>) semaphore(%arg15 : memref<!tpu.dma_semaphore, #tpu.memory_space<semaphore_mem>>) {add = true}
    %dma_start3A_130 = arith.constant 1 : i32
    %dma_start3A_131 = arith.constant 1 : i32
    %dma_start3A_132 = arith.constant 1 : i32
    %dma_start3A_133 = arith.constant 128 : i32
    %dma_start3A_134 = arith.constant 0 : i32
    %dma_start3A_135 = tpu.memref_slice %arg12[%dma_start3A_130, %dma_start3A_133, %dma_start3A_134] : memref<2x384x32xf32, #tpu.memory_space<vmem>> -> memref<1x128x32xf32, #tpu.memory_space<vmem>>
    %dma_start3A_136 = tpu.memref_squeeze %dma_start3A_135 : memref<1x128x32xf32, #tpu.memory_space<vmem>> -> memref<128x32xf32, #tpu.memory_space<vmem>>
    %dma_start3A_137 = arith.constant 0 : i32
    %dma_start3A_138 = tpu.memref_slice %arg11[%dma_start3A_131, %dma_start3A_132, %dma_start3A_137] : memref<2x3x128xi32, #tpu.memory_space<vmem>> -> memref<1x1x128xi32, #tpu.memory_space<vmem>>
    %dma_start3A_139 = tpu.memref_squeeze %dma_start3A_138 : memref<1x1x128xi32, #tpu.memory_space<vmem>> -> memref<128xi32, #tpu.memory_space<vmem>>
    %dma_start3A_140 = arith.constant 0 : i32
    %dma_start3A_141 = arith.constant 0 : i32
    %dma_start3A_142 = tpu.memref_slice %arg13[%dma_start3A_140, %dma_start3A_141] : memref<50048x32xf32, #tpu.memory_space<vmem_shared>> -> memref<50048x32xf32, #tpu.memory_space<vmem_shared>>
    tpu.enqueue_indirect_dma source(%dma_start3A_136 : memref<128x32xf32, #tpu.memory_space<vmem>>) target(%dma_start3A_142 : memref<50048x32xf32, #tpu.memory_space<vmem_shared>>) offsets(%dma_start3A_139 : memref<128xi32, #tpu.memory_space<vmem>>) semaphore(%arg15 : memref<!tpu.dma_semaphore, #tpu.memory_space<semaphore_mem>>) {add = true}
    %dma_start3A_143 = arith.constant 1 : i32
    %dma_start3A_144 = arith.constant 1 : i32
    %dma_start3A_145 = arith.constant 2 : i32
    %dma_start3A_146 = arith.constant 256 : i32
    %dma_start3A_147 = arith.constant 0 : i32
    %dma_start3A_148 = tpu.memref_slice %arg12[%dma_start3A_143, %dma_start3A_146, %dma_start3A_147] : memref<2x384x32xf32, #tpu.memory_space<vmem>> -> memref<1x128x32xf32, #tpu.memory_space<vmem>>
    %dma_start3A_149 = tpu.memref_squeeze %dma_start3A_148 : memref<1x128x32xf32, #tpu.memory_space<vmem>> -> memref<128x32xf32, #tpu.memory_space<vmem>>
    %dma_start3A_150 = arith.constant 0 : i32
    %dma_start3A_151 = tpu.memref_slice %arg11[%dma_start3A_144, %dma_start3A_145, %dma_start3A_150] : memref<2x3x128xi32, #tpu.memory_space<vmem>> -> memref<1x1x128xi32, #tpu.memory_space<vmem>>
    %dma_start3A_152 = tpu.memref_squeeze %dma_start3A_151 : memref<1x1x128xi32, #tpu.memory_space<vmem>> -> memref<128xi32, #tpu.memory_space<vmem>>
    %dma_start3A_153 = arith.constant 0 : i32
    %dma_start3A_154 = arith.constant 0 : i32
    %dma_start3A_155 = tpu.memref_slice %arg13[%dma_start3A_153, %dma_start3A_154] : memref<50048x32xf32, #tpu.memory_space<vmem_shared>> -> memref<50048x32xf32, #tpu.memory_space<vmem_shared>>
    tpu.enqueue_indirect_dma source(%dma_start3A_149 : memref<128x32xf32, #tpu.memory_space<vmem>>) target(%dma_start3A_155 : memref<50048x32xf32, #tpu.memory_space<vmem_shared>>) offsets(%dma_start3A_152 : memref<128xi32, #tpu.memory_space<vmem>>) semaphore(%arg15 : memref<!tpu.dma_semaphore, #tpu.memory_space<semaphore_mem>>) {add = true}
    %dma_wait3A_156 = arith.constant 1 : i32
    %dma_wait3A_157 = arith.constant 1 : i32
    %dma_wait3A_158 = arith.constant 0 : i32
    %dma_wait3A_159 = arith.constant 0 : i32
    %dma_wait3A_160 = arith.constant 0 : i32
    %dma_wait3A_161 = tpu.memref_slice %arg12[%dma_wait3A_156, %dma_wait3A_159, %dma_wait3A_160] : memref<2x384x32xf32, #tpu.memory_space<vmem>> -> memref<1x128x32xf32, #tpu.memory_space<vmem>>
    %dma_wait3A_162 = tpu.memref_squeeze %dma_wait3A_161 : memref<1x128x32xf32, #tpu.memory_space<vmem>> -> memref<128x32xf32, #tpu.memory_space<vmem>>
    %dma_wait3A_163 = arith.constant 0 : i32
    %dma_wait3A_164 = tpu.memref_slice %arg11[%dma_wait3A_157, %dma_wait3A_158, %dma_wait3A_163] : memref<2x3x128xi32, #tpu.memory_space<vmem>> -> memref<1x1x128xi32, #tpu.memory_space<vmem>>
    %dma_wait3A_165 = tpu.memref_squeeze %dma_wait3A_164 : memref<1x1x128xi32, #tpu.memory_space<vmem>> -> memref<128xi32, #tpu.memory_space<vmem>>
    %dma_wait3A_166 = arith.constant 0 : i32
    %dma_wait3A_167 = arith.constant 0 : i32
    %dma_wait3A_168 = tpu.memref_slice %arg13[%dma_wait3A_166, %dma_wait3A_167] : memref<50048x32xf32, #tpu.memory_space<vmem_shared>> -> memref<50048x32xf32, #tpu.memory_space<vmem_shared>>
    tpu.wait_indirect_dma semaphore(%arg15 : memref<!tpu.dma_semaphore, #tpu.memory_space<semaphore_mem>>) src(%dma_wait3A_162 : memref<128x32xf32, #tpu.memory_space<vmem>>) dst(%dma_wait3A_168 : memref<50048x32xf32, #tpu.memory_space<vmem_shared>>)
    %dma_wait3A_169 = arith.constant 1 : i32
    %dma_wait3A_170 = arith.constant 1 : i32
    %dma_wait3A_171 = arith.constant 1 : i32
    %dma_wait3A_172 = arith.constant 128 : i32
    %dma_wait3A_173 = arith.constant 0 : i32
    %dma_wait3A_174 = tpu.memref_slice %arg12[%dma_wait3A_169, %dma_wait3A_172, %dma_wait3A_173] : memref<2x384x32xf32, #tpu.memory_space<vmem>> -> memref<1x128x32xf32, #tpu.memory_space<vmem>>
    %dma_wait3A_175 = tpu.memref_squeeze %dma_wait3A_174 : memref<1x128x32xf32, #tpu.memory_space<vmem>> -> memref<128x32xf32, #tpu.memory_space<vmem>>
    %dma_wait3A_176 = arith.constant 0 : i32
    %dma_wait3A_177 = tpu.memref_slice %arg11[%dma_wait3A_170, %dma_wait3A_171, %dma_wait3A_176] : memref<2x3x128xi32, #tpu.memory_space<vmem>> -> memref<1x1x128xi32, #tpu.memory_space<vmem>>
    %dma_wait3A_178 = tpu.memref_squeeze %dma_wait3A_177 : memref<1x1x128xi32, #tpu.memory_space<vmem>> -> memref<128xi32, #tpu.memory_space<vmem>>
    %dma_wait3A_179 = arith.constant 0 : i32
    %dma_wait3A_180 = arith.constant 0 : i32
    %dma_wait3A_181 = tpu.memref_slice %arg13[%dma_wait3A_179, %dma_wait3A_180] : memref<50048x32xf32, #tpu.memory_space<vmem_shared>> -> memref<50048x32xf32, #tpu.memory_space<vmem_shared>>
    tpu.wait_indirect_dma semaphore(%arg15 : memref<!tpu.dma_semaphore, #tpu.memory_space<semaphore_mem>>) src(%dma_wait3A_175 : memref<128x32xf32, #tpu.memory_space<vmem>>) dst(%dma_wait3A_181 : memref<50048x32xf32, #tpu.memory_space<vmem_shared>>)
    %dma_wait3A_182 = arith.constant 1 : i32
    %dma_wait3A_183 = arith.constant 1 : i32
    %dma_wait3A_184 = arith.constant 2 : i32
    %dma_wait3A_185 = arith.constant 256 : i32
    %dma_wait3A_186 = arith.constant 0 : i32
    %dma_wait3A_187 = tpu.memref_slice %arg12[%dma_wait3A_182, %dma_wait3A_185, %dma_wait3A_186] : memref<2x384x32xf32, #tpu.memory_space<vmem>> -> memref<1x128x32xf32, #tpu.memory_space<vmem>>
    %dma_wait3A_188 = tpu.memref_squeeze %dma_wait3A_187 : memref<1x128x32xf32, #tpu.memory_space<vmem>> -> memref<128x32xf32, #tpu.memory_space<vmem>>
    %dma_wait3A_189 = arith.constant 0 : i32
    %dma_wait3A_190 = tpu.memref_slice %arg11[%dma_wait3A_183, %dma_wait3A_184, %dma_wait3A_189] : memref<2x3x128xi32, #tpu.memory_space<vmem>> -> memref<1x1x128xi32, #tpu.memory_space<vmem>>
    %dma_wait3A_191 = tpu.memref_squeeze %dma_wait3A_190 : memref<1x1x128xi32, #tpu.memory_space<vmem>> -> memref<128xi32, #tpu.memory_space<vmem>>
    %dma_wait3A_192 = arith.constant 0 : i32
    %dma_wait3A_193 = arith.constant 0 : i32
    %dma_wait3A_194 = tpu.memref_slice %arg13[%dma_wait3A_192, %dma_wait3A_193] : memref<50048x32xf32, #tpu.memory_space<vmem_shared>> -> memref<50048x32xf32, #tpu.memory_space<vmem_shared>>
    tpu.wait_indirect_dma semaphore(%arg15 : memref<!tpu.dma_semaphore, #tpu.memory_space<semaphore_mem>>) src(%dma_wait3A_188 : memref<128x32xf32, #tpu.memory_space<vmem>>) dst(%dma_wait3A_194 : memref<50048x32xf32, #tpu.memory_space<vmem_shared>>)
    %barrier3A_195 = arith.constant 0 : index
    tpu.barrier barrier_id(%barrier3A_195)
    %mul3A_196 = arith.constant 50048 : i32
    %mul3A_197 = arith.muli %arg0, %mul3A_196 : i32
    %add3A_198 = arith.addi %mul3A_197, %mul3A_0 : i32
    %dma_start3A_199 = arith.constant 0 : i32
    %dma_start3A_200 = tpu.memref_slice %arg8[%add3A_198, %dma_start3A_199] : memref<100096x32xf32, #tpu.memory_space<hbm>> -> memref<3128x32xf32, #tpu.memory_space<hbm>>
    %dma_start3A_201 = arith.constant 0 : i32
    %dma_start3A_202 = tpu.memref_slice %arg13[%mul3A_0, %dma_start3A_201] : memref<50048x32xf32, #tpu.memory_space<vmem_shared>> -> memref<3128x32xf32, #tpu.memory_space<vmem_shared>>
    tpu.enqueue_dma source(%dma_start3A_202 : memref<3128x32xf32, #tpu.memory_space<vmem_shared>>) target(%dma_start3A_200 : memref<3128x32xf32, #tpu.memory_space<hbm>>) target_semaphore(%arg17 : memref<!tpu.dma_semaphore, #tpu.memory_space<semaphore_mem>>)
    %dma_wait3A_203 = arith.constant 0 : i32
    %dma_wait3A_204 = tpu.memref_slice %arg8[%add3A_198, %dma_wait3A_203] : memref<100096x32xf32, #tpu.memory_space<hbm>> -> memref<3128x32xf32, #tpu.memory_space<hbm>>
    %dma_wait3A_205 = arith.constant 0 : i32
    %dma_wait3A_206 = tpu.memref_slice %arg13[%mul3A_0, %dma_wait3A_205] : memref<50048x32xf32, #tpu.memory_space<vmem_shared>> -> memref<3128x32xf32, #tpu.memory_space<vmem_shared>>
    tpu.wait_dma2 semaphore(%arg17 : memref<!tpu.dma_semaphore, #tpu.memory_space<semaphore_mem>>) src(%dma_wait3A_206 : memref<3128x32xf32, #tpu.memory_space<vmem_shared>>) dst(%dma_wait3A_204 : memref<3128x32xf32, #tpu.memory_space<hbm>>)
    "tpu.region"() ({
      %run_scoped3A_314 = tpu.sem_alloc : memref<!tpu.dma_semaphore, #tpu.memory_space<semaphore_mem>>
      %dma_start3A_315 = arith.constant 0 : i32
      %dma_start3A_316 = tpu.memref_slice %arg13[%mul3A_0, %dma_start3A_315] : memref<50048x32xf32, #tpu.memory_space<vmem_shared>> -> memref<3128x32xf32, #tpu.memory_space<vmem_shared>>
      tpu.enqueue_dma source(%arg6 : memref<3128x32xf32, #tpu.memory_space<hbm>>) target(%dma_start3A_316 : memref<3128x32xf32, #tpu.memory_space<vmem_shared>>) target_semaphore(%run_scoped3A_314 : memref<!tpu.dma_semaphore, #tpu.memory_space<semaphore_mem>>)
      %dma_wait3A_317 = arith.constant 0 : i32
      %dma_wait3A_318 = tpu.memref_slice %arg13[%mul3A_0, %dma_wait3A_317] : memref<50048x32xf32, #tpu.memory_space<vmem_shared>> -> memref<3128x32xf32, #tpu.memory_space<vmem_shared>>
      tpu.wait_dma2 semaphore(%run_scoped3A_314 : memref<!tpu.dma_semaphore, #tpu.memory_space<semaphore_mem>>) src(%arg6 : memref<3128x32xf32, #tpu.memory_space<hbm>>) dst(%dma_wait3A_318 : memref<3128x32xf32, #tpu.memory_space<vmem_shared>>)
      tpu.yield
    }) : () -> ()
    %barrier3A_207 = arith.constant 0 : index
    tpu.barrier barrier_id(%barrier3A_207)
    %mul3A_208 = arith.constant 16 : i32
    %mul3A_209 = arith.muli %arg0, %mul3A_208 : i32
    %add3A_210 = arith.addi %mul3A_209, %arg1 : i32
    %mul3A_211 = arith.constant 132 : i32
    %mul3A_212 = arith.muli %add3A_210, %mul3A_211 : i32
    %run_scoped3A_213 = arith.constant 0 : i32
    "tpu.region"() ({
      %run_scoped3A_314 = tpu.sem_alloc : memref<!tpu.dma_semaphore, #tpu.memory_space<semaphore_mem>>
      %dma_start3A_315 = arith.constant 0 : i32
      %dma_start3A_316 = tpu.memref_slice %arg10[%run_scoped3A_213, %dma_start3A_315] : memref<2x384xi32, #tpu.memory_space<vmem>> -> memref<1x384xi32, #tpu.memory_space<vmem>>
      %dma_start3A_317 = tpu.memref_squeeze %dma_start3A_316 : memref<1x384xi32, #tpu.memory_space<vmem>> -> memref<384xi32, #tpu.memory_space<vmem>>
      %dma_start3A_318 = arith.constant 0 : i32
      %dma_start3A_319 = tpu.memref_slice %arg4[%mul3A_212, %dma_start3A_318] : memref<4224x384xi32, #tpu.memory_space<hbm>> -> memref<1x384xi32, #tpu.memory_space<hbm>>
      %dma_start3A_320 = tpu.memref_squeeze %dma_start3A_319 : memref<1x384xi32, #tpu.memory_space<hbm>> -> memref<384xi32, #tpu.memory_space<hbm>>
      %dma_start3A_321 = arith.constant 0 : i32
      %dma_start3A_322 = tpu.memref_slice %arg10[%run_scoped3A_213, %dma_start3A_321] : memref<2x384xi32, #tpu.memory_space<vmem>> -> memref<1x384xi32, #tpu.memory_space<vmem>>
      %dma_start3A_323 = tpu.memref_squeeze %dma_start3A_322 : memref<1x384xi32, #tpu.memory_space<vmem>> -> memref<384xi32, #tpu.memory_space<vmem>>
      %dma_start3A_324 = arith.constant 0 : i32
      %dma_start3A_325 = tpu.memref_slice %arg4[%mul3A_212, %dma_start3A_324] : memref<4224x384xi32, #tpu.memory_space<hbm>> -> memref<1x384xi32, #tpu.memory_space<hbm>>
      %dma_start3A_326 = tpu.memref_squeeze %dma_start3A_325 : memref<1x384xi32, #tpu.memory_space<hbm>> -> memref<384xi32, #tpu.memory_space<hbm>>
      tpu.enqueue_dma source(%dma_start3A_326 : memref<384xi32, #tpu.memory_space<hbm>>) target(%dma_start3A_323 : memref<384xi32, #tpu.memory_space<vmem>>) target_semaphore(%run_scoped3A_314 : memref<!tpu.dma_semaphore, #tpu.memory_space<semaphore_mem>>)
      %dma_wait3A_327 = arith.constant 0 : i32
      %dma_wait3A_328 = tpu.memref_slice %arg10[%run_scoped3A_213, %dma_wait3A_327] : memref<2x384xi32, #tpu.memory_space<vmem>> -> memref<1x384xi32, #tpu.memory_space<vmem>>
      %dma_wait3A_329 = tpu.memref_squeeze %dma_wait3A_328 : memref<1x384xi32, #tpu.memory_space<vmem>> -> memref<384xi32, #tpu.memory_space<vmem>>
      %dma_wait3A_330 = arith.constant 0 : i32
      %dma_wait3A_331 = tpu.memref_slice %arg4[%mul3A_212, %dma_wait3A_330] : memref<4224x384xi32, #tpu.memory_space<hbm>> -> memref<1x384xi32, #tpu.memory_space<hbm>>
      %dma_wait3A_332 = tpu.memref_squeeze %dma_wait3A_331 : memref<1x384xi32, #tpu.memory_space<hbm>> -> memref<384xi32, #tpu.memory_space<hbm>>
      %dma_wait3A_333 = arith.constant 0 : i32
      %dma_wait3A_334 = tpu.memref_slice %arg10[%run_scoped3A_213, %dma_wait3A_333] : memref<2x384xi32, #tpu.memory_space<vmem>> -> memref<1x384xi32, #tpu.memory_space<vmem>>
      %dma_wait3A_335 = tpu.memref_squeeze %dma_wait3A_334 : memref<1x384xi32, #tpu.memory_space<vmem>> -> memref<384xi32, #tpu.memory_space<vmem>>
      %dma_wait3A_336 = arith.constant 0 : i32
      %dma_wait3A_337 = tpu.memref_slice %arg4[%mul3A_212, %dma_wait3A_336] : memref<4224x384xi32, #tpu.memory_space<hbm>> -> memref<1x384xi32, #tpu.memory_space<hbm>>
      %dma_wait3A_338 = tpu.memref_squeeze %dma_wait3A_337 : memref<1x384xi32, #tpu.memory_space<hbm>> -> memref<384xi32, #tpu.memory_space<hbm>>
      tpu.wait_dma2 semaphore(%run_scoped3A_314 : memref<!tpu.dma_semaphore, #tpu.memory_space<semaphore_mem>>) src(%dma_wait3A_338 : memref<384xi32, #tpu.memory_space<hbm>>) dst(%dma_wait3A_335 : memref<384xi32, #tpu.memory_space<vmem>>)
      tpu.yield
    }) : () -> ()
    %mul3A_214 = arith.constant 132 : i32
    %mul3A_215 = arith.muli %arg1, %mul3A_214 : i32
    %run_scoped3A_216 = arith.constant 0 : i32
    "tpu.region"() ({
      %run_scoped3A_314 = tpu.sem_alloc : memref<!tpu.dma_semaphore, #tpu.memory_space<semaphore_mem>>
      %dma_start3A_315 = arith.constant 0 : i32
      %dma_start3A_316 = arith.constant 0 : i32
      %dma_start3A_317 = tpu.memref_slice %arg11[%run_scoped3A_216, %dma_start3A_315, %dma_start3A_316] : memref<2x3x128xi32, #tpu.memory_space<vmem>> -> memref<1x3x128xi32, #tpu.memory_space<vmem>>
      %dma_start3A_318 = tpu.memref_squeeze %dma_start3A_317 : memref<1x3x128xi32, #tpu.memory_space<vmem>> -> memref<3x128xi32, #tpu.memory_space<vmem>>
      %dma_start3A_319 = arith.constant 0 : i32
      %dma_start3A_320 = arith.constant 0 : i32
      %dma_start3A_321 = tpu.memref_slice %arg5[%mul3A_215, %dma_start3A_319, %dma_start3A_320] : memref<2112x3x128xi32, #tpu.memory_space<hbm>> -> memref<1x3x128xi32, #tpu.memory_space<hbm>>
      %dma_start3A_322 = tpu.memref_squeeze %dma_start3A_321 : memref<1x3x128xi32, #tpu.memory_space<hbm>> -> memref<3x128xi32, #tpu.memory_space<hbm>>
      %dma_start3A_323 = arith.constant 0 : i32
      %dma_start3A_324 = arith.constant 0 : i32
      %dma_start3A_325 = tpu.memref_slice %arg11[%run_scoped3A_216, %dma_start3A_323, %dma_start3A_324] : memref<2x3x128xi32, #tpu.memory_space<vmem>> -> memref<1x3x128xi32, #tpu.memory_space<vmem>>
      %dma_start3A_326 = tpu.memref_squeeze %dma_start3A_325 : memref<1x3x128xi32, #tpu.memory_space<vmem>> -> memref<3x128xi32, #tpu.memory_space<vmem>>
      %dma_start3A_327 = arith.constant 0 : i32
      %dma_start3A_328 = arith.constant 0 : i32
      %dma_start3A_329 = tpu.memref_slice %arg5[%mul3A_215, %dma_start3A_327, %dma_start3A_328] : memref<2112x3x128xi32, #tpu.memory_space<hbm>> -> memref<1x3x128xi32, #tpu.memory_space<hbm>>
      %dma_start3A_330 = tpu.memref_squeeze %dma_start3A_329 : memref<1x3x128xi32, #tpu.memory_space<hbm>> -> memref<3x128xi32, #tpu.memory_space<hbm>>
      tpu.enqueue_dma source(%dma_start3A_330 : memref<3x128xi32, #tpu.memory_space<hbm>>) target(%dma_start3A_326 : memref<3x128xi32, #tpu.memory_space<vmem>>) target_semaphore(%run_scoped3A_314 : memref<!tpu.dma_semaphore, #tpu.memory_space<semaphore_mem>>)
      %dma_wait3A_331 = arith.constant 0 : i32
      %dma_wait3A_332 = arith.constant 0 : i32
      %dma_wait3A_333 = tpu.memref_slice %arg11[%run_scoped3A_216, %dma_wait3A_331, %dma_wait3A_332] : memref<2x3x128xi32, #tpu.memory_space<vmem>> -> memref<1x3x128xi32, #tpu.memory_space<vmem>>
      %dma_wait3A_334 = tpu.memref_squeeze %dma_wait3A_333 : memref<1x3x128xi32, #tpu.memory_space<vmem>> -> memref<3x128xi32, #tpu.memory_space<vmem>>
      %dma_wait3A_335 = arith.constant 0 : i32
      %dma_wait3A_336 = arith.constant 0 : i32
      %dma_wait3A_337 = tpu.memref_slice %arg5[%mul3A_215, %dma_wait3A_335, %dma_wait3A_336] : memref<2112x3x128xi32, #tpu.memory_space<hbm>> -> memref<1x3x128xi32, #tpu.memory_space<hbm>>
      %dma_wait3A_338 = tpu.memref_squeeze %dma_wait3A_337 : memref<1x3x128xi32, #tpu.memory_space<hbm>> -> memref<3x128xi32, #tpu.memory_space<hbm>>
      %dma_wait3A_339 = arith.constant 0 : i32
      %dma_wait3A_340 = arith.constant 0 : i32
      %dma_wait3A_341 = tpu.memref_slice %arg11[%run_scoped3A_216, %dma_wait3A_339, %dma_wait3A_340] : memref<2x3x128xi32, #tpu.memory_space<vmem>> -> memref<1x3x128xi32, #tpu.memory_space<vmem>>
      %dma_wait3A_342 = tpu.memref_squeeze %dma_wait3A_341 : memref<1x3x128xi32, #tpu.memory_space<vmem>> -> memref<3x128xi32, #tpu.memory_space<vmem>>
      %dma_wait3A_343 = arith.constant 0 : i32
      %dma_wait3A_344 = arith.constant 0 : i32
      %dma_wait3A_345 = tpu.memref_slice %arg5[%mul3A_215, %dma_wait3A_343, %dma_wait3A_344] : memref<2112x3x128xi32, #tpu.memory_space<hbm>> -> memref<1x3x128xi32, #tpu.memory_space<hbm>>
      %dma_wait3A_346 = tpu.memref_squeeze %dma_wait3A_345 : memref<1x3x128xi32, #tpu.memory_space<hbm>> -> memref<3x128xi32, #tpu.memory_space<hbm>>
      tpu.wait_dma2 semaphore(%run_scoped3A_314 : memref<!tpu.dma_semaphore, #tpu.memory_space<semaphore_mem>>) src(%dma_wait3A_346 : memref<3x128xi32, #tpu.memory_space<hbm>>) dst(%dma_wait3A_342 : memref<3x128xi32, #tpu.memory_space<vmem>>)
      tpu.yield
    }) : () -> ()
    %scan3A_217 = arith.constant 0 : i32
    %scan3A_218 = arith.constant 0 : i32
    %scan3A_219 = arith.constant 66 : i32
    %scan3A_220 = arith.addi %scan3A_218, %scan3A_219 : i32
    %scan3A_221 = arith.constant 1 : i32
    scf.for %scan3A_314 = %scan3A_218 to %scan3A_220 step %scan3A_221  : i32 {
      %mul3A_315 = arith.constant 2 : i32
      %mul3A_316 = arith.muli %mul3A_315, %scan3A_314 : i32
      %add3A_317 = arith.constant 0 : i32
      %add3A_318 = arith.addi %mul3A_316, %add3A_317 : i32
      %dma_start3A_319 = arith.constant 0 : i32
      %dma_start3A_320 = arith.constant 0 : i32
      %dma_start3A_321 = arith.constant 0 : i32
      %dma_start3A_322 = arith.constant 0 : i32
      %dma_start3A_323 = tpu.memref_slice %arg12[%dma_start3A_320, %dma_start3A_321, %dma_start3A_322] : memref<2x384x32xf32, #tpu.memory_space<vmem>> -> memref<1x384x32xf32, #tpu.memory_space<vmem>>
      %dma_start3A_324 = tpu.memref_squeeze %dma_start3A_323 : memref<1x384x32xf32, #tpu.memory_space<vmem>> -> memref<384x32xf32, #tpu.memory_space<vmem>>
      %dma_start3A_325 = arith.constant 0 : i32
      %dma_start3A_326 = tpu.memref_slice %arg10[%dma_start3A_319, %dma_start3A_325] : memref<2x384xi32, #tpu.memory_space<vmem>> -> memref<1x384xi32, #tpu.memory_space<vmem>>
      %dma_start3A_327 = tpu.memref_squeeze %dma_start3A_326 : memref<1x384xi32, #tpu.memory_space<vmem>> -> memref<384xi32, #tpu.memory_space<vmem>>
      %dma_start3A_328 = arith.constant 0 : i32
      %dma_start3A_329 = arith.constant 0 : i32
      %dma_start3A_330 = tpu.memref_slice %arg8[%dma_start3A_328, %dma_start3A_329] : memref<100096x32xf32, #tpu.memory_space<hbm>> -> memref<100096x32xf32, #tpu.memory_space<hbm>>
      tpu.enqueue_indirect_dma source(%dma_start3A_330 : memref<100096x32xf32, #tpu.memory_space<hbm>>) target(%dma_start3A_324 : memref<384x32xf32, #tpu.memory_space<vmem>>) offsets(%dma_start3A_327 : memref<384xi32, #tpu.memory_space<vmem>>) semaphore(%arg14 : memref<!tpu.dma_semaphore, #tpu.memory_space<semaphore_mem>>)
      %gt3A = arith.constant 0 : i32
      %gt3A_331 = arith.cmpi sgt, %add3A_318, %gt3A : i32
      %convert_element_type3A = arith.extui %gt3A_331 : i1 to i32
      %cond3A = arith.constant 0 : i32
      %cond3A_332 = arith.cmpi ne, %convert_element_type3A, %cond3A : i32
      scf.if %cond3A_332 {
        %dma_start3A_405 = arith.constant 1 : i32
        %dma_start3A_406 = arith.constant 1 : i32
        %dma_start3A_407 = arith.constant 0 : i32
        %dma_start3A_408 = arith.constant 0 : i32
        %dma_start3A_409 = arith.constant 0 : i32
        %dma_start3A_410 = tpu.memref_slice %arg12[%dma_start3A_405, %dma_start3A_408, %dma_start3A_409] : memref<2x384x32xf32, #tpu.memory_space<vmem>> -> memref<1x128x32xf32, #tpu.memory_space<vmem>>
        %dma_start3A_411 = tpu.memref_squeeze %dma_start3A_410 : memref<1x128x32xf32, #tpu.memory_space<vmem>> -> memref<128x32xf32, #tpu.memory_space<vmem>>
        %dma_start3A_412 = arith.constant 0 : i32
        %dma_start3A_413 = tpu.memref_slice %arg11[%dma_start3A_406, %dma_start3A_407, %dma_start3A_412] : memref<2x3x128xi32, #tpu.memory_space<vmem>> -> memref<1x1x128xi32, #tpu.memory_space<vmem>>
        %dma_start3A_414 = tpu.memref_squeeze %dma_start3A_413 : memref<1x1x128xi32, #tpu.memory_space<vmem>> -> memref<128xi32, #tpu.memory_space<vmem>>
        %dma_start3A_415 = arith.constant 0 : i32
        %dma_start3A_416 = arith.constant 0 : i32
        %dma_start3A_417 = tpu.memref_slice %arg13[%dma_start3A_415, %dma_start3A_416] : memref<50048x32xf32, #tpu.memory_space<vmem_shared>> -> memref<50048x32xf32, #tpu.memory_space<vmem_shared>>
        tpu.enqueue_indirect_dma source(%dma_start3A_411 : memref<128x32xf32, #tpu.memory_space<vmem>>) target(%dma_start3A_417 : memref<50048x32xf32, #tpu.memory_space<vmem_shared>>) offsets(%dma_start3A_414 : memref<128xi32, #tpu.memory_space<vmem>>) semaphore(%arg15 : memref<!tpu.dma_semaphore, #tpu.memory_space<semaphore_mem>>) {add = true}
        %dma_start3A_418 = arith.constant 1 : i32
        %dma_start3A_419 = arith.constant 1 : i32
        %dma_start3A_420 = arith.constant 1 : i32
        %dma_start3A_421 = arith.constant 128 : i32
        %dma_start3A_422 = arith.constant 0 : i32
        %dma_start3A_423 = tpu.memref_slice %arg12[%dma_start3A_418, %dma_start3A_421, %dma_start3A_422] : memref<2x384x32xf32, #tpu.memory_space<vmem>> -> memref<1x128x32xf32, #tpu.memory_space<vmem>>
        %dma_start3A_424 = tpu.memref_squeeze %dma_start3A_423 : memref<1x128x32xf32, #tpu.memory_space<vmem>> -> memref<128x32xf32, #tpu.memory_space<vmem>>
        %dma_start3A_425 = arith.constant 0 : i32
        %dma_start3A_426 = tpu.memref_slice %arg11[%dma_start3A_419, %dma_start3A_420, %dma_start3A_425] : memref<2x3x128xi32, #tpu.memory_space<vmem>> -> memref<1x1x128xi32, #tpu.memory_space<vmem>>
        %dma_start3A_427 = tpu.memref_squeeze %dma_start3A_426 : memref<1x1x128xi32, #tpu.memory_space<vmem>> -> memref<128xi32, #tpu.memory_space<vmem>>
        %dma_start3A_428 = arith.constant 0 : i32
        %dma_start3A_429 = arith.constant 0 : i32
        %dma_start3A_430 = tpu.memref_slice %arg13[%dma_start3A_428, %dma_start3A_429] : memref<50048x32xf32, #tpu.memory_space<vmem_shared>> -> memref<50048x32xf32, #tpu.memory_space<vmem_shared>>
        tpu.enqueue_indirect_dma source(%dma_start3A_424 : memref<128x32xf32, #tpu.memory_space<vmem>>) target(%dma_start3A_430 : memref<50048x32xf32, #tpu.memory_space<vmem_shared>>) offsets(%dma_start3A_427 : memref<128xi32, #tpu.memory_space<vmem>>) semaphore(%arg15 : memref<!tpu.dma_semaphore, #tpu.memory_space<semaphore_mem>>) {add = true}
        %dma_start3A_431 = arith.constant 1 : i32
        %dma_start3A_432 = arith.constant 1 : i32
        %dma_start3A_433 = arith.constant 2 : i32
        %dma_start3A_434 = arith.constant 256 : i32
        %dma_start3A_435 = arith.constant 0 : i32
        %dma_start3A_436 = tpu.memref_slice %arg12[%dma_start3A_431, %dma_start3A_434, %dma_start3A_435] : memref<2x384x32xf32, #tpu.memory_space<vmem>> -> memref<1x128x32xf32, #tpu.memory_space<vmem>>
        %dma_start3A_437 = tpu.memref_squeeze %dma_start3A_436 : memref<1x128x32xf32, #tpu.memory_space<vmem>> -> memref<128x32xf32, #tpu.memory_space<vmem>>
        %dma_start3A_438 = arith.constant 0 : i32
        %dma_start3A_439 = tpu.memref_slice %arg11[%dma_start3A_432, %dma_start3A_433, %dma_start3A_438] : memref<2x3x128xi32, #tpu.memory_space<vmem>> -> memref<1x1x128xi32, #tpu.memory_space<vmem>>
        %dma_start3A_440 = tpu.memref_squeeze %dma_start3A_439 : memref<1x1x128xi32, #tpu.memory_space<vmem>> -> memref<128xi32, #tpu.memory_space<vmem>>
        %dma_start3A_441 = arith.constant 0 : i32
        %dma_start3A_442 = arith.constant 0 : i32
        %dma_start3A_443 = tpu.memref_slice %arg13[%dma_start3A_441, %dma_start3A_442] : memref<50048x32xf32, #tpu.memory_space<vmem_shared>> -> memref<50048x32xf32, #tpu.memory_space<vmem_shared>>
        tpu.enqueue_indirect_dma source(%dma_start3A_437 : memref<128x32xf32, #tpu.memory_space<vmem>>) target(%dma_start3A_443 : memref<50048x32xf32, #tpu.memory_space<vmem_shared>>) offsets(%dma_start3A_440 : memref<128xi32, #tpu.memory_space<vmem>>) semaphore(%arg15 : memref<!tpu.dma_semaphore, #tpu.memory_space<semaphore_mem>>) {add = true}
        %dma_wait3A_444 = arith.constant 1 : i32
        %dma_wait3A_445 = arith.constant 1 : i32
        %dma_wait3A_446 = arith.constant 0 : i32
        %dma_wait3A_447 = arith.constant 0 : i32
        %dma_wait3A_448 = arith.constant 0 : i32
        %dma_wait3A_449 = tpu.memref_slice %arg12[%dma_wait3A_444, %dma_wait3A_447, %dma_wait3A_448] : memref<2x384x32xf32, #tpu.memory_space<vmem>> -> memref<1x128x32xf32, #tpu.memory_space<vmem>>
        %dma_wait3A_450 = tpu.memref_squeeze %dma_wait3A_449 : memref<1x128x32xf32, #tpu.memory_space<vmem>> -> memref<128x32xf32, #tpu.memory_space<vmem>>
        %dma_wait3A_451 = arith.constant 0 : i32
        %dma_wait3A_452 = tpu.memref_slice %arg11[%dma_wait3A_445, %dma_wait3A_446, %dma_wait3A_451] : memref<2x3x128xi32, #tpu.memory_space<vmem>> -> memref<1x1x128xi32, #tpu.memory_space<vmem>>
        %dma_wait3A_453 = tpu.memref_squeeze %dma_wait3A_452 : memref<1x1x128xi32, #tpu.memory_space<vmem>> -> memref<128xi32, #tpu.memory_space<vmem>>
        %dma_wait3A_454 = arith.constant 0 : i32
        %dma_wait3A_455 = arith.constant 0 : i32
        %dma_wait3A_456 = tpu.memref_slice %arg13[%dma_wait3A_454, %dma_wait3A_455] : memref<50048x32xf32, #tpu.memory_space<vmem_shared>> -> memref<50048x32xf32, #tpu.memory_space<vmem_shared>>
        tpu.wait_indirect_dma semaphore(%arg15 : memref<!tpu.dma_semaphore, #tpu.memory_space<semaphore_mem>>) src(%dma_wait3A_450 : memref<128x32xf32, #tpu.memory_space<vmem>>) dst(%dma_wait3A_456 : memref<50048x32xf32, #tpu.memory_space<vmem_shared>>)
        %dma_wait3A_457 = arith.constant 1 : i32
        %dma_wait3A_458 = arith.constant 1 : i32
        %dma_wait3A_459 = arith.constant 1 : i32
        %dma_wait3A_460 = arith.constant 128 : i32
        %dma_wait3A_461 = arith.constant 0 : i32
        %dma_wait3A_462 = tpu.memref_slice %arg12[%dma_wait3A_457, %dma_wait3A_460, %dma_wait3A_461] : memref<2x384x32xf32, #tpu.memory_space<vmem>> -> memref<1x128x32xf32, #tpu.memory_space<vmem>>
        %dma_wait3A_463 = tpu.memref_squeeze %dma_wait3A_462 : memref<1x128x32xf32, #tpu.memory_space<vmem>> -> memref<128x32xf32, #tpu.memory_space<vmem>>
        %dma_wait3A_464 = arith.constant 0 : i32
        %dma_wait3A_465 = tpu.memref_slice %arg11[%dma_wait3A_458, %dma_wait3A_459, %dma_wait3A_464] : memref<2x3x128xi32, #tpu.memory_space<vmem>> -> memref<1x1x128xi32, #tpu.memory_space<vmem>>
        %dma_wait3A_466 = tpu.memref_squeeze %dma_wait3A_465 : memref<1x1x128xi32, #tpu.memory_space<vmem>> -> memref<128xi32, #tpu.memory_space<vmem>>
        %dma_wait3A_467 = arith.constant 0 : i32
        %dma_wait3A_468 = arith.constant 0 : i32
        %dma_wait3A_469 = tpu.memref_slice %arg13[%dma_wait3A_467, %dma_wait3A_468] : memref<50048x32xf32, #tpu.memory_space<vmem_shared>> -> memref<50048x32xf32, #tpu.memory_space<vmem_shared>>
        tpu.wait_indirect_dma semaphore(%arg15 : memref<!tpu.dma_semaphore, #tpu.memory_space<semaphore_mem>>) src(%dma_wait3A_463 : memref<128x32xf32, #tpu.memory_space<vmem>>) dst(%dma_wait3A_469 : memref<50048x32xf32, #tpu.memory_space<vmem_shared>>)
        %dma_wait3A_470 = arith.constant 1 : i32
        %dma_wait3A_471 = arith.constant 1 : i32
        %dma_wait3A_472 = arith.constant 2 : i32
        %dma_wait3A_473 = arith.constant 256 : i32
        %dma_wait3A_474 = arith.constant 0 : i32
        %dma_wait3A_475 = tpu.memref_slice %arg12[%dma_wait3A_470, %dma_wait3A_473, %dma_wait3A_474] : memref<2x384x32xf32, #tpu.memory_space<vmem>> -> memref<1x128x32xf32, #tpu.memory_space<vmem>>
        %dma_wait3A_476 = tpu.memref_squeeze %dma_wait3A_475 : memref<1x128x32xf32, #tpu.memory_space<vmem>> -> memref<128x32xf32, #tpu.memory_space<vmem>>
        %dma_wait3A_477 = arith.constant 0 : i32
        %dma_wait3A_478 = tpu.memref_slice %arg11[%dma_wait3A_471, %dma_wait3A_472, %dma_wait3A_477] : memref<2x3x128xi32, #tpu.memory_space<vmem>> -> memref<1x1x128xi32, #tpu.memory_space<vmem>>
        %dma_wait3A_479 = tpu.memref_squeeze %dma_wait3A_478 : memref<1x1x128xi32, #tpu.memory_space<vmem>> -> memref<128xi32, #tpu.memory_space<vmem>>
        %dma_wait3A_480 = arith.constant 0 : i32
        %dma_wait3A_481 = arith.constant 0 : i32
        %dma_wait3A_482 = tpu.memref_slice %arg13[%dma_wait3A_480, %dma_wait3A_481] : memref<50048x32xf32, #tpu.memory_space<vmem_shared>> -> memref<50048x32xf32, #tpu.memory_space<vmem_shared>>
        tpu.wait_indirect_dma semaphore(%arg15 : memref<!tpu.dma_semaphore, #tpu.memory_space<semaphore_mem>>) src(%dma_wait3A_476 : memref<128x32xf32, #tpu.memory_space<vmem>>) dst(%dma_wait3A_482 : memref<50048x32xf32, #tpu.memory_space<vmem_shared>>)
      } else {
      }
      %add3A_333 = arith.constant 1 : i32
      %add3A_334 = arith.addi %add3A_318, %add3A_333 : i32
      %lt3A = arith.constant 132 : i32
      %lt3A_335 = arith.cmpi slt, %add3A_334, %lt3A : i32
      %convert_element_type3A_336 = arith.extui %lt3A_335 : i1 to i32
      %cond3A_337 = arith.constant 0 : i32
      %cond3A_338 = arith.cmpi ne, %convert_element_type3A_336, %cond3A_337 : i32
      scf.if %cond3A_338 {
        %mul3A_405 = arith.constant 16 : i32
        %mul3A_406 = arith.muli %arg0, %mul3A_405 : i32
        %add3A_407 = arith.addi %mul3A_406, %arg1 : i32
        %mul3A_408 = arith.constant 132 : i32
        %mul3A_409 = arith.muli %add3A_407, %mul3A_408 : i32
        %add3A_410 = arith.addi %mul3A_409, %add3A_318 : i32
        %add3A_411 = arith.constant 1 : i32
        %add3A_412 = arith.addi %add3A_410, %add3A_411 : i32
        %dma_start3A_413 = arith.constant 1 : i32
        %dma_start3A_414 = arith.constant 0 : i32
        %dma_start3A_415 = tpu.memref_slice %arg10[%dma_start3A_413, %dma_start3A_414] : memref<2x384xi32, #tpu.memory_space<vmem>> -> memref<1x384xi32, #tpu.memory_space<vmem>>
        %dma_start3A_416 = tpu.memref_squeeze %dma_start3A_415 : memref<1x384xi32, #tpu.memory_space<vmem>> -> memref<384xi32, #tpu.memory_space<vmem>>
        %dma_start3A_417 = arith.constant 0 : i32
        %dma_start3A_418 = tpu.memref_slice %arg4[%add3A_412, %dma_start3A_417] : memref<4224x384xi32, #tpu.memory_space<hbm>> -> memref<1x384xi32, #tpu.memory_space<hbm>>
        %dma_start3A_419 = tpu.memref_squeeze %dma_start3A_418 : memref<1x384xi32, #tpu.memory_space<hbm>> -> memref<384xi32, #tpu.memory_space<hbm>>
        %dma_start3A_420 = arith.constant 0 : i32
        %dma_start3A_421 = tpu.memref_slice %arg10[%dma_start3A_413, %dma_start3A_420] : memref<2x384xi32, #tpu.memory_space<vmem>> -> memref<1x384xi32, #tpu.memory_space<vmem>>
        %dma_start3A_422 = tpu.memref_squeeze %dma_start3A_421 : memref<1x384xi32, #tpu.memory_space<vmem>> -> memref<384xi32, #tpu.memory_space<vmem>>
        %dma_start3A_423 = arith.constant 0 : i32
        %dma_start3A_424 = tpu.memref_slice %arg4[%add3A_412, %dma_start3A_423] : memref<4224x384xi32, #tpu.memory_space<hbm>> -> memref<1x384xi32, #tpu.memory_space<hbm>>
        %dma_start3A_425 = tpu.memref_squeeze %dma_start3A_424 : memref<1x384xi32, #tpu.memory_space<hbm>> -> memref<384xi32, #tpu.memory_space<hbm>>
        tpu.enqueue_dma source(%dma_start3A_425 : memref<384xi32, #tpu.memory_space<hbm>>) target(%dma_start3A_422 : memref<384xi32, #tpu.memory_space<vmem>>) target_semaphore(%arg16 : memref<!tpu.dma_semaphore, #tpu.memory_space<semaphore_mem>>)
        %mul3A_426 = arith.constant 132 : i32
        %mul3A_427 = arith.muli %arg1, %mul3A_426 : i32
        %add3A_428 = arith.addi %mul3A_427, %add3A_318 : i32
        %add3A_429 = arith.constant 1 : i32
        %add3A_430 = arith.addi %add3A_428, %add3A_429 : i32
        %dma_start3A_431 = arith.constant 1 : i32
        %dma_start3A_432 = arith.constant 0 : i32
        %dma_start3A_433 = arith.constant 0 : i32
        %dma_start3A_434 = tpu.memref_slice %arg11[%dma_start3A_431, %dma_start3A_432, %dma_start3A_433] : memref<2x3x128xi32, #tpu.memory_space<vmem>> -> memref<1x3x128xi32, #tpu.memory_space<vmem>>
        %dma_start3A_435 = tpu.memref_squeeze %dma_start3A_434 : memref<1x3x128xi32, #tpu.memory_space<vmem>> -> memref<3x128xi32, #tpu.memory_space<vmem>>
        %dma_start3A_436 = arith.constant 0 : i32
        %dma_start3A_437 = arith.constant 0 : i32
        %dma_start3A_438 = tpu.memref_slice %arg5[%add3A_430, %dma_start3A_436, %dma_start3A_437] : memref<2112x3x128xi32, #tpu.memory_space<hbm>> -> memref<1x3x128xi32, #tpu.memory_space<hbm>>
        %dma_start3A_439 = tpu.memref_squeeze %dma_start3A_438 : memref<1x3x128xi32, #tpu.memory_space<hbm>> -> memref<3x128xi32, #tpu.memory_space<hbm>>
        %dma_start3A_440 = arith.constant 0 : i32
        %dma_start3A_441 = arith.constant 0 : i32
        %dma_start3A_442 = tpu.memref_slice %arg11[%dma_start3A_431, %dma_start3A_440, %dma_start3A_441] : memref<2x3x128xi32, #tpu.memory_space<vmem>> -> memref<1x3x128xi32, #tpu.memory_space<vmem>>
        %dma_start3A_443 = tpu.memref_squeeze %dma_start3A_442 : memref<1x3x128xi32, #tpu.memory_space<vmem>> -> memref<3x128xi32, #tpu.memory_space<vmem>>
        %dma_start3A_444 = arith.constant 0 : i32
        %dma_start3A_445 = arith.constant 0 : i32
        %dma_start3A_446 = tpu.memref_slice %arg5[%add3A_430, %dma_start3A_444, %dma_start3A_445] : memref<2112x3x128xi32, #tpu.memory_space<hbm>> -> memref<1x3x128xi32, #tpu.memory_space<hbm>>
        %dma_start3A_447 = tpu.memref_squeeze %dma_start3A_446 : memref<1x3x128xi32, #tpu.memory_space<hbm>> -> memref<3x128xi32, #tpu.memory_space<hbm>>
        tpu.enqueue_dma source(%dma_start3A_447 : memref<3x128xi32, #tpu.memory_space<hbm>>) target(%dma_start3A_443 : memref<3x128xi32, #tpu.memory_space<vmem>>) target_semaphore(%arg16 : memref<!tpu.dma_semaphore, #tpu.memory_space<semaphore_mem>>)
      } else {
      }
      %dma_wait3A_339 = arith.constant 0 : i32
      %dma_wait3A_340 = arith.constant 0 : i32
      %dma_wait3A_341 = arith.constant 0 : i32
      %dma_wait3A_342 = arith.constant 0 : i32
      %dma_wait3A_343 = tpu.memref_slice %arg12[%dma_wait3A_340, %dma_wait3A_341, %dma_wait3A_342] : memref<2x384x32xf32, #tpu.memory_space<vmem>> -> memref<1x384x32xf32, #tpu.memory_space<vmem>>
      %dma_wait3A_344 = tpu.memref_squeeze %dma_wait3A_343 : memref<1x384x32xf32, #tpu.memory_space<vmem>> -> memref<384x32xf32, #tpu.memory_space<vmem>>
      %dma_wait3A_345 = arith.constant 0 : i32
      %dma_wait3A_346 = tpu.memref_slice %arg10[%dma_wait3A_339, %dma_wait3A_345] : memref<2x384xi32, #tpu.memory_space<vmem>> -> memref<1x384xi32, #tpu.memory_space<vmem>>
      %dma_wait3A_347 = tpu.memref_squeeze %dma_wait3A_346 : memref<1x384xi32, #tpu.memory_space<vmem>> -> memref<384xi32, #tpu.memory_space<vmem>>
      %dma_wait3A_348 = arith.constant 0 : i32
      %dma_wait3A_349 = arith.constant 0 : i32
      %dma_wait3A_350 = tpu.memref_slice %arg8[%dma_wait3A_348, %dma_wait3A_349] : memref<100096x32xf32, #tpu.memory_space<hbm>> -> memref<100096x32xf32, #tpu.memory_space<hbm>>
      tpu.wait_indirect_dma semaphore(%arg14 : memref<!tpu.dma_semaphore, #tpu.memory_space<semaphore_mem>>) src(%dma_wait3A_350 : memref<100096x32xf32, #tpu.memory_space<hbm>>) dst(%dma_wait3A_344 : memref<384x32xf32, #tpu.memory_space<vmem>>)
      %add3A_351 = arith.constant 1 : i32
      %add3A_352 = arith.addi %add3A_318, %add3A_351 : i32
      %lt3A_353 = arith.constant 132 : i32
      %lt3A_354 = arith.cmpi slt, %add3A_352, %lt3A_353 : i32
      %convert_element_type3A_355 = arith.extui %lt3A_354 : i1 to i32
      %cond3A_356 = arith.constant 0 : i32
      %cond3A_357 = arith.cmpi ne, %convert_element_type3A_355, %cond3A_356 : i32
      scf.if %cond3A_357 {
        %mul3A_405 = arith.constant 16 : i32
        %mul3A_406 = arith.muli %arg0, %mul3A_405 : i32
        %add3A_407 = arith.addi %mul3A_406, %arg1 : i32
        %mul3A_408 = arith.constant 132 : i32
        %mul3A_409 = arith.muli %add3A_407, %mul3A_408 : i32
        %add3A_410 = arith.addi %mul3A_409, %add3A_318 : i32
        %add3A_411 = arith.constant 1 : i32
        %add3A_412 = arith.addi %add3A_410, %add3A_411 : i32
        %dma_wait3A_413 = arith.constant 1 : i32
        %dma_wait3A_414 = arith.constant 0 : i32
        %dma_wait3A_415 = tpu.memref_slice %arg10[%dma_wait3A_413, %dma_wait3A_414] : memref<2x384xi32, #tpu.memory_space<vmem>> -> memref<1x384xi32, #tpu.memory_space<vmem>>
        %dma_wait3A_416 = tpu.memref_squeeze %dma_wait3A_415 : memref<1x384xi32, #tpu.memory_space<vmem>> -> memref<384xi32, #tpu.memory_space<vmem>>
        %dma_wait3A_417 = arith.constant 0 : i32
        %dma_wait3A_418 = tpu.memref_slice %arg4[%add3A_412, %dma_wait3A_417] : memref<4224x384xi32, #tpu.memory_space<hbm>> -> memref<1x384xi32, #tpu.memory_space<hbm>>
        %dma_wait3A_419 = tpu.memref_squeeze %dma_wait3A_418 : memref<1x384xi32, #tpu.memory_space<hbm>> -> memref<384xi32, #tpu.memory_space<hbm>>
        %dma_wait3A_420 = arith.constant 0 : i32
        %dma_wait3A_421 = tpu.memref_slice %arg10[%dma_wait3A_413, %dma_wait3A_420] : memref<2x384xi32, #tpu.memory_space<vmem>> -> memref<1x384xi32, #tpu.memory_space<vmem>>
        %dma_wait3A_422 = tpu.memref_squeeze %dma_wait3A_421 : memref<1x384xi32, #tpu.memory_space<vmem>> -> memref<384xi32, #tpu.memory_space<vmem>>
        %dma_wait3A_423 = arith.constant 0 : i32
        %dma_wait3A_424 = tpu.memref_slice %arg4[%add3A_412, %dma_wait3A_423] : memref<4224x384xi32, #tpu.memory_space<hbm>> -> memref<1x384xi32, #tpu.memory_space<hbm>>
        %dma_wait3A_425 = tpu.memref_squeeze %dma_wait3A_424 : memref<1x384xi32, #tpu.memory_space<hbm>> -> memref<384xi32, #tpu.memory_space<hbm>>
        tpu.wait_dma2 semaphore(%arg16 : memref<!tpu.dma_semaphore, #tpu.memory_space<semaphore_mem>>) src(%dma_wait3A_425 : memref<384xi32, #tpu.memory_space<hbm>>) dst(%dma_wait3A_422 : memref<384xi32, #tpu.memory_space<vmem>>)
        %mul3A_426 = arith.constant 132 : i32
        %mul3A_427 = arith.muli %arg1, %mul3A_426 : i32
        %add3A_428 = arith.addi %mul3A_427, %add3A_318 : i32
        %add3A_429 = arith.constant 1 : i32
        %add3A_430 = arith.addi %add3A_428, %add3A_429 : i32
        %dma_wait3A_431 = arith.constant 1 : i32
        %dma_wait3A_432 = arith.constant 0 : i32
        %dma_wait3A_433 = arith.constant 0 : i32
        %dma_wait3A_434 = tpu.memref_slice %arg11[%dma_wait3A_431, %dma_wait3A_432, %dma_wait3A_433] : memref<2x3x128xi32, #tpu.memory_space<vmem>> -> memref<1x3x128xi32, #tpu.memory_space<vmem>>
        %dma_wait3A_435 = tpu.memref_squeeze %dma_wait3A_434 : memref<1x3x128xi32, #tpu.memory_space<vmem>> -> memref<3x128xi32, #tpu.memory_space<vmem>>
        %dma_wait3A_436 = arith.constant 0 : i32
        %dma_wait3A_437 = arith.constant 0 : i32
        %dma_wait3A_438 = tpu.memref_slice %arg5[%add3A_430, %dma_wait3A_436, %dma_wait3A_437] : memref<2112x3x128xi32, #tpu.memory_space<hbm>> -> memref<1x3x128xi32, #tpu.memory_space<hbm>>
        %dma_wait3A_439 = tpu.memref_squeeze %dma_wait3A_438 : memref<1x3x128xi32, #tpu.memory_space<hbm>> -> memref<3x128xi32, #tpu.memory_space<hbm>>
        %dma_wait3A_440 = arith.constant 0 : i32
        %dma_wait3A_441 = arith.constant 0 : i32
        %dma_wait3A_442 = tpu.memref_slice %arg11[%dma_wait3A_431, %dma_wait3A_440, %dma_wait3A_441] : memref<2x3x128xi32, #tpu.memory_space<vmem>> -> memref<1x3x128xi32, #tpu.memory_space<vmem>>
        %dma_wait3A_443 = tpu.memref_squeeze %dma_wait3A_442 : memref<1x3x128xi32, #tpu.memory_space<vmem>> -> memref<3x128xi32, #tpu.memory_space<vmem>>
        %dma_wait3A_444 = arith.constant 0 : i32
        %dma_wait3A_445 = arith.constant 0 : i32
        %dma_wait3A_446 = tpu.memref_slice %arg5[%add3A_430, %dma_wait3A_444, %dma_wait3A_445] : memref<2112x3x128xi32, #tpu.memory_space<hbm>> -> memref<1x3x128xi32, #tpu.memory_space<hbm>>
        %dma_wait3A_447 = tpu.memref_squeeze %dma_wait3A_446 : memref<1x3x128xi32, #tpu.memory_space<hbm>> -> memref<3x128xi32, #tpu.memory_space<hbm>>
        tpu.wait_dma2 semaphore(%arg16 : memref<!tpu.dma_semaphore, #tpu.memory_space<semaphore_mem>>) src(%dma_wait3A_447 : memref<3x128xi32, #tpu.memory_space<hbm>>) dst(%dma_wait3A_443 : memref<3x128xi32, #tpu.memory_space<vmem>>)
      } else {
      }
      %mul3A_358 = arith.constant 2 : i32
      %mul3A_359 = arith.muli %mul3A_358, %scan3A_314 : i32
      %add3A_360 = arith.constant 1 : i32
      %add3A_361 = arith.addi %mul3A_359, %add3A_360 : i32
      %dma_start3A_362 = arith.constant 1 : i32
      %dma_start3A_363 = arith.constant 1 : i32
      %dma_start3A_364 = arith.constant 0 : i32
      %dma_start3A_365 = arith.constant 0 : i32
      %dma_start3A_366 = tpu.memref_slice %arg12[%dma_start3A_363, %dma_start3A_364, %dma_start3A_365] : memref<2x384x32xf32, #tpu.memory_space<vmem>> -> memref<1x384x32xf32, #tpu.memory_space<vmem>>
      %dma_start3A_367 = tpu.memref_squeeze %dma_start3A_366 : memref<1x384x32xf32, #tpu.memory_space<vmem>> -> memref<384x32xf32, #tpu.memory_space<vmem>>
      %dma_start3A_368 = arith.constant 0 : i32
      %dma_start3A_369 = tpu.memref_slice %arg10[%dma_start3A_362, %dma_start3A_368] : memref<2x384xi32, #tpu.memory_space<vmem>> -> memref<1x384xi32, #tpu.memory_space<vmem>>
      %dma_start3A_370 = tpu.memref_squeeze %dma_start3A_369 : memref<1x384xi32, #tpu.memory_space<vmem>> -> memref<384xi32, #tpu.memory_space<vmem>>
      %dma_start3A_371 = arith.constant 0 : i32
      %dma_start3A_372 = arith.constant 0 : i32
      %dma_start3A_373 = tpu.memref_slice %arg8[%dma_start3A_371, %dma_start3A_372] : memref<100096x32xf32, #tpu.memory_space<hbm>> -> memref<100096x32xf32, #tpu.memory_space<hbm>>
      tpu.enqueue_indirect_dma source(%dma_start3A_373 : memref<100096x32xf32, #tpu.memory_space<hbm>>) target(%dma_start3A_367 : memref<384x32xf32, #tpu.memory_space<vmem>>) offsets(%dma_start3A_370 : memref<384xi32, #tpu.memory_space<vmem>>) semaphore(%arg14 : memref<!tpu.dma_semaphore, #tpu.memory_space<semaphore_mem>>)
      %gt3A_374 = arith.constant 0 : i32
      %gt3A_375 = arith.cmpi sgt, %add3A_361, %gt3A_374 : i32
      %convert_element_type3A_376 = arith.extui %gt3A_375 : i1 to i32
      %cond3A_377 = arith.constant 0 : i32
      %cond3A_378 = arith.cmpi ne, %convert_element_type3A_376, %cond3A_377 : i32
      scf.if %cond3A_378 {
        %dma_start3A_405 = arith.constant 0 : i32
        %dma_start3A_406 = arith.constant 0 : i32
        %dma_start3A_407 = arith.constant 0 : i32
        %dma_start3A_408 = arith.constant 0 : i32
        %dma_start3A_409 = arith.constant 0 : i32
        %dma_start3A_410 = tpu.memref_slice %arg12[%dma_start3A_405, %dma_start3A_408, %dma_start3A_409] : memref<2x384x32xf32, #tpu.memory_space<vmem>> -> memref<1x128x32xf32, #tpu.memory_space<vmem>>
        %dma_start3A_411 = tpu.memref_squeeze %dma_start3A_410 : memref<1x128x32xf32, #tpu.memory_space<vmem>> -> memref<128x32xf32, #tpu.memory_space<vmem>>
        %dma_start3A_412 = arith.constant 0 : i32
        %dma_start3A_413 = tpu.memref_slice %arg11[%dma_start3A_406, %dma_start3A_407, %dma_start3A_412] : memref<2x3x128xi32, #tpu.memory_space<vmem>> -> memref<1x1x128xi32, #tpu.memory_space<vmem>>
        %dma_start3A_414 = tpu.memref_squeeze %dma_start3A_413 : memref<1x1x128xi32, #tpu.memory_space<vmem>> -> memref<128xi32, #tpu.memory_space<vmem>>
        %dma_start3A_415 = arith.constant 0 : i32
        %dma_start3A_416 = arith.constant 0 : i32
        %dma_start3A_417 = tpu.memref_slice %arg13[%dma_start3A_415, %dma_start3A_416] : memref<50048x32xf32, #tpu.memory_space<vmem_shared>> -> memref<50048x32xf32, #tpu.memory_space<vmem_shared>>
        tpu.enqueue_indirect_dma source(%dma_start3A_411 : memref<128x32xf32, #tpu.memory_space<vmem>>) target(%dma_start3A_417 : memref<50048x32xf32, #tpu.memory_space<vmem_shared>>) offsets(%dma_start3A_414 : memref<128xi32, #tpu.memory_space<vmem>>) semaphore(%arg15 : memref<!tpu.dma_semaphore, #tpu.memory_space<semaphore_mem>>) {add = true}
        %dma_start3A_418 = arith.constant 0 : i32
        %dma_start3A_419 = arith.constant 0 : i32
        %dma_start3A_420 = arith.constant 1 : i32
        %dma_start3A_421 = arith.constant 128 : i32
        %dma_start3A_422 = arith.constant 0 : i32
        %dma_start3A_423 = tpu.memref_slice %arg12[%dma_start3A_418, %dma_start3A_421, %dma_start3A_422] : memref<2x384x32xf32, #tpu.memory_space<vmem>> -> memref<1x128x32xf32, #tpu.memory_space<vmem>>
        %dma_start3A_424 = tpu.memref_squeeze %dma_start3A_423 : memref<1x128x32xf32, #tpu.memory_space<vmem>> -> memref<128x32xf32, #tpu.memory_space<vmem>>
        %dma_start3A_425 = arith.constant 0 : i32
        %dma_start3A_426 = tpu.memref_slice %arg11[%dma_start3A_419, %dma_start3A_420, %dma_start3A_425] : memref<2x3x128xi32, #tpu.memory_space<vmem>> -> memref<1x1x128xi32, #tpu.memory_space<vmem>>
        %dma_start3A_427 = tpu.memref_squeeze %dma_start3A_426 : memref<1x1x128xi32, #tpu.memory_space<vmem>> -> memref<128xi32, #tpu.memory_space<vmem>>
        %dma_start3A_428 = arith.constant 0 : i32
        %dma_start3A_429 = arith.constant 0 : i32
        %dma_start3A_430 = tpu.memref_slice %arg13[%dma_start3A_428, %dma_start3A_429] : memref<50048x32xf32, #tpu.memory_space<vmem_shared>> -> memref<50048x32xf32, #tpu.memory_space<vmem_shared>>
        tpu.enqueue_indirect_dma source(%dma_start3A_424 : memref<128x32xf32, #tpu.memory_space<vmem>>) target(%dma_start3A_430 : memref<50048x32xf32, #tpu.memory_space<vmem_shared>>) offsets(%dma_start3A_427 : memref<128xi32, #tpu.memory_space<vmem>>) semaphore(%arg15 : memref<!tpu.dma_semaphore, #tpu.memory_space<semaphore_mem>>) {add = true}
        %dma_start3A_431 = arith.constant 0 : i32
        %dma_start3A_432 = arith.constant 0 : i32
        %dma_start3A_433 = arith.constant 2 : i32
        %dma_start3A_434 = arith.constant 256 : i32
        %dma_start3A_435 = arith.constant 0 : i32
        %dma_start3A_436 = tpu.memref_slice %arg12[%dma_start3A_431, %dma_start3A_434, %dma_start3A_435] : memref<2x384x32xf32, #tpu.memory_space<vmem>> -> memref<1x128x32xf32, #tpu.memory_space<vmem>>
        %dma_start3A_437 = tpu.memref_squeeze %dma_start3A_436 : memref<1x128x32xf32, #tpu.memory_space<vmem>> -> memref<128x32xf32, #tpu.memory_space<vmem>>
        %dma_start3A_438 = arith.constant 0 : i32
        %dma_start3A_439 = tpu.memref_slice %arg11[%dma_start3A_432, %dma_start3A_433, %dma_start3A_438] : memref<2x3x128xi32, #tpu.memory_space<vmem>> -> memref<1x1x128xi32, #tpu.memory_space<vmem>>
        %dma_start3A_440 = tpu.memref_squeeze %dma_start3A_439 : memref<1x1x128xi32, #tpu.memory_space<vmem>> -> memref<128xi32, #tpu.memory_space<vmem>>
        %dma_start3A_441 = arith.constant 0 : i32
        %dma_start3A_442 = arith.constant 0 : i32
        %dma_start3A_443 = tpu.memref_slice %arg13[%dma_start3A_441, %dma_start3A_442] : memref<50048x32xf32, #tpu.memory_space<vmem_shared>> -> memref<50048x32xf32, #tpu.memory_space<vmem_shared>>
        tpu.enqueue_indirect_dma source(%dma_start3A_437 : memref<128x32xf32, #tpu.memory_space<vmem>>) target(%dma_start3A_443 : memref<50048x32xf32, #tpu.memory_space<vmem_shared>>) offsets(%dma_start3A_440 : memref<128xi32, #tpu.memory_space<vmem>>) semaphore(%arg15 : memref<!tpu.dma_semaphore, #tpu.memory_space<semaphore_mem>>) {add = true}
        %dma_wait3A_444 = arith.constant 0 : i32
        %dma_wait3A_445 = arith.constant 0 : i32
        %dma_wait3A_446 = arith.constant 0 : i32
        %dma_wait3A_447 = arith.constant 0 : i32
        %dma_wait3A_448 = arith.constant 0 : i32
        %dma_wait3A_449 = tpu.memref_slice %arg12[%dma_wait3A_444, %dma_wait3A_447, %dma_wait3A_448] : memref<2x384x32xf32, #tpu.memory_space<vmem>> -> memref<1x128x32xf32, #tpu.memory_space<vmem>>
        %dma_wait3A_450 = tpu.memref_squeeze %dma_wait3A_449 : memref<1x128x32xf32, #tpu.memory_space<vmem>> -> memref<128x32xf32, #tpu.memory_space<vmem>>
        %dma_wait3A_451 = arith.constant 0 : i32
        %dma_wait3A_452 = tpu.memref_slice %arg11[%dma_wait3A_445, %dma_wait3A_446, %dma_wait3A_451] : memref<2x3x128xi32, #tpu.memory_space<vmem>> -> memref<1x1x128xi32, #tpu.memory_space<vmem>>
        %dma_wait3A_453 = tpu.memref_squeeze %dma_wait3A_452 : memref<1x1x128xi32, #tpu.memory_space<vmem>> -> memref<128xi32, #tpu.memory_space<vmem>>
        %dma_wait3A_454 = arith.constant 0 : i32
        %dma_wait3A_455 = arith.constant 0 : i32
        %dma_wait3A_456 = tpu.memref_slice %arg13[%dma_wait3A_454, %dma_wait3A_455] : memref<50048x32xf32, #tpu.memory_space<vmem_shared>> -> memref<50048x32xf32, #tpu.memory_space<vmem_shared>>
        tpu.wait_indirect_dma semaphore(%arg15 : memref<!tpu.dma_semaphore, #tpu.memory_space<semaphore_mem>>) src(%dma_wait3A_450 : memref<128x32xf32, #tpu.memory_space<vmem>>) dst(%dma_wait3A_456 : memref<50048x32xf32, #tpu.memory_space<vmem_shared>>)
        %dma_wait3A_457 = arith.constant 0 : i32
        %dma_wait3A_458 = arith.constant 0 : i32
        %dma_wait3A_459 = arith.constant 1 : i32
        %dma_wait3A_460 = arith.constant 128 : i32
        %dma_wait3A_461 = arith.constant 0 : i32
        %dma_wait3A_462 = tpu.memref_slice %arg12[%dma_wait3A_457, %dma_wait3A_460, %dma_wait3A_461] : memref<2x384x32xf32, #tpu.memory_space<vmem>> -> memref<1x128x32xf32, #tpu.memory_space<vmem>>
        %dma_wait3A_463 = tpu.memref_squeeze %dma_wait3A_462 : memref<1x128x32xf32, #tpu.memory_space<vmem>> -> memref<128x32xf32, #tpu.memory_space<vmem>>
        %dma_wait3A_464 = arith.constant 0 : i32
        %dma_wait3A_465 = tpu.memref_slice %arg11[%dma_wait3A_458, %dma_wait3A_459, %dma_wait3A_464] : memref<2x3x128xi32, #tpu.memory_space<vmem>> -> memref<1x1x128xi32, #tpu.memory_space<vmem>>
        %dma_wait3A_466 = tpu.memref_squeeze %dma_wait3A_465 : memref<1x1x128xi32, #tpu.memory_space<vmem>> -> memref<128xi32, #tpu.memory_space<vmem>>
        %dma_wait3A_467 = arith.constant 0 : i32
        %dma_wait3A_468 = arith.constant 0 : i32
        %dma_wait3A_469 = tpu.memref_slice %arg13[%dma_wait3A_467, %dma_wait3A_468] : memref<50048x32xf32, #tpu.memory_space<vmem_shared>> -> memref<50048x32xf32, #tpu.memory_space<vmem_shared>>
        tpu.wait_indirect_dma semaphore(%arg15 : memref<!tpu.dma_semaphore, #tpu.memory_space<semaphore_mem>>) src(%dma_wait3A_463 : memref<128x32xf32, #tpu.memory_space<vmem>>) dst(%dma_wait3A_469 : memref<50048x32xf32, #tpu.memory_space<vmem_shared>>)
        %dma_wait3A_470 = arith.constant 0 : i32
        %dma_wait3A_471 = arith.constant 0 : i32
        %dma_wait3A_472 = arith.constant 2 : i32
        %dma_wait3A_473 = arith.constant 256 : i32
        %dma_wait3A_474 = arith.constant 0 : i32
        %dma_wait3A_475 = tpu.memref_slice %arg12[%dma_wait3A_470, %dma_wait3A_473, %dma_wait3A_474] : memref<2x384x32xf32, #tpu.memory_space<vmem>> -> memref<1x128x32xf32, #tpu.memory_space<vmem>>
        %dma_wait3A_476 = tpu.memref_squeeze %dma_wait3A_475 : memref<1x128x32xf32, #tpu.memory_space<vmem>> -> memref<128x32xf32, #tpu.memory_space<vmem>>
        %dma_wait3A_477 = arith.constant 0 : i32
        %dma_wait3A_478 = tpu.memref_slice %arg11[%dma_wait3A_471, %dma_wait3A_472, %dma_wait3A_477] : memref<2x3x128xi32, #tpu.memory_space<vmem>> -> memref<1x1x128xi32, #tpu.memory_space<vmem>>
        %dma_wait3A_479 = tpu.memref_squeeze %dma_wait3A_478 : memref<1x1x128xi32, #tpu.memory_space<vmem>> -> memref<128xi32, #tpu.memory_space<vmem>>
        %dma_wait3A_480 = arith.constant 0 : i32
        %dma_wait3A_481 = arith.constant 0 : i32
        %dma_wait3A_482 = tpu.memref_slice %arg13[%dma_wait3A_480, %dma_wait3A_481] : memref<50048x32xf32, #tpu.memory_space<vmem_shared>> -> memref<50048x32xf32, #tpu.memory_space<vmem_shared>>
        tpu.wait_indirect_dma semaphore(%arg15 : memref<!tpu.dma_semaphore, #tpu.memory_space<semaphore_mem>>) src(%dma_wait3A_476 : memref<128x32xf32, #tpu.memory_space<vmem>>) dst(%dma_wait3A_482 : memref<50048x32xf32, #tpu.memory_space<vmem_shared>>)
      } else {
      }
      %add3A_379 = arith.constant 1 : i32
      %add3A_380 = arith.addi %add3A_361, %add3A_379 : i32
      %lt3A_381 = arith.constant 132 : i32
      %lt3A_382 = arith.cmpi slt, %add3A_380, %lt3A_381 : i32
      %convert_element_type3A_383 = arith.extui %lt3A_382 : i1 to i32
      %cond3A_384 = arith.constant 0 : i32
      %cond3A_385 = arith.cmpi ne, %convert_element_type3A_383, %cond3A_384 : i32
      scf.if %cond3A_385 {
        %mul3A_405 = arith.constant 16 : i32
        %mul3A_406 = arith.muli %arg0, %mul3A_405 : i32
        %add3A_407 = arith.addi %mul3A_406, %arg1 : i32
        %mul3A_408 = arith.constant 132 : i32
        %mul3A_409 = arith.muli %add3A_407, %mul3A_408 : i32
        %add3A_410 = arith.addi %mul3A_409, %add3A_361 : i32
        %add3A_411 = arith.constant 1 : i32
        %add3A_412 = arith.addi %add3A_410, %add3A_411 : i32
        %dma_start3A_413 = arith.constant 0 : i32
        %dma_start3A_414 = arith.constant 0 : i32
        %dma_start3A_415 = tpu.memref_slice %arg10[%dma_start3A_413, %dma_start3A_414] : memref<2x384xi32, #tpu.memory_space<vmem>> -> memref<1x384xi32, #tpu.memory_space<vmem>>
        %dma_start3A_416 = tpu.memref_squeeze %dma_start3A_415 : memref<1x384xi32, #tpu.memory_space<vmem>> -> memref<384xi32, #tpu.memory_space<vmem>>
        %dma_start3A_417 = arith.constant 0 : i32
        %dma_start3A_418 = tpu.memref_slice %arg4[%add3A_412, %dma_start3A_417] : memref<4224x384xi32, #tpu.memory_space<hbm>> -> memref<1x384xi32, #tpu.memory_space<hbm>>
        %dma_start3A_419 = tpu.memref_squeeze %dma_start3A_418 : memref<1x384xi32, #tpu.memory_space<hbm>> -> memref<384xi32, #tpu.memory_space<hbm>>
        %dma_start3A_420 = arith.constant 0 : i32
        %dma_start3A_421 = tpu.memref_slice %arg10[%dma_start3A_413, %dma_start3A_420] : memref<2x384xi32, #tpu.memory_space<vmem>> -> memref<1x384xi32, #tpu.memory_space<vmem>>
        %dma_start3A_422 = tpu.memref_squeeze %dma_start3A_421 : memref<1x384xi32, #tpu.memory_space<vmem>> -> memref<384xi32, #tpu.memory_space<vmem>>
        %dma_start3A_423 = arith.constant 0 : i32
        %dma_start3A_424 = tpu.memref_slice %arg4[%add3A_412, %dma_start3A_423] : memref<4224x384xi32, #tpu.memory_space<hbm>> -> memref<1x384xi32, #tpu.memory_space<hbm>>
        %dma_start3A_425 = tpu.memref_squeeze %dma_start3A_424 : memref<1x384xi32, #tpu.memory_space<hbm>> -> memref<384xi32, #tpu.memory_space<hbm>>
        tpu.enqueue_dma source(%dma_start3A_425 : memref<384xi32, #tpu.memory_space<hbm>>) target(%dma_start3A_422 : memref<384xi32, #tpu.memory_space<vmem>>) target_semaphore(%arg16 : memref<!tpu.dma_semaphore, #tpu.memory_space<semaphore_mem>>)
        %mul3A_426 = arith.constant 132 : i32
        %mul3A_427 = arith.muli %arg1, %mul3A_426 : i32
        %add3A_428 = arith.addi %mul3A_427, %add3A_361 : i32
        %add3A_429 = arith.constant 1 : i32
        %add3A_430 = arith.addi %add3A_428, %add3A_429 : i32
        %dma_start3A_431 = arith.constant 0 : i32
        %dma_start3A_432 = arith.constant 0 : i32
        %dma_start3A_433 = arith.constant 0 : i32
        %dma_start3A_434 = tpu.memref_slice %arg11[%dma_start3A_431, %dma_start3A_432, %dma_start3A_433] : memref<2x3x128xi32, #tpu.memory_space<vmem>> -> memref<1x3x128xi32, #tpu.memory_space<vmem>>
        %dma_start3A_435 = tpu.memref_squeeze %dma_start3A_434 : memref<1x3x128xi32, #tpu.memory_space<vmem>> -> memref<3x128xi32, #tpu.memory_space<vmem>>
        %dma_start3A_436 = arith.constant 0 : i32
        %dma_start3A_437 = arith.constant 0 : i32
        %dma_start3A_438 = tpu.memref_slice %arg5[%add3A_430, %dma_start3A_436, %dma_start3A_437] : memref<2112x3x128xi32, #tpu.memory_space<hbm>> -> memref<1x3x128xi32, #tpu.memory_space<hbm>>
        %dma_start3A_439 = tpu.memref_squeeze %dma_start3A_438 : memref<1x3x128xi32, #tpu.memory_space<hbm>> -> memref<3x128xi32, #tpu.memory_space<hbm>>
        %dma_start3A_440 = arith.constant 0 : i32
        %dma_start3A_441 = arith.constant 0 : i32
        %dma_start3A_442 = tpu.memref_slice %arg11[%dma_start3A_431, %dma_start3A_440, %dma_start3A_441] : memref<2x3x128xi32, #tpu.memory_space<vmem>> -> memref<1x3x128xi32, #tpu.memory_space<vmem>>
        %dma_start3A_443 = tpu.memref_squeeze %dma_start3A_442 : memref<1x3x128xi32, #tpu.memory_space<vmem>> -> memref<3x128xi32, #tpu.memory_space<vmem>>
        %dma_start3A_444 = arith.constant 0 : i32
        %dma_start3A_445 = arith.constant 0 : i32
        %dma_start3A_446 = tpu.memref_slice %arg5[%add3A_430, %dma_start3A_444, %dma_start3A_445] : memref<2112x3x128xi32, #tpu.memory_space<hbm>> -> memref<1x3x128xi32, #tpu.memory_space<hbm>>
        %dma_start3A_447 = tpu.memref_squeeze %dma_start3A_446 : memref<1x3x128xi32, #tpu.memory_space<hbm>> -> memref<3x128xi32, #tpu.memory_space<hbm>>
        tpu.enqueue_dma source(%dma_start3A_447 : memref<3x128xi32, #tpu.memory_space<hbm>>) target(%dma_start3A_443 : memref<3x128xi32, #tpu.memory_space<vmem>>) target_semaphore(%arg16 : memref<!tpu.dma_semaphore, #tpu.memory_space<semaphore_mem>>)
      } else {
      }
      %dma_wait3A_386 = arith.constant 1 : i32
      %dma_wait3A_387 = arith.constant 1 : i32
      %dma_wait3A_388 = arith.constant 0 : i32
      %dma_wait3A_389 = arith.constant 0 : i32
      %dma_wait3A_390 = tpu.memref_slice %arg12[%dma_wait3A_387, %dma_wait3A_388, %dma_wait3A_389] : memref<2x384x32xf32, #tpu.memory_space<vmem>> -> memref<1x384x32xf32, #tpu.memory_space<vmem>>
      %dma_wait3A_391 = tpu.memref_squeeze %dma_wait3A_390 : memref<1x384x32xf32, #tpu.memory_space<vmem>> -> memref<384x32xf32, #tpu.memory_space<vmem>>
      %dma_wait3A_392 = arith.constant 0 : i32
      %dma_wait3A_393 = tpu.memref_slice %arg10[%dma_wait3A_386, %dma_wait3A_392] : memref<2x384xi32, #tpu.memory_space<vmem>> -> memref<1x384xi32, #tpu.memory_space<vmem>>
      %dma_wait3A_394 = tpu.memref_squeeze %dma_wait3A_393 : memref<1x384xi32, #tpu.memory_space<vmem>> -> memref<384xi32, #tpu.memory_space<vmem>>
      %dma_wait3A_395 = arith.constant 0 : i32
      %dma_wait3A_396 = arith.constant 0 : i32
      %dma_wait3A_397 = tpu.memref_slice %arg8[%dma_wait3A_395, %dma_wait3A_396] : memref<100096x32xf32, #tpu.memory_space<hbm>> -> memref<100096x32xf32, #tpu.memory_space<hbm>>
      tpu.wait_indirect_dma semaphore(%arg14 : memref<!tpu.dma_semaphore, #tpu.memory_space<semaphore_mem>>) src(%dma_wait3A_397 : memref<100096x32xf32, #tpu.memory_space<hbm>>) dst(%dma_wait3A_391 : memref<384x32xf32, #tpu.memory_space<vmem>>)
      %add3A_398 = arith.constant 1 : i32
      %add3A_399 = arith.addi %add3A_361, %add3A_398 : i32
      %lt3A_400 = arith.constant 132 : i32
      %lt3A_401 = arith.cmpi slt, %add3A_399, %lt3A_400 : i32
      %convert_element_type3A_402 = arith.extui %lt3A_401 : i1 to i32
      %cond3A_403 = arith.constant 0 : i32
      %cond3A_404 = arith.cmpi ne, %convert_element_type3A_402, %cond3A_403 : i32
      scf.if %cond3A_404 {
        %mul3A_405 = arith.constant 16 : i32
        %mul3A_406 = arith.muli %arg0, %mul3A_405 : i32
        %add3A_407 = arith.addi %mul3A_406, %arg1 : i32
        %mul3A_408 = arith.constant 132 : i32
        %mul3A_409 = arith.muli %add3A_407, %mul3A_408 : i32
        %add3A_410 = arith.addi %mul3A_409, %add3A_361 : i32
        %add3A_411 = arith.constant 1 : i32
        %add3A_412 = arith.addi %add3A_410, %add3A_411 : i32
        %dma_wait3A_413 = arith.constant 0 : i32
        %dma_wait3A_414 = arith.constant 0 : i32
        %dma_wait3A_415 = tpu.memref_slice %arg10[%dma_wait3A_413, %dma_wait3A_414] : memref<2x384xi32, #tpu.memory_space<vmem>> -> memref<1x384xi32, #tpu.memory_space<vmem>>
        %dma_wait3A_416 = tpu.memref_squeeze %dma_wait3A_415 : memref<1x384xi32, #tpu.memory_space<vmem>> -> memref<384xi32, #tpu.memory_space<vmem>>
        %dma_wait3A_417 = arith.constant 0 : i32
        %dma_wait3A_418 = tpu.memref_slice %arg4[%add3A_412, %dma_wait3A_417] : memref<4224x384xi32, #tpu.memory_space<hbm>> -> memref<1x384xi32, #tpu.memory_space<hbm>>
        %dma_wait3A_419 = tpu.memref_squeeze %dma_wait3A_418 : memref<1x384xi32, #tpu.memory_space<hbm>> -> memref<384xi32, #tpu.memory_space<hbm>>
        %dma_wait3A_420 = arith.constant 0 : i32
        %dma_wait3A_421 = tpu.memref_slice %arg10[%dma_wait3A_413, %dma_wait3A_420] : memref<2x384xi32, #tpu.memory_space<vmem>> -> memref<1x384xi32, #tpu.memory_space<vmem>>
        %dma_wait3A_422 = tpu.memref_squeeze %dma_wait3A_421 : memref<1x384xi32, #tpu.memory_space<vmem>> -> memref<384xi32, #tpu.memory_space<vmem>>
        %dma_wait3A_423 = arith.constant 0 : i32
        %dma_wait3A_424 = tpu.memref_slice %arg4[%add3A_412, %dma_wait3A_423] : memref<4224x384xi32, #tpu.memory_space<hbm>> -> memref<1x384xi32, #tpu.memory_space<hbm>>
        %dma_wait3A_425 = tpu.memref_squeeze %dma_wait3A_424 : memref<1x384xi32, #tpu.memory_space<hbm>> -> memref<384xi32, #tpu.memory_space<hbm>>
        tpu.wait_dma2 semaphore(%arg16 : memref<!tpu.dma_semaphore, #tpu.memory_space<semaphore_mem>>) src(%dma_wait3A_425 : memref<384xi32, #tpu.memory_space<hbm>>) dst(%dma_wait3A_422 : memref<384xi32, #tpu.memory_space<vmem>>)
        %mul3A_426 = arith.constant 132 : i32
        %mul3A_427 = arith.muli %arg1, %mul3A_426 : i32
        %add3A_428 = arith.addi %mul3A_427, %add3A_361 : i32
        %add3A_429 = arith.constant 1 : i32
        %add3A_430 = arith.addi %add3A_428, %add3A_429 : i32
        %dma_wait3A_431 = arith.constant 0 : i32
        %dma_wait3A_432 = arith.constant 0 : i32
        %dma_wait3A_433 = arith.constant 0 : i32
        %dma_wait3A_434 = tpu.memref_slice %arg11[%dma_wait3A_431, %dma_wait3A_432, %dma_wait3A_433] : memref<2x3x128xi32, #tpu.memory_space<vmem>> -> memref<1x3x128xi32, #tpu.memory_space<vmem>>
        %dma_wait3A_435 = tpu.memref_squeeze %dma_wait3A_434 : memref<1x3x128xi32, #tpu.memory_space<vmem>> -> memref<3x128xi32, #tpu.memory_space<vmem>>
        %dma_wait3A_436 = arith.constant 0 : i32
        %dma_wait3A_437 = arith.constant 0 : i32
        %dma_wait3A_438 = tpu.memref_slice %arg5[%add3A_430, %dma_wait3A_436, %dma_wait3A_437] : memref<2112x3x128xi32, #tpu.memory_space<hbm>> -> memref<1x3x128xi32, #tpu.memory_space<hbm>>
        %dma_wait3A_439 = tpu.memref_squeeze %dma_wait3A_438 : memref<1x3x128xi32, #tpu.memory_space<hbm>> -> memref<3x128xi32, #tpu.memory_space<hbm>>
        %dma_wait3A_440 = arith.constant 0 : i32
        %dma_wait3A_441 = arith.constant 0 : i32
        %dma_wait3A_442 = tpu.memref_slice %arg11[%dma_wait3A_431, %dma_wait3A_440, %dma_wait3A_441] : memref<2x3x128xi32, #tpu.memory_space<vmem>> -> memref<1x3x128xi32, #tpu.memory_space<vmem>>
        %dma_wait3A_443 = tpu.memref_squeeze %dma_wait3A_442 : memref<1x3x128xi32, #tpu.memory_space<vmem>> -> memref<3x128xi32, #tpu.memory_space<vmem>>
        %dma_wait3A_444 = arith.constant 0 : i32
        %dma_wait3A_445 = arith.constant 0 : i32
        %dma_wait3A_446 = tpu.memref_slice %arg5[%add3A_430, %dma_wait3A_444, %dma_wait3A_445] : memref<2112x3x128xi32, #tpu.memory_space<hbm>> -> memref<1x3x128xi32, #tpu.memory_space<hbm>>
        %dma_wait3A_447 = tpu.memref_squeeze %dma_wait3A_446 : memref<1x3x128xi32, #tpu.memory_space<hbm>> -> memref<3x128xi32, #tpu.memory_space<hbm>>
        tpu.wait_dma2 semaphore(%arg16 : memref<!tpu.dma_semaphore, #tpu.memory_space<semaphore_mem>>) src(%dma_wait3A_447 : memref<3x128xi32, #tpu.memory_space<hbm>>) dst(%dma_wait3A_443 : memref<3x128xi32, #tpu.memory_space<vmem>>)
      } else {
      }
    }
    %scan3A_222 = arith.constant 66 : i32
    %dma_start3A_223 = arith.constant 1 : i32
    %dma_start3A_224 = arith.constant 1 : i32
    %dma_start3A_225 = arith.constant 0 : i32
    %dma_start3A_226 = arith.constant 0 : i32
    %dma_start3A_227 = arith.constant 0 : i32
    %dma_start3A_228 = tpu.memref_slice %arg12[%dma_start3A_223, %dma_start3A_226, %dma_start3A_227] : memref<2x384x32xf32, #tpu.memory_space<vmem>> -> memref<1x128x32xf32, #tpu.memory_space<vmem>>
    %dma_start3A_229 = tpu.memref_squeeze %dma_start3A_228 : memref<1x128x32xf32, #tpu.memory_space<vmem>> -> memref<128x32xf32, #tpu.memory_space<vmem>>
    %dma_start3A_230 = arith.constant 0 : i32
    %dma_start3A_231 = tpu.memref_slice %arg11[%dma_start3A_224, %dma_start3A_225, %dma_start3A_230] : memref<2x3x128xi32, #tpu.memory_space<vmem>> -> memref<1x1x128xi32, #tpu.memory_space<vmem>>
    %dma_start3A_232 = tpu.memref_squeeze %dma_start3A_231 : memref<1x1x128xi32, #tpu.memory_space<vmem>> -> memref<128xi32, #tpu.memory_space<vmem>>
    %dma_start3A_233 = arith.constant 0 : i32
    %dma_start3A_234 = arith.constant 0 : i32
    %dma_start3A_235 = tpu.memref_slice %arg13[%dma_start3A_233, %dma_start3A_234] : memref<50048x32xf32, #tpu.memory_space<vmem_shared>> -> memref<50048x32xf32, #tpu.memory_space<vmem_shared>>
    tpu.enqueue_indirect_dma source(%dma_start3A_229 : memref<128x32xf32, #tpu.memory_space<vmem>>) target(%dma_start3A_235 : memref<50048x32xf32, #tpu.memory_space<vmem_shared>>) offsets(%dma_start3A_232 : memref<128xi32, #tpu.memory_space<vmem>>) semaphore(%arg15 : memref<!tpu.dma_semaphore, #tpu.memory_space<semaphore_mem>>) {add = true}
    %dma_start3A_236 = arith.constant 1 : i32
    %dma_start3A_237 = arith.constant 1 : i32
    %dma_start3A_238 = arith.constant 1 : i32
    %dma_start3A_239 = arith.constant 128 : i32
    %dma_start3A_240 = arith.constant 0 : i32
    %dma_start3A_241 = tpu.memref_slice %arg12[%dma_start3A_236, %dma_start3A_239, %dma_start3A_240] : memref<2x384x32xf32, #tpu.memory_space<vmem>> -> memref<1x128x32xf32, #tpu.memory_space<vmem>>
    %dma_start3A_242 = tpu.memref_squeeze %dma_start3A_241 : memref<1x128x32xf32, #tpu.memory_space<vmem>> -> memref<128x32xf32, #tpu.memory_space<vmem>>
    %dma_start3A_243 = arith.constant 0 : i32
    %dma_start3A_244 = tpu.memref_slice %arg11[%dma_start3A_237, %dma_start3A_238, %dma_start3A_243] : memref<2x3x128xi32, #tpu.memory_space<vmem>> -> memref<1x1x128xi32, #tpu.memory_space<vmem>>
    %dma_start3A_245 = tpu.memref_squeeze %dma_start3A_244 : memref<1x1x128xi32, #tpu.memory_space<vmem>> -> memref<128xi32, #tpu.memory_space<vmem>>
    %dma_start3A_246 = arith.constant 0 : i32
    %dma_start3A_247 = arith.constant 0 : i32
    %dma_start3A_248 = tpu.memref_slice %arg13[%dma_start3A_246, %dma_start3A_247] : memref<50048x32xf32, #tpu.memory_space<vmem_shared>> -> memref<50048x32xf32, #tpu.memory_space<vmem_shared>>
    tpu.enqueue_indirect_dma source(%dma_start3A_242 : memref<128x32xf32, #tpu.memory_space<vmem>>) target(%dma_start3A_248 : memref<50048x32xf32, #tpu.memory_space<vmem_shared>>) offsets(%dma_start3A_245 : memref<128xi32, #tpu.memory_space<vmem>>) semaphore(%arg15 : memref<!tpu.dma_semaphore, #tpu.memory_space<semaphore_mem>>) {add = true}
    %dma_start3A_249 = arith.constant 1 : i32
    %dma_start3A_250 = arith.constant 1 : i32
    %dma_start3A_251 = arith.constant 2 : i32
    %dma_start3A_252 = arith.constant 256 : i32
    %dma_start3A_253 = arith.constant 0 : i32
    %dma_start3A_254 = tpu.memref_slice %arg12[%dma_start3A_249, %dma_start3A_252, %dma_start3A_253] : memref<2x384x32xf32, #tpu.memory_space<vmem>> -> memref<1x128x32xf32, #tpu.memory_space<vmem>>
    %dma_start3A_255 = tpu.memref_squeeze %dma_start3A_254 : memref<1x128x32xf32, #tpu.memory_space<vmem>> -> memref<128x32xf32, #tpu.memory_space<vmem>>
    %dma_start3A_256 = arith.constant 0 : i32
    %dma_start3A_257 = tpu.memref_slice %arg11[%dma_start3A_250, %dma_start3A_251, %dma_start3A_256] : memref<2x3x128xi32, #tpu.memory_space<vmem>> -> memref<1x1x128xi32, #tpu.memory_space<vmem>>
    %dma_start3A_258 = tpu.memref_squeeze %dma_start3A_257 : memref<1x1x128xi32, #tpu.memory_space<vmem>> -> memref<128xi32, #tpu.memory_space<vmem>>
    %dma_start3A_259 = arith.constant 0 : i32
    %dma_start3A_260 = arith.constant 0 : i32
    %dma_start3A_261 = tpu.memref_slice %arg13[%dma_start3A_259, %dma_start3A_260] : memref<50048x32xf32, #tpu.memory_space<vmem_shared>> -> memref<50048x32xf32, #tpu.memory_space<vmem_shared>>
    tpu.enqueue_indirect_dma source(%dma_start3A_255 : memref<128x32xf32, #tpu.memory_space<vmem>>) target(%dma_start3A_261 : memref<50048x32xf32, #tpu.memory_space<vmem_shared>>) offsets(%dma_start3A_258 : memref<128xi32, #tpu.memory_space<vmem>>) semaphore(%arg15 : memref<!tpu.dma_semaphore, #tpu.memory_space<semaphore_mem>>) {add = true}
    %dma_wait3A_262 = arith.constant 1 : i32
    %dma_wait3A_263 = arith.constant 1 : i32
    %dma_wait3A_264 = arith.constant 0 : i32
    %dma_wait3A_265 = arith.constant 0 : i32
    %dma_wait3A_266 = arith.constant 0 : i32
    %dma_wait3A_267 = tpu.memref_slice %arg12[%dma_wait3A_262, %dma_wait3A_265, %dma_wait3A_266] : memref<2x384x32xf32, #tpu.memory_space<vmem>> -> memref<1x128x32xf32, #tpu.memory_space<vmem>>
    %dma_wait3A_268 = tpu.memref_squeeze %dma_wait3A_267 : memref<1x128x32xf32, #tpu.memory_space<vmem>> -> memref<128x32xf32, #tpu.memory_space<vmem>>
    %dma_wait3A_269 = arith.constant 0 : i32
    %dma_wait3A_270 = tpu.memref_slice %arg11[%dma_wait3A_263, %dma_wait3A_264, %dma_wait3A_269] : memref<2x3x128xi32, #tpu.memory_space<vmem>> -> memref<1x1x128xi32, #tpu.memory_space<vmem>>
    %dma_wait3A_271 = tpu.memref_squeeze %dma_wait3A_270 : memref<1x1x128xi32, #tpu.memory_space<vmem>> -> memref<128xi32, #tpu.memory_space<vmem>>
    %dma_wait3A_272 = arith.constant 0 : i32
    %dma_wait3A_273 = arith.constant 0 : i32
    %dma_wait3A_274 = tpu.memref_slice %arg13[%dma_wait3A_272, %dma_wait3A_273] : memref<50048x32xf32, #tpu.memory_space<vmem_shared>> -> memref<50048x32xf32, #tpu.memory_space<vmem_shared>>
    tpu.wait_indirect_dma semaphore(%arg15 : memref<!tpu.dma_semaphore, #tpu.memory_space<semaphore_mem>>) src(%dma_wait3A_268 : memref<128x32xf32, #tpu.memory_space<vmem>>) dst(%dma_wait3A_274 : memref<50048x32xf32, #tpu.memory_space<vmem_shared>>)
    %dma_wait3A_275 = arith.constant 1 : i32
    %dma_wait3A_276 = arith.constant 1 : i32
    %dma_wait3A_277 = arith.constant 1 : i32
    %dma_wait3A_278 = arith.constant 128 : i32
    %dma_wait3A_279 = arith.constant 0 : i32
    %dma_wait3A_280 = tpu.memref_slice %arg12[%dma_wait3A_275, %dma_wait3A_278, %dma_wait3A_279] : memref<2x384x32xf32, #tpu.memory_space<vmem>> -> memref<1x128x32xf32, #tpu.memory_space<vmem>>
    %dma_wait3A_281 = tpu.memref_squeeze %dma_wait3A_280 : memref<1x128x32xf32, #tpu.memory_space<vmem>> -> memref<128x32xf32, #tpu.memory_space<vmem>>
    %dma_wait3A_282 = arith.constant 0 : i32
    %dma_wait3A_283 = tpu.memref_slice %arg11[%dma_wait3A_276, %dma_wait3A_277, %dma_wait3A_282] : memref<2x3x128xi32, #tpu.memory_space<vmem>> -> memref<1x1x128xi32, #tpu.memory_space<vmem>>
    %dma_wait3A_284 = tpu.memref_squeeze %dma_wait3A_283 : memref<1x1x128xi32, #tpu.memory_space<vmem>> -> memref<128xi32, #tpu.memory_space<vmem>>
    %dma_wait3A_285 = arith.constant 0 : i32
    %dma_wait3A_286 = arith.constant 0 : i32
    %dma_wait3A_287 = tpu.memref_slice %arg13[%dma_wait3A_285, %dma_wait3A_286] : memref<50048x32xf32, #tpu.memory_space<vmem_shared>> -> memref<50048x32xf32, #tpu.memory_space<vmem_shared>>
    tpu.wait_indirect_dma semaphore(%arg15 : memref<!tpu.dma_semaphore, #tpu.memory_space<semaphore_mem>>) src(%dma_wait3A_281 : memref<128x32xf32, #tpu.memory_space<vmem>>) dst(%dma_wait3A_287 : memref<50048x32xf32, #tpu.memory_space<vmem_shared>>)
    %dma_wait3A_288 = arith.constant 1 : i32
    %dma_wait3A_289 = arith.constant 1 : i32
    %dma_wait3A_290 = arith.constant 2 : i32
    %dma_wait3A_291 = arith.constant 256 : i32
    %dma_wait3A_292 = arith.constant 0 : i32
    %dma_wait3A_293 = tpu.memref_slice %arg12[%dma_wait3A_288, %dma_wait3A_291, %dma_wait3A_292] : memref<2x384x32xf32, #tpu.memory_space<vmem>> -> memref<1x128x32xf32, #tpu.memory_space<vmem>>
    %dma_wait3A_294 = tpu.memref_squeeze %dma_wait3A_293 : memref<1x128x32xf32, #tpu.memory_space<vmem>> -> memref<128x32xf32, #tpu.memory_space<vmem>>
    %dma_wait3A_295 = arith.constant 0 : i32
    %dma_wait3A_296 = tpu.memref_slice %arg11[%dma_wait3A_289, %dma_wait3A_290, %dma_wait3A_295] : memref<2x3x128xi32, #tpu.memory_space<vmem>> -> memref<1x1x128xi32, #tpu.memory_space<vmem>>
    %dma_wait3A_297 = tpu.memref_squeeze %dma_wait3A_296 : memref<1x1x128xi32, #tpu.memory_space<vmem>> -> memref<128xi32, #tpu.memory_space<vmem>>
    %dma_wait3A_298 = arith.constant 0 : i32
    %dma_wait3A_299 = arith.constant 0 : i32
    %dma_wait3A_300 = tpu.memref_slice %arg13[%dma_wait3A_298, %dma_wait3A_299] : memref<50048x32xf32, #tpu.memory_space<vmem_shared>> -> memref<50048x32xf32, #tpu.memory_space<vmem_shared>>
    tpu.wait_indirect_dma semaphore(%arg15 : memref<!tpu.dma_semaphore, #tpu.memory_space<semaphore_mem>>) src(%dma_wait3A_294 : memref<128x32xf32, #tpu.memory_space<vmem>>) dst(%dma_wait3A_300 : memref<50048x32xf32, #tpu.memory_space<vmem_shared>>)
    %barrier3A_301 = arith.constant 0 : index
    tpu.barrier barrier_id(%barrier3A_301)
    %mul3A_302 = arith.constant 50048 : i32
    %mul3A_303 = arith.muli %arg0, %mul3A_302 : i32
    %add3A_304 = arith.addi %mul3A_303, %mul3A_0 : i32
    %dma_start3A_305 = arith.constant 0 : i32
    %dma_start3A_306 = tpu.memref_slice %arg9[%add3A_304, %dma_start3A_305] : memref<100096x32xf32, #tpu.memory_space<hbm>> -> memref<3128x32xf32, #tpu.memory_space<hbm>>
    %dma_start3A_307 = arith.constant 0 : i32
    %dma_start3A_308 = tpu.memref_slice %arg13[%mul3A_0, %dma_start3A_307] : memref<50048x32xf32, #tpu.memory_space<vmem_shared>> -> memref<3128x32xf32, #tpu.memory_space<vmem_shared>>
    tpu.enqueue_dma source(%dma_start3A_308 : memref<3128x32xf32, #tpu.memory_space<vmem_shared>>) target(%dma_start3A_306 : memref<3128x32xf32, #tpu.memory_space<hbm>>) target_semaphore(%arg17 : memref<!tpu.dma_semaphore, #tpu.memory_space<semaphore_mem>>)
    %dma_wait3A_309 = arith.constant 0 : i32
    %dma_wait3A_310 = tpu.memref_slice %arg9[%add3A_304, %dma_wait3A_309] : memref<100096x32xf32, #tpu.memory_space<hbm>> -> memref<3128x32xf32, #tpu.memory_space<hbm>>
    %dma_wait3A_311 = arith.constant 0 : i32
    %dma_wait3A_312 = tpu.memref_slice %arg13[%mul3A_0, %dma_wait3A_311] : memref<50048x32xf32, #tpu.memory_space<vmem_shared>> -> memref<3128x32xf32, #tpu.memory_space<vmem_shared>>
    tpu.wait_dma2 semaphore(%arg17 : memref<!tpu.dma_semaphore, #tpu.memory_space<semaphore_mem>>) src(%dma_wait3A_312 : memref<3128x32xf32, #tpu.memory_space<vmem_shared>>) dst(%dma_wait3A_310 : memref<3128x32xf32, #tpu.memory_space<hbm>>)
    %barrier3A_313 = arith.constant 0 : index
    tpu.barrier barrier_id(%barrier3A_313)
    return
  }
}

module attributes {stable_mosaic.version = 14 : i64} {
  func.func @_combine_body(%arg0: i32, %arg1: memref<400x64xf32, #tpu.memory_space<vmem>>, %arg2: memref<2x400x32xf32, #tpu.memory_space<vmem>>, %arg3: memref<2x400x32xf32, #tpu.memory_space<vmem>>, %arg4: memref<2x400x32xf32, #tpu.memory_space<vmem>>, %arg5: memref<400x64xf32, #tpu.memory_space<vmem>>) attributes {dimension_semantics = [#tpu.dimension_semantics<arbitrary>], iteration_bounds = array<i64: 125>, scalar_prefetch = 0 : i64, scratch_operands = 0 : i64, tpu.core_type = #tpu.core_type<tc>, window_params = [{transform_indices = @transform_0, window_bounds = array<i64: 400, 64>}, {transform_indices = @transform_1, window_bounds = array<i64: 2, 400, 32>}, {transform_indices = @transform_2, window_bounds = array<i64: 2, 400, 32>}, {transform_indices = @transform_3, window_bounds = array<i64: 2, 400, 32>}, {transform_indices = @transform_4, window_bounds = array<i64: 400, 64>}]} {
    %get3A = arith.constant 0 : index
    %get3A_0 = arith.constant 0 : index
    %get3A_1 = vector.load %arg1[%get3A, %get3A_0] : memref<400x64xf32, #tpu.memory_space<vmem>>, vector<400x32xf32>
    %get3A_2 = arith.constant 0 : index
    %get3A_3 = arith.constant 0 : index
    %get3A_4 = arith.constant 0 : index
    %get3A_5 = vector.load %arg2[%get3A_2, %get3A_3, %get3A_4] : memref<2x400x32xf32, #tpu.memory_space<vmem>>, vector<1x400x32xf32>
    %get3A_6 = vector.shape_cast %get3A_5 : vector<1x400x32xf32> to vector<400x32xf32>
    %add3A = arith.addf %get3A_1, %get3A_6 : vector<400x32xf32>
    %get3A_7 = arith.constant 0 : index
    %get3A_8 = arith.constant 0 : index
    %get3A_9 = arith.constant 0 : index
    %get3A_10 = vector.load %arg3[%get3A_7, %get3A_8, %get3A_9] : memref<2x400x32xf32, #tpu.memory_space<vmem>>, vector<1x400x32xf32>
    %get3A_11 = vector.shape_cast %get3A_10 : vector<1x400x32xf32> to vector<400x32xf32>
    %add3A_12 = arith.addf %add3A, %get3A_11 : vector<400x32xf32>
    %get3A_13 = arith.constant 0 : index
    %get3A_14 = arith.constant 0 : index
    %get3A_15 = arith.constant 0 : index
    %get3A_16 = vector.load %arg4[%get3A_13, %get3A_14, %get3A_15] : memref<2x400x32xf32, #tpu.memory_space<vmem>>, vector<1x400x32xf32>
    %get3A_17 = vector.shape_cast %get3A_16 : vector<1x400x32xf32> to vector<400x32xf32>
    %add3A_18 = arith.addf %add3A_12, %get3A_17 : vector<400x32xf32>
    %mul3A = arith.constant 2.500000e-01 : f32
    %mul3A_19 = vector.broadcast %mul3A : f32 to vector<400x32xf32>
    %mul3A_20 = arith.mulf %add3A_18, %mul3A_19 : vector<400x32xf32>
    %get3A_21 = arith.constant 0 : index
    %get3A_22 = arith.constant 32 : index
    %get3A_23 = vector.load %arg1[%get3A_21, %get3A_22] : memref<400x64xf32, #tpu.memory_space<vmem>>, vector<400x32xf32>
    %get3A_24 = arith.constant 1 : index
    %get3A_25 = arith.constant 0 : index
    %get3A_26 = arith.constant 0 : index
    %get3A_27 = vector.load %arg2[%get3A_24, %get3A_25, %get3A_26] : memref<2x400x32xf32, #tpu.memory_space<vmem>>, vector<1x400x32xf32>
    %get3A_28 = vector.shape_cast %get3A_27 : vector<1x400x32xf32> to vector<400x32xf32>
    %add3A_29 = arith.addf %get3A_23, %get3A_28 : vector<400x32xf32>
    %get3A_30 = arith.constant 1 : index
    %get3A_31 = arith.constant 0 : index
    %get3A_32 = arith.constant 0 : index
    %get3A_33 = vector.load %arg3[%get3A_30, %get3A_31, %get3A_32] : memref<2x400x32xf32, #tpu.memory_space<vmem>>, vector<1x400x32xf32>
    %get3A_34 = vector.shape_cast %get3A_33 : vector<1x400x32xf32> to vector<400x32xf32>
    %add3A_35 = arith.addf %add3A_29, %get3A_34 : vector<400x32xf32>
    %get3A_36 = arith.constant 1 : index
    %get3A_37 = arith.constant 0 : index
    %get3A_38 = arith.constant 0 : index
    %get3A_39 = vector.load %arg4[%get3A_36, %get3A_37, %get3A_38] : memref<2x400x32xf32, #tpu.memory_space<vmem>>, vector<1x400x32xf32>
    %get3A_40 = vector.shape_cast %get3A_39 : vector<1x400x32xf32> to vector<400x32xf32>
    %add3A_41 = arith.addf %add3A_35, %get3A_40 : vector<400x32xf32>
    %mul3A_42 = arith.constant 2.500000e-01 : f32
    %mul3A_43 = vector.broadcast %mul3A_42 : f32 to vector<400x32xf32>
    %mul3A_44 = arith.mulf %add3A_41, %mul3A_43 : vector<400x32xf32>
    %concatenate3A = tpu.concatenate %mul3A_20, %mul3A_44 in 1 : vector<400x32xf32>, vector<400x32xf32> -> vector<400x64xf32>
    %swap3A = arith.constant 0 : index
    %swap3A_45 = arith.constant 0 : index
    %swap3A_46 = vector.load %arg5[%swap3A, %swap3A_45] : memref<400x64xf32, #tpu.memory_space<vmem>>, vector<400x64xf32>
    tpu.vector_store %arg5[%swap3A, %swap3A_45], %concatenate3A {strides = array<i32>} : memref<400x64xf32, #tpu.memory_space<vmem>>, vector<400x64xf32>,
    return
  }
  func.func @transform_0(%arg0: i32) -> (i32, i32) {
    %c0_i32 = arith.constant 0 : i32
    %c0_i32_0 = arith.constant 0 : i32
    return %arg0, %c0_i32 : i32, i32
  }
  func.func @transform_1(%arg0: i32) -> (i32, i32, i32) {
    %c0_i32 = arith.constant 0 : i32
    %c0_i32_0 = arith.constant 0 : i32
    %c0_i32_1 = arith.constant 0 : i32
    return %c0_i32, %arg0, %c0_i32_0 : i32, i32, i32
  }
  func.func @transform_2(%arg0: i32) -> (i32, i32, i32) {
    %c0_i32 = arith.constant 0 : i32
    %c0_i32_0 = arith.constant 0 : i32
    %c0_i32_1 = arith.constant 0 : i32
    return %c0_i32, %arg0, %c0_i32_0 : i32, i32, i32
  }
  func.func @transform_3(%arg0: i32) -> (i32, i32, i32) {
    %c0_i32 = arith.constant 0 : i32
    %c0_i32_0 = arith.constant 0 : i32
    %c0_i32_1 = arith.constant 0 : i32
    return %c0_i32, %arg0, %c0_i32_0 : i32, i32, i32
  }
  func.func @transform_4(%arg0: i32) -> (i32, i32) {
    %c0_i32 = arith.constant 0 : i32
    %c0_i32_0 = arith.constant 0 : i32
    return %arg0, %c0_i32 : i32, i32
  }
}

</mosaic_0001>

<sc_bundles>
// kernel: kernel.4.cloned.1.call-start
scs
__scs_entry_jumppad:
0x0: {  	(pc) =	sbr.rel $0x88, $3  }
0x1: {  	(tag) =	ssettag $0x0;
	lr =	simm.s32 $0x1  }
0x2: {  	[smem:$0x3F9F] =	sst lr;
	_ =	strace $0xD0000000  }
0x3: {  	_ = 	snop  }
0x4: {  	_ = 	snop  }
0x5: {  	_ = 	snop  }
0x6: {  	_ = 	snop  }
0x7: {  	_ = 	snop  }
__scs_overlays_trampoline_lowered:
0x8: {  	[smem:$0x3FAE] =	sst s0  }
0x9: {  	[smem:$0x3FAF] =	sst s1  }
0xa: {  	[smem:$0x3FB0] =	sst s2  }
0xb: {  	[smem:$0x3FB1] =	sst s3  }
0xc: {  	[smem:$0x3FB2] =	sst s4  }
0xd: {  	[smem:$0x3FB3] =	sst s5  }
0xe: {  	[smem:$0x3FB4] =	sst s6  }
0xf: {  	[smem:$0x3FB5] =	sst s7  }
0x10: {  	[smem:$0x3FB6] =	sst s8  }
0x11: {  	[smem:$0x3FB7] =	sst s9;
	s0 =	simm.s32 @!p0 $0x0  }
0x12: {  	s1 =	sld [smem:$0x3F9D];
	s0 =	simm.s32 @p0 $0x1  }
0x13: {  	[smem:$0x3FB8] =	sst s0;
	s0 =	simm.s32 @!p1 $0x0  }
0x14: {  	s2 =	sld [smem:$0x3F9C];
	s0 =	simm.s32 @p1 $0x1  }
0x15: {  	[smem:$0x3FB9] =	sst s0;
	s0 =	simm.s32 @!p2 $0x0  }
0x16: {  	s3 =	sld [smem:$0x3FDB];
	s0 =	simm.s32 @p2 $0x1  }
0x17: {  	s4 =	simm.s32 $0x1BF5;
	[smem:$0x3FBB] =	sst s0  }
0x18: {  	s0 =	sld [smem:$0x3F9E];
	_ =	swait.ge [sflag:s4], $0x0  }
0x19: {  	s7 =	sld [smem:$0x3F9F]  }
0x1a: {  	s8 =	sadd.s32 $0xFFFFE003, lr  }
0x1b: {  	s9 =	sadd.s32 $0xFFFFFEF7, lr;
	s5 =	simm.s32 $0xFFFFFFFF;
	p2 =	slt.u32 s8, $0xFFFFF086  }
0x1c: {  	p1 =	slt.u32 s9, $0xF7A;
	s5 =	simm.s32 @!p2 $0x0  }
0x1d: {  	s5 =	simm.s32 @p1 $0x1;
	p0 =	seq.s32 s7, s2  }
0x1e: {  	s7 =	smul.u32 @!p0 $0xF7A, s2;
	p2 =	seq.s32 @!p0 s5, $0x0  }
0x1f: {  	s9 =	smul.u32 $0xF7A, s1;
	s8 =	simm.s32 @!p0 $0x1BF5;
	p2 =	por !p2, p0  }
0x20: {  	[sflag:s8] =	ssyncset.s32 @!p0 $0xFFFFF086;
	s6 =	sadd.s32 @!p0 s3, s7;
	s7 =	simm.s32 @!p0 $0x108  }
0x21: {  	s3 =	sadd.s32 s3, s9;
	s6 =	sadd.s32 @!p0 $0x88, s6;
	s7 =	simm.s32 @p2 $0x1082  }
0x22: {  	[simem:s7], [sflag:s8] =	dma.local @!p0 [hbm:s6], $0xF7A  }
0x23: {  	s9 =	sor.u32 $0xD0000000, s2;
	s6 =	simm.s32 $0x108;
	_ =	swait.ge @!p0 [sflag:s8], $0x0  }
0x24: {  	s3 =	sadd.s32 $0x88, s3;
	s6 =	simm.s32 @!p1 $0x1082;
	[sflag:s4] =	ssyncset.s32 $0xFFFFF086  }
0x25: {  	[simem:s6], [sflag:s4] =	dma.local [hbm:s3], $0xF7A  }
0x26: {  	[smem:$0x3F9F] =	sst s1;
	(tag) =	ssettag s2;
	_ =	strace s9  }
0x27: {  	s1 =	sld [smem:$0x3FAF]  }
0x28: {  	s2 =	sld [smem:$0x3FB0]  }
0x29: {  	s4 =	sld [smem:$0x3FB2]  }
0x2a: {  	p0 =	seq.s32 s5, $0x0;
	s5 =	sld [smem:$0x3FB3]  }
0x2b: {  	s6 =	sld [smem:$0x3FB4]  }
0x2c: {  	s7 =	sld [smem:$0x3FB5]  }
0x2d: {  	s3 =	simm.s32 $0x108;
	s8 =	sld [smem:$0x3FB6]  }
0x2e: {  	s3 =	simm.s32 @!p0 $0x1082;
	s9 =	sld [smem:$0x3FB7]  }
0x2f: {  	lr =	sadd.s32 s0, s3;
	s0 =	sld [smem:$0x3FAE]  }
0x30: {  	s3 =	sld [smem:$0x3FB1]  }
0x31: {  	[smem:$0x3FBA] =	sst s10  }
0x32: {  	s10 =	sld [smem:$0x3FB8];
	_ =	sdelay $0x3  }
0x33: {  	p0 =	seq.s32 s10, $0x1;
	s10 =	sld [smem:$0x3FBA];
	_ =	sdelay $0x3  }
0x34: {  	[smem:$0x3FBA] =	sst s10  }
0x35: {  	s10 =	sld [smem:$0x3FB9];
	_ =	sdelay $0x3  }
0x36: {  	p1 =	seq.s32 s10, $0x1;
	s10 =	sld [smem:$0x3FBA];
	_ =	sdelay $0x3  }
0x37: {  	[smem:$0x3FBA] =	sst s10  }
0x38: {  	s10 =	sld [smem:$0x3FBB]  }
0x39: {  	_ = 	snop;
	(pc) =	sbr.ind lr, $3  }
0x3a: {  	_ = 	snop  }
0x3b: {  	_ = 	snop  }
0x3c: {  	p2 =	seq.s32 s10, $0x1;
	s10 =	sld [smem:$0x3FBA]  }
0x3d: {  	_ =	shalt  }
0x3e: {  	_ =	shalt  }
0x3f: {  	_ =	shalt  }
0x40: {  	_ =	shalt  }
0x41: {  	_ =	shalt  }
0x42: {  	_ =	shalt  }
0x43: {  	_ =	shalt  }
0x44: {  	_ =	shalt  }
0x45: {  	_ =	shalt  }
0x46: {  	_ =	shalt  }
0x47: {  	_ =	shalt  }
0x48: {  	_ =	shalt  }
0x49: {  	_ =	shalt  }
0x4a: {  	_ =	shalt  }
0x4b: {  	_ =	shalt  }
0x4c: {  	_ =	shalt  }
0x4d: {  	_ =	shalt  }
0x4e: {  	_ =	shalt  }
0x4f: {  	_ =	shalt  }
0x50: {  	_ =	shalt  }
0x51: {  	_ =	shalt  }
0x52: {  	_ =	shalt  }
0x53: {  	_ =	shalt  }
0x54: {  	_ =	shalt  }
0x55: {  	_ =	shalt  }
0x56: {  	_ =	shalt  }
0x57: {  	_ =	shalt  }
0x58: {  	_ =	shalt  }
0x59: {  	_ =	shalt  }
0x5a: {  	_ =	shalt  }
0x5b: {  	_ =	shalt  }
0x5c: {  	_ =	shalt  }
0x5d: {  	_ =	shalt  }
0x5e: {  	_ =	shalt  }
0x5f: {  	_ =	shalt  }
0x60: {  	_ =	shalt  }
0x61: {  	_ =	shalt  }
0x62: {  	_ =	shalt  }
0x63: {  	_ =	shalt  }
0x64: {  	_ =	shalt  }
0x65: {  	_ =	shalt  }
0x66: {  	_ =	shalt  }
0x67: {  	_ =	shalt  }
0x68: {  	_ =	shalt  }
0x69: {  	_ =	shalt  }
0x6a: {  	_ =	shalt  }
0x6b: {  	_ =	shalt  }
0x6c: {  	_ =	shalt  }
0x6d: {  	_ =	shalt  }
0x6e: {  	_ =	shalt  }
0x6f: {  	_ =	shalt  }
0x70: {  	_ =	shalt  }
0x71: {  	_ =	shalt  }
0x72: {  	_ =	shalt  }
0x73: {  	_ =	shalt  }
0x74: {  	_ =	shalt  }
0x75: {  	_ =	shalt  }
0x76: {  	_ =	shalt  }
0x77: {  	_ =	shalt  }
0x78: {  	_ =	shalt  }
0x79: {  	_ =	shalt  }
0x7a: {  	_ =	shalt  }
0x7b: {  	_ =	shalt  }
0x7c: {  	_ =	shalt  }
0x7d: {  	_ =	shalt  }
0x7e: {  	_ =	shalt  }
0x7f: {  	_ =	shalt  }
0x80: {  	_ =	shalt  }
0x81: {  	_ =	shalt  }
0x82: {  	_ =	shalt  }
0x83: {  	_ =	shalt  }
0x84: {  	_ =	shalt  }
0x85: {  	_ =	shalt  }
0x86: {  	_ =	shalt  }
0x87: {  	_ =	shalt  }
.Lfunc_end0:
.L_simem_size_0:
called_computation_lowered:
.L_overlay_start_0:
0x88: {  	s2 =	sld [smem:$0x3FD9]  }
0x89: {  	s3 =	sld [smem:$0x3FFE];
	_ =	sdelay $0x1  }
0x8a: {  	s1 =	srdreg.scid  }
0x8b: {  	s0 =	sand.u32 $0x1, s1  }
0x8c: {  	s14 =	sshll.u32 s0, $0xA;
	s2 =	sadd.s32 s3, s2  }
0x8d: {  	s2 =	sadd.s32 s2, s14  }
0x8e: {  	[smem:$0x3FC6] =	sst s2  }
0x8f: {  	_ = 	snop  }
0x90: {  	s2 =	sld [smem:$0x3FD0];
	_ =	sdelay $0x2  }
0x91: {  	s15 =	simm.s32 $0xA;
	s4 =	simm.s32 $0x10  }
0x92: {  	[smem:s4], [sflag:s15] =	dma.local [hbm:s2], $0x1  }
0x93: {  	_ =	swait.eq [sflag:s15], $0x1  }
0x94: {  	[sflag:s15] =	ssyncset.done $0x0  }
0x95: {  	s16 =	sld [smem:$0x10];
	[sflag:s15] =	ssyncadd.s32 $0xFFFFFFFF  }
0x96: {  	s17 =	sld [smem:$0x11];
	(tm) =	ssettm $0x1  }
0x97: {  	s18 =	sld [smem:$0x3FFB];
	_ =	sdelay $0x3  }
0x98: {  	_ =	strace s18  }
0x99: {  	s4 =	sld [smem:$0x3FFC];
	_ =	sdelay $0x3  }
0x9a: {  	_ =	strace s4  }
0x9b: {  	s4 =	sld [smem:$0x3FFD];
	_ =	sdelay $0x3  }
0x9c: {  	_ =	strace s4  }
0x9d: {  	_ =	strace $0x8FFFFFFF  }
0x9e: {  	s19 =	sld [smem:$0x3FDB];
	_ =	sdelay $0x1  }
0x9f: {  	s5 =	simm.s32 $_scs_section_size  }
0xa0: {  	s6 =	simm.s32 $_size__tile_overlayer_lowered;
	s7 =	simm.s32 $_tile_overlayer_lowered  }
0xa1: {  	s22 =	simm.s32 $0x1BFF;
	s21 =	sshll.u32 s7, $0x1;
	s4 =	sadd.s32 s5, s19  }
0xa2: {  	s8 =	simm.s32 $0x0;
	s20 =	sshll.u32 s6, $0x1;
	s6 =	sadd.s32 s21, s4  }
0xa3: {  	[timem:s8], [sflag:s22] =	dma.local [hbm:s6], s20  }
0xa4: {  	_ =	swait.ge [sflag:s22], s20  }
0xa5: {  	s5 =	ssub.s32 $0x0, s20;
	[sflag:s22] =	ssyncset.done $0x0  }
0xa6: {  	[sflag:s22] =	ssyncadd.s32 s5;
	_ =	sdelay $0x1  }
0xa7: {  	s23 =	simm.s32 $0x1B8B  }
0xa8: {  	_ =	swait.ge [sflag:s23], $0x1  }
0xa9: {  	[sflag:s23] =	ssyncset.done $0x0  }
0xaa: {  	s25 =	simm.s32 $0x1B8E;
	s24 =	sld [smem:$0x3FFE];
	[sflag:s23] =	ssyncadd.s32 $0xFFFFFFFF  }
0xab: {  	s26 =	simm.s32 $execute0_lowered;
	[smem:$0x3FD2] =	sst s25  }
0xac: {  	s6 =	sshll.u32 s26, $0x1;
	_ =	strace $0x80000046;
	[dreg:$0x1] =	wrdreg $0xFFFFFFFF  }
0xad: {  	s28 =	simm.s32 $_size_execute0_lowered;
	s4 =	sadd.s32 s4, s6;
	[dreg:$0x0] =	wrdreg $0x0  }
0xae: {  	s6 =	sshll.u32 s28, $0x1;
	[dreg:$0x2] =	wrdreg s4  }
0xaf: {  	[dreg:$0x3] =	wrdreg s6  }
0xb0: {  	[dreg:$0x4] =	wrdreg $0xC0  }
0xb1: {  	_ =	task [dreg:s8], $0x5FFFF  }
0xb2: {  	[dreg:$0x1] =	wrdreg $0xFFFFFFFF  }
0xb3: {  	[dreg:$0x0] =	wrdreg $0x60  }
0xb4: {  	[dreg:$0x2] =	wrdreg s24  }
0xb5: {  	[dreg:$0x3] =	wrdreg s17  }
0xb6: {  	[dreg:$0x4] =	wrdreg s16  }
0xb7: {  	[dreg:$0x5] =	wrdreg $0x66000  }
0xb8: {  	[dreg:$0x6] =	wrdreg $0x9  }
0xb9: {  	_ =	task.clear_ibuf [dreg:s8], $0x7FFFF;
	_ =	strace $0x90000046  }
0xba: {  	s29 =	simm.s32 $0x9;
	_ =	strace $0x80000048  }
0xbb: {  	_ =	swait.ge [sflag:s29], $0x1  }
0xbc: {  	[sflag:s29] =	ssyncadd.s32 $0xFFFFFFFF  }
0xbd: {  	_ =	strace $0x90000048  }
0xbe: {  	_ =	sfence  }
0xbf: {  	s30 =	sld [smem:$0x0];
	_ =	sdelay $0x2  }
0xc0: {  	s31 =	sshll.u32 s1, $0xD;
	s1 =	sshrl.u32 s1, $0x2  }
0xc1: {  	s3 =	sand.u32 $0x4000, s31;
	s1 =	sadd.s32 s1, s30  }
0xc2: {  	s0 =	sor.u32 s3, s0;
	s1 =	sshll.u32 s1, $0x11  }
0xc3: {  	s0 =	sor.u32 s1, s0  }
0xc4: {  	s0 =	sadd.s32 $0x8F2B, s0  }
0xc5: {  	[sflag:s0] =	ssyncadd.remote.s32 $0x1  }
0xc6: {  	_ =	sfence.sel $0xFFFF  }
0xc7: {  	[dreg:$0x0] =	wrdreg $0xFFFFFFFF;
	(pc) =	sbr.abs _section_cstart, $3  }
0xc8: {  	[dreg:$0x1] =	wrdreg $0xFFFFFFFF  }
0xc9: {  	_ =	task.clear_ibuf [dreg:s8], $0x2FFFF;
	_ =	strace $0x9FFFFFFF  }
0xca: {  	(tm) =	ssettm $0x7FFFFFFF  }
0xcb: {  	_ =	shalt  }
tec
execute0_lowered:
.L_overlay_start_1:
0x0: {  	(tag) =	ssettag $0x1  }
0x1: {  	s0 =	rddreg [dreg:$0x0]  }
0x2: {  	s1 =	rddreg [dreg:$0x1]  }
0x3: {  	s4 =	rddreg [dreg:$0x2]  }
0x4: {  	s2 =	rddreg [dreg:$0x3];
	s3 =	simm.s32 $0x0;
	s7 =	srdreg.scid  }
0x5: {  	s16 =	stileid.u32;
	s28 =	simm.s32 $0x480;
	s29 =	simm.s32 $0x1  }
0x6: {  	s30 =	simm.s32 $0x3;
	s31 =	simm.s32 $0x3600;
	[smem:$0x7FF] =	sst s3  }
0x7: {  	s5 =	sadd.s32 $0xF5E00, s0;
	s6 =	sadd.s32 $0x1000, s0;
	s10 =	smul.u32 $0xC38, s16  }
0x8: {  	s8 =	sadd.s32 $0x157A00, s0;
	s7 =	sand.u32 $0x1, s7;
	s13 =	smul.u32 $0x61C00, s16  }
0x9: {  	s9 =	sadd.s32 $0x15AC00, s0;
	s15 =	smul.u32 $0x18C0, s16;
	s17 =	sshll.u32 s16, $0x6  }
0xa: {  	s26 =	smul.u32 $0xC600, s16;
	_ =	strace $0x80000047;
	[dreg:$0x5] =	wrdreg s8  }
0xb: {  	s8 =	sadd.s32 $0x1BC800, s0;
	s11 =	smul.u32 $0xC380, s7;
	s12 =	sshll.u32 s7, $0x4  }
0xc: {  	s25 =	ssub.s32 $0x2, s7;
	s7 =	smul.u32 $0xC6000, s7;
	[dreg:$0x6] =	wrdreg s17  }
0xd: {  	s18 =	sor.u32 $0x1C05, s17;
	s17 =	simm.s32 $0x2;
	s12 =	sor.u32 s16, s12  }
0xe: {  	s14 =	sshrl.u32 s25, $0x1;
	s13 =	sshrl.u32 s13, $0x2;
	[dreg:$0x7] =	wrdreg s18  }
0xf: {  	s18 =	simm.s32 $0x0;
	s10 =	sadd.s32 s10, s11;
	s12 =	smul.u32 $0x18C0, s12  }
0x10: {  	s11 =	ssub.s32 s25, s14;
	s16 =	sadd.s32 s13, s2;
	s13 =	sadd.s32 s4, s15  }
0x11: {  	s21 =	sadd.s32 s26, s7;
	s14 =	simm.s32 $0x400;
	s10 =	sshll.u32 s10, $0x2  }
0x12: {  	s24 =	sor.u32 $0x180, s21;
	s25 =	smax.u32 s11, $0x1;
	s4 =	sadd.s32 $0x300, s21  }
0x13: {  	s0 =	sadd.s32 s10, s0;
	s19 =	sadd.s32 s1, s12;
	[dreg:$0xd] =	wrdreg s25  }
0x14: {  	s20 =	sadd.s32 s8, s10;
	s22 =	sadd.s32 s6, s12;
	[dreg:$0xe] =	wrdreg s4  }
0x15: {  	s23 =	sadd.s32 s9, s10;
	s26 =	sshrl.u32 s24, $0x3;
	[dreg:$0x8] =	wrdreg s19  }
0x16: {  	s24 =	simm.s32 $0x300;
	s25 =	simm.s32 $0x180;
	[dreg:$0x9] =	wrdreg s20  }
.Ltmp0:
0x17: {  	s4 =	simm.s32 $0x380;
	[dreg:$0xa] =	wrdreg s22;
	(pc) =	sbr.rel .LBB2_1-.Ltmp0, $4  }
0x18: {  	s12 =	simm.s32 $0x1600;
	[dreg:$0xb] =	wrdreg s23;
	s0 =	sadd.s32 $0x21E400, s0  }
0x19: {  	s20 =	sadd.s32 s26, s1;
	s21 =	sadd.s32 s26, s6;
	s22 =	sshrl.u32 s16, $0x3  }
0x1a: {  	s23 =	simm.s32 $0x5;
	s26 =	simm.s32 $0x600;
	[dreg:$0xc] =	wrdreg s0  }
0x1b: {  	s16 =	simm.s32 $0x2600;
	s0 =	simm.s32 $0x80;
	[dreg:$0xf] =	wrdreg s22  }
.LBB2_10:
0x1c: {  	_ =	swait.ge [sflag:s29], $0x3000  }
0x1d: {  	[sflag:s29] =	ssyncset.done $0x0  }
0x1e: {  	[sflag:s29] =	ssyncadd.s32 $0xFFFFD000  }
0x1f: {  	[spmem:s2] =	stream.indirect.scatter.add.f32 [tilespmem:s31], [sflag:$0x2], $0x20, s28, s0, $0xb8;
	[tilespmem:$0x1ED00] =	vst v63  }
0x20: {  	s7 =	simm.s32 $0x500;
	s10 =	simm.s32 $0x4600  }
0x21: {  	[spmem:s2] =	stream.indirect.scatter.add.f32 [tilespmem:s10], [sflag:$0x2], $0x20, s7, s0, $0xb8;
	[tilespmem:$0x1ED00] =	vst v63  }
0x22: {  	s19 =	simm.s32 $0x580;
	s22 =	simm.s32 $0x5600  }
0x23: {  	[spmem:s2] =	stream.indirect.scatter.add.f32 [tilespmem:s22], [sflag:$0x2], $0x20, s19, s0, $0xb8;
	[tilespmem:$0x1ED00] =	vst v63  }
0x24: {  	_ =	swait.ge [sflag:s17], $0x1000  }
0x25: {  	[sflag:s17] =	ssyncset.done $0x0  }
0x26: {  	[sflag:s17] =	ssyncadd.s32 $0xFFFFF000  }
0x27: {  	_ =	swait.ge [sflag:s17], $0x1000  }
0x28: {  	[sflag:s17] =	ssyncset.done $0x0  }
0x29: {  	[sflag:s17] =	ssyncadd.s32 $0xFFFFF000  }
0x2a: {  	_ =	swait.ge [sflag:s17], $0x1000  }
0x2b: {  	[sflag:s17] =	ssyncset.done $0x0  }
0x2c: {  	[sflag:s17] =	ssyncadd.s32 $0xFFFFF000  }
0x2d: {  	[bflag:$0x0] =	sbarrier.arrive $0xFFFF  }
0x2e: {  	s11 =	rddreg [dreg:$0xc]  }
0x2f: {  	s22 =	rddreg [dreg:$0xf]  }
0x30: {  	[hbm:s11], [sflag:s15] =	dma.local [spmem:s22], $0x30E0  }
0x31: {  	s15 =	simm.s32 $0x4  }
0x32: {  	_ =	swait.ge [sflag:s15], $0x30E0  }
0x33: {  	s18 =	sadd.s32 $0x1, s18;
	s19 =	rddreg [dreg:$0xd]  }
0x34: {  	p0 =	sne.s32 s18, s19  }
.Ltmp1:
0x35: {  	_ = 	snop;
	(pc) =	sbr.rel @!p0 .LBB2_11-.Ltmp1, $3  }
0x36: {  	[sflag:s15] =	ssyncset.done $0x0  }
0x37: {  	[sflag:s15] =	ssyncadd.s32 $0xFFFFCF20  }
0x38: {  	[bflag:$0x0] =	sbarrier.arrive $0xFFFF;
	_ =	sdelay $0x1  }
.LBB2_1:
0x39: {  	s7 =	rddreg [dreg:$0x5]  }
0x3a: {  	s10 =	rddreg [dreg:$0x7]  }
0x3b: {  	[spmem:s22], [sflag:s10] =	dma.local [hbm:s7], $0x30E0  }
0x3c: {  	_ =	swait.ge [sflag:s23], $0x30E0  }
0x3d: {  	[sflag:s23] =	ssyncset.done $0x0  }
0x3e: {  	[sflag:s23] =	ssyncadd.s32 $0xFFFFCF20  }
0x3f: {  	[bflag:$0x0] =	sbarrier.arrive $0xFFFF  }
0x40: {  	s19 =	rddreg [dreg:$0x8]  }
0x41: {  	[tilespmem:s3], [sflag:$0x5] =	stream.linear.gather [hbm4b:s19+s3], $0x180, $0x38;
	[tilespmem:$0x1ED00] =	vst v63  }
0x42: {  	_ =	swait.ge [sflag:s23], $0x180  }
0x43: {  	[sflag:s23] =	ssyncset.done $0x0  }
0x44: {  	[sflag:s23] =	ssyncadd.s32 $0xFFFFFE80  }
0x45: {  	[tilespmem:s24], [sflag:$0x5] =	stream.linear.gather [hbm4b:s13+s3], $0x180, $0x38;
	[tilespmem:$0x1ED00] =	vst v63  }
0x46: {  	_ =	swait.ge [sflag:s23], $0x180  }
0x47: {  	[sflag:s23] =	ssyncset.done $0x0  }
0x48: {  	s7 =	simm.s32 $0x0;
	s15 =	rddreg [dreg:$0xe];
	[sflag:s23] =	ssyncadd.s32 $0xFFFFFE80  }
.LBB2_2:
0x49: {  	[tilespmem:s26], [sflag:$0x1] =	stream.indirect.gather [hbm4b:s5+s25], $0x20, s3, s25, $0xb8;
	[tilespmem:$0x1ED00] =	vst v63  }
0x4a: {  	p0 =	seq.s32 s7, $0x0  }
0x4b: {  	s11 =	simm.s32 @!p0 $0x80;
	s19 =	simm.s32 @!p0 $0x480;
	s10 =	simm.s32 @!p0 $0x3600  }
0x4c: {  	[spmem:s2] =	stream.indirect.scatter.add.f32 @!p0 [tilespmem:s10], [sflag:$0x2], $0x20, s19, s11, $0xb8;
	[tilespmem:$0x1ED00] =	vst v63  }
0x4d: {  	s10 =	simm.s32 @!p0 $0x500;
	s19 =	simm.s32 @!p0 $0x4600  }
0x4e: {  	[spmem:s2] =	stream.indirect.scatter.add.f32 @!p0 [tilespmem:s19], [sflag:$0x2], $0x20, s10, s11, $0xb8;
	[tilespmem:$0x1ED00] =	vst v63  }
0x4f: {  	s10 =	simm.s32 @!p0 $0x580;
	s19 =	simm.s32 @!p0 $0x5600  }
0x50: {  	[spmem:s2] =	stream.indirect.scatter.add.f32 @!p0 [tilespmem:s19], [sflag:$0x2], $0x20, s10, s11, $0xb8;
	[tilespmem:$0x1ED00] =	vst v63  }
0x51: {  	s10 =	simm.s32 @!p0 $0x2  }
0x52: {  	_ =	swait.ge @!p0 [sflag:s10], $0x1000  }
0x53: {  	[sflag:s10] =	ssyncset.done @!p0 $0x0  }
0x54: {  	[sflag:s10] =	ssyncadd.s32 @!p0 $0xFFFFF000  }
0x55: {  	_ =	swait.ge @!p0 [sflag:s10], $0x1000  }
0x56: {  	[sflag:s10] =	ssyncset.done @!p0 $0x0  }
0x57: {  	[sflag:s10] =	ssyncadd.s32 @!p0 $0xFFFFF000  }
0x58: {  	_ =	swait.ge @!p0 [sflag:s10], $0x1000  }
0x59: {  	[sflag:s10] =	ssyncset.done @!p0 $0x0  }
0x5a: {  	s19 =	sadd.s32 s7, s20;
	[sflag:s10] =	ssyncadd.s32 @!p0 $0xFFFFF000  }
0x5b: {  	[tilespmem:s25], [sflag:$0x3] =	stream.linear.gather [hbm4b:s19+s3], $0x180, $0x38;
	[tilespmem:$0x1ED00] =	vst v63  }
0x5c: {  	s19 =	sadd.s32 s7, s13  }
0x5d: {  	s11 =	sadd.s32 $0x30, s19  }
0x5e: {  	[tilespmem:s28], [sflag:$0x3] =	stream.linear.gather [hbm4b:s11+s3], $0x180, $0x38;
	[tilespmem:$0x1ED00] =	vst v63  }
0x5f: {  	_ =	swait.ge [sflag:s29], $0x3000  }
0x60: {  	[sflag:s29] =	ssyncset.done $0x0  }
0x61: {  	[sflag:s29] =	ssyncadd.s32 $0xFFFFD000  }
0x62: {  	_ =	swait.ge [sflag:s30], $0x180  }
0x63: {  	[sflag:s30] =	ssyncset.done $0x0  }
0x64: {  	[sflag:s30] =	ssyncadd.s32 $0xFFFFFE80  }
0x65: {  	_ =	swait.ge [sflag:s30], $0x180  }
0x66: {  	[sflag:s30] =	ssyncset.done $0x0  }
0x67: {  	[sflag:s30] =	ssyncadd.s32 $0xFFFFFE80  }
0x68: {  	[tilespmem:s31], [sflag:$0x1] =	stream.indirect.gather [hbm4b:s5+s25], $0x20, s25, s25, $0xb8;
	[tilespmem:$0x1ED00] =	vst v63  }
0x69: {  	_ = 	snop  }
0x6a: {  	[spmem:s2] =	stream.indirect.scatter.add.f32 [tilespmem:s26], [sflag:$0x2], $0x20, s24, s0, $0xb8;
	[tilespmem:$0x1ED00] =	vst v63  }
0x6b: {  	_ = 	snop  }
0x6c: {  	[spmem:s2] =	stream.indirect.scatter.add.f32 [tilespmem:s12], [sflag:$0x2], $0x20, s4, s0, $0xb8;
	[tilespmem:$0x1ED00] =	vst v63  }
0x6d: {  	_ = 	snop  }
0x6e: {  	[spmem:s2] =	stream.indirect.scatter.add.f32 [tilespmem:s16], [sflag:$0x2], $0x20, s14, s0, $0xb8;
	[tilespmem:$0x1ED00] =	vst v63  }
0x6f: {  	_ =	swait.ge [sflag:s17], $0x1000  }
0x70: {  	[sflag:s17] =	ssyncset.done $0x0  }
0x71: {  	[sflag:s17] =	ssyncadd.s32 $0xFFFFF000  }
0x72: {  	p0 =	seq.s32 s7, $0x1860;
	_ =	swait.ge [sflag:s17], $0x1000  }
.Ltmp2:
0x73: {  	[sflag:s17] =	ssyncset.done $0x0;
	(pc) =	sbr.rel @p0 .LBB2_4-.Ltmp2, $4  }
0x74: {  	[sflag:s17] =	ssyncadd.s32 $0xFFFFF000  }
0x75: {  	_ =	swait.ge [sflag:s17], $0x1000  }
0x76: {  	[sflag:s17] =	ssyncset.done $0x0  }
0x77: {  	[sflag:s17] =	ssyncadd.s32 $0xFFFFF000  }
0x78: {  	s10 =	sshrl.u32 s15, $0x3  }
0x79: {  	s10 =	sadd.s32 s1, s10  }
0x7a: {  	[tilespmem:s3], [sflag:$0x3] =	stream.linear.gather [hbm4b:s10+s3], $0x180, $0x38;
	[tilespmem:$0x1ED00] =	vst v63  }
0x7b: {  	s19 =	sadd.s32 $0x60, s19  }
0x7c: {  	[tilespmem:s24], [sflag:$0x3] =	stream.linear.gather [hbm4b:s19+s3], $0x180, $0x38;
	[tilespmem:$0x1ED00] =	vst v63  }
0x7d: {  	_ =	swait.ge [sflag:s29], $0x3000  }
0x7e: {  	[sflag:s29] =	ssyncset.done $0x0  }
0x7f: {  	[sflag:s29] =	ssyncadd.s32 $0xFFFFD000  }
0x80: {  	_ =	swait.ge [sflag:s30], $0x180  }
.Ltmp3:
0x81: {  	[sflag:s30] =	ssyncset.done $0x0;
	(pc) =	sbr.rel .LBB2_2-.Ltmp3, $4  }
0x82: {  	[sflag:s30] =	ssyncadd.s32 $0xFFFFFE80  }
0x83: {  	_ =	swait.ge [sflag:s30], $0x180  }
0x84: {  	[sflag:s30] =	ssyncset.done $0x0  }
0x85: {  	s15 =	sadd.s32 $0x300, s15;
	s7 =	sadd.s32 $0x60, s7;
	[sflag:s30] =	ssyncadd.s32 $0xFFFFFE80  }
.LBB2_4:
0x86: {  	_ =	swait.ge [sflag:s29], $0x3000  }
0x87: {  	[sflag:s29] =	ssyncset.done $0x0  }
0x88: {  	[sflag:s29] =	ssyncadd.s32 $0xFFFFD000  }
0x89: {  	[spmem:s2] =	stream.indirect.scatter.add.f32 [tilespmem:s31], [sflag:$0x2], $0x20, s28, s0, $0xb8;
	[tilespmem:$0x1ED00] =	vst v63  }
0x8a: {  	s7 =	simm.s32 $0x500;
	s10 =	simm.s32 $0x4600  }
0x8b: {  	[spmem:s2] =	stream.indirect.scatter.add.f32 [tilespmem:s10], [sflag:$0x2], $0x20, s7, s0, $0xb8;
	[tilespmem:$0x1ED00] =	vst v63  }
0x8c: {  	s11 =	simm.s32 $0x5600;
	s10 =	simm.s32 $0x580  }
0x8d: {  	[spmem:s2] =	stream.indirect.scatter.add.f32 [tilespmem:s11], [sflag:$0x2], $0x20, s10, s0, $0xb8;
	[tilespmem:$0x1ED00] =	vst v63  }
0x8e: {  	_ =	swait.ge [sflag:s17], $0x1000  }
0x8f: {  	[sflag:s17] =	ssyncset.done $0x0  }
0x90: {  	[sflag:s17] =	ssyncadd.s32 $0xFFFFF000  }
0x91: {  	_ =	swait.ge [sflag:s17], $0x1000  }
0x92: {  	[sflag:s17] =	ssyncset.done $0x0  }
0x93: {  	[sflag:s17] =	ssyncadd.s32 $0xFFFFF000  }
0x94: {  	_ =	swait.ge [sflag:s17], $0x1000  }
0x95: {  	[sflag:s17] =	ssyncset.done $0x0  }
0x96: {  	[sflag:s17] =	ssyncadd.s32 $0xFFFFF000  }
0x97: {  	[bflag:$0x0] =	sbarrier.arrive $0xFFFF  }
0x98: {  	s15 =	rddreg [dreg:$0x6]  }
0x99: {  	s10 =	simm.s32 $0x4;
	s19 =	rddreg [dreg:$0x9];
	s15 =	sor.u32 $0x1C04, s15  }
0x9a: {  	[hbm:s19], [sflag:s15] =	dma.local [spmem:s22], $0x30E0  }
0x9b: {  	_ =	swait.ge [sflag:s10], $0x30E0  }
0x9c: {  	[sflag:s10] =	ssyncset.done $0x0;
	s11 =	rddreg [dreg:$0x5]  }
0x9d: {  	s19 =	rddreg [dreg:$0x7];
	[sflag:s10] =	ssyncadd.s32 $0xFFFFCF20  }
0x9e: {  	[spmem:s22], [sflag:s19] =	dma.local [hbm:s11], $0x30E0  }
0x9f: {  	_ =	swait.ge [sflag:s23], $0x30E0  }
0xa0: {  	[sflag:s23] =	ssyncset.done $0x0  }
0xa1: {  	[sflag:s23] =	ssyncadd.s32 $0xFFFFCF20  }
0xa2: {  	[bflag:$0x0] =	sbarrier.arrive $0xFFFF  }
0xa3: {  	s7 =	simm.s32 $0x0;
	s22 =	rddreg [dreg:$0xa]  }
0xa4: {  	[tilespmem:s7], [sflag:$0x5] =	stream.linear.gather [hbm4b:s22+s7], $0x180, $0x38;
	[tilespmem:$0x1ED00] =	vst v63  }
0xa5: {  	_ =	swait.ge [sflag:s23], $0x180  }
0xa6: {  	[sflag:s23] =	ssyncset.done $0x0  }
0xa7: {  	[sflag:s23] =	ssyncadd.s32 $0xFFFFFE80  }
0xa8: {  	[tilespmem:s24], [sflag:$0x5] =	stream.linear.gather [hbm4b:s13+s7], $0x180, $0x38;
	[tilespmem:$0x1ED00] =	vst v63  }
0xa9: {  	_ =	swait.ge [sflag:s23], $0x180  }
0xaa: {  	[sflag:s23] =	ssyncset.done $0x0  }
0xab: {  	s19 =	rddreg [dreg:$0xe];
	[sflag:s23] =	ssyncadd.s32 $0xFFFFFE80  }
.LBB2_5:
0xac: {  	[tilespmem:s26], [sflag:$0x1] =	stream.indirect.gather [hbm4b:s8+s25], $0x20, s3, s25, $0xb8;
	[tilespmem:$0x1ED00] =	vst v63  }
0xad: {  	p0 =	seq.s32 s7, $0x0  }
0xae: {  	s10 =	simm.s32 @!p0 $0x80;
	s11 =	simm.s32 @!p0 $0x480;
	s22 =	simm.s32 @!p0 $0x3600  }
0xaf: {  	[spmem:s2] =	stream.indirect.scatter.add.f32 @!p0 [tilespmem:s22], [sflag:$0x2], $0x20, s11, s10, $0xb8;
	[tilespmem:$0x1ED00] =	vst v63  }
0xb0: {  	s11 =	simm.s32 @!p0 $0x500;
	s22 =	simm.s32 @!p0 $0x4600  }
0xb1: {  	[spmem:s2] =	stream.indirect.scatter.add.f32 @!p0 [tilespmem:s22], [sflag:$0x2], $0x20, s11, s10, $0xb8;
	[tilespmem:$0x1ED00] =	vst v63  }
0xb2: {  	s11 =	simm.s32 @!p0 $0x580;
	s22 =	simm.s32 @!p0 $0x5600  }
0xb3: {  	[spmem:s2] =	stream.indirect.scatter.add.f32 @!p0 [tilespmem:s22], [sflag:$0x2], $0x20, s11, s10, $0xb8;
	[tilespmem:$0x1ED00] =	vst v63  }
0xb4: {  	s10 =	simm.s32 @!p0 $0x2  }
0xb5: {  	_ =	swait.ge @!p0 [sflag:s10], $0x1000  }
0xb6: {  	[sflag:s10] =	ssyncset.done @!p0 $0x0  }
0xb7: {  	[sflag:s10] =	ssyncadd.s32 @!p0 $0xFFFFF000  }
0xb8: {  	_ =	swait.ge @!p0 [sflag:s10], $0x1000  }
0xb9: {  	[sflag:s10] =	ssyncset.done @!p0 $0x0  }
0xba: {  	[sflag:s10] =	ssyncadd.s32 @!p0 $0xFFFFF000  }
0xbb: {  	_ =	swait.ge @!p0 [sflag:s10], $0x1000  }
0xbc: {  	[sflag:s10] =	ssyncset.done @!p0 $0x0  }
0xbd: {  	s11 =	sadd.s32 s7, s21;
	[sflag:s10] =	ssyncadd.s32 @!p0 $0xFFFFF000  }
0xbe: {  	[tilespmem:s25], [sflag:$0x3] =	stream.linear.gather [hbm4b:s11+s3], $0x180, $0x38;
	[tilespmem:$0x1ED00] =	vst v63  }
0xbf: {  	s11 =	sadd.s32 s7, s13  }
0xc0: {  	s22 =	sadd.s32 $0x30, s11  }
0xc1: {  	[tilespmem:s28], [sflag:$0x3] =	stream.linear.gather [hbm4b:s22+s3], $0x180, $0x38;
	[tilespmem:$0x1ED00] =	vst v63  }
0xc2: {  	_ =	swait.ge [sflag:s29], $0x3000  }
0xc3: {  	[sflag:s29] =	ssyncset.done $0x0  }
0xc4: {  	[sflag:s29] =	ssyncadd.s32 $0xFFFFD000  }
0xc5: {  	_ =	swait.ge [sflag:s30], $0x180  }
0xc6: {  	[sflag:s30] =	ssyncset.done $0x0  }
0xc7: {  	[sflag:s30] =	ssyncadd.s32 $0xFFFFFE80  }
0xc8: {  	_ =	swait.ge [sflag:s30], $0x180  }
0xc9: {  	[sflag:s30] =	ssyncset.done $0x0  }
0xca: {  	[sflag:s30] =	ssyncadd.s32 $0xFFFFFE80  }
0xcb: {  	[tilespmem:s31], [sflag:$0x1] =	stream.indirect.gather [hbm4b:s8+s25], $0x20, s25, s25, $0xb8;
	[tilespmem:$0x1ED00] =	vst v63  }
0xcc: {  	_ = 	snop  }
0xcd: {  	[spmem:s2] =	stream.indirect.scatter.add.f32 [tilespmem:s26], [sflag:$0x2], $0x20, s24, s0, $0xb8;
	[tilespmem:$0x1ED00] =	vst v63  }
0xce: {  	_ = 	snop  }
0xcf: {  	[spmem:s2] =	stream.indirect.scatter.add.f32 [tilespmem:s12], [sflag:$0x2], $0x20, s4, s0, $0xb8;
	[tilespmem:$0x1ED00] =	vst v63  }
0xd0: {  	_ = 	snop  }
0xd1: {  	[spmem:s2] =	stream.indirect.scatter.add.f32 [tilespmem:s16], [sflag:$0x2], $0x20, s14, s0, $0xb8;
	[tilespmem:$0x1ED00] =	vst v63  }
0xd2: {  	_ =	swait.ge [sflag:s17], $0x1000  }
0xd3: {  	[sflag:s17] =	ssyncset.done $0x0  }
0xd4: {  	[sflag:s17] =	ssyncadd.s32 $0xFFFFF000  }
0xd5: {  	p0 =	seq.s32 s7, $0x1860;
	_ =	swait.ge [sflag:s17], $0x1000  }
.Ltmp4:
0xd6: {  	[sflag:s17] =	ssyncset.done $0x0;
	(pc) =	sbr.rel @p0 .LBB2_7-.Ltmp4, $4  }
0xd7: {  	[sflag:s17] =	ssyncadd.s32 $0xFFFFF000  }
0xd8: {  	_ =	swait.ge [sflag:s17], $0x1000  }
0xd9: {  	[sflag:s17] =	ssyncset.done $0x0  }
0xda: {  	[sflag:s17] =	ssyncadd.s32 $0xFFFFF000  }
0xdb: {  	s10 =	sshrl.u32 s19, $0x3  }
0xdc: {  	s10 =	sadd.s32 s6, s10  }
0xdd: {  	[tilespmem:s3], [sflag:$0x3] =	stream.linear.gather [hbm4b:s10+s3], $0x180, $0x38;
	[tilespmem:$0x1ED00] =	vst v63  }
0xde: {  	s22 =	sadd.s32 $0x60, s11  }
0xdf: {  	[tilespmem:s24], [sflag:$0x3] =	stream.linear.gather [hbm4b:s22+s3], $0x180, $0x38;
	[tilespmem:$0x1ED00] =	vst v63  }
0xe0: {  	_ =	swait.ge [sflag:s29], $0x3000  }
0xe1: {  	[sflag:s29] =	ssyncset.done $0x0  }
0xe2: {  	[sflag:s29] =	ssyncadd.s32 $0xFFFFD000  }
0xe3: {  	_ =	swait.ge [sflag:s30], $0x180  }
.Ltmp5:
0xe4: {  	[sflag:s30] =	ssyncset.done $0x0;
	(pc) =	sbr.rel .LBB2_5-.Ltmp5, $4  }
0xe5: {  	[sflag:s30] =	ssyncadd.s32 $0xFFFFFE80  }
0xe6: {  	_ =	swait.ge [sflag:s30], $0x180  }
0xe7: {  	[sflag:s30] =	ssyncset.done $0x0  }
0xe8: {  	s19 =	sadd.s32 $0x300, s19;
	s7 =	sadd.s32 $0x60, s7;
	[sflag:s30] =	ssyncadd.s32 $0xFFFFFE80  }
.LBB2_7:
0xe9: {  	_ =	swait.ge [sflag:s29], $0x3000  }
0xea: {  	[sflag:s29] =	ssyncset.done $0x0  }
0xeb: {  	[sflag:s29] =	ssyncadd.s32 $0xFFFFD000  }
0xec: {  	[spmem:s2] =	stream.indirect.scatter.add.f32 [tilespmem:s31], [sflag:$0x2], $0x20, s28, s0, $0xb8;
	[tilespmem:$0x1ED00] =	vst v63  }
0xed: {  	s7 =	simm.s32 $0x500;
	s10 =	simm.s32 $0x4600  }
0xee: {  	[spmem:s2] =	stream.indirect.scatter.add.f32 [tilespmem:s10], [sflag:$0x2], $0x20, s7, s0, $0xb8;
	[tilespmem:$0x1ED00] =	vst v63  }
0xef: {  	s11 =	simm.s32 $0x5600;
	s10 =	simm.s32 $0x580  }
0xf0: {  	[spmem:s2] =	stream.indirect.scatter.add.f32 [tilespmem:s11], [sflag:$0x2], $0x20, s10, s0, $0xb8;
	[tilespmem:$0x1ED00] =	vst v63  }
0xf1: {  	_ =	swait.ge [sflag:s17], $0x1000  }
0xf2: {  	[sflag:s17] =	ssyncset.done $0x0  }
0xf3: {  	[sflag:s17] =	ssyncadd.s32 $0xFFFFF000  }
0xf4: {  	_ =	swait.ge [sflag:s17], $0x1000  }
0xf5: {  	[sflag:s17] =	ssyncset.done $0x0  }
0xf6: {  	[sflag:s17] =	ssyncadd.s32 $0xFFFFF000  }
0xf7: {  	_ =	swait.ge [sflag:s17], $0x1000  }
0xf8: {  	[sflag:s17] =	ssyncset.done $0x0  }
0xf9: {  	[sflag:s17] =	ssyncadd.s32 $0xFFFFF000  }
0xfa: {  	[bflag:$0x0] =	sbarrier.arrive $0xFFFF  }
0xfb: {  	s19 =	rddreg [dreg:$0xb]  }
0xfc: {  	s22 =	simm.s32 $0x4;
	s11 =	rddreg [dreg:$0xf]  }
0xfd: {  	[hbm:s19], [sflag:s15] =	dma.local [spmem:s11], $0x30E0  }
0xfe: {  	_ =	swait.ge [sflag:s22], $0x30E0  }
0xff: {  	[sflag:s22] =	ssyncset.done $0x0;
	s10 =	rddreg [dreg:$0x5]  }
0x100: {  	s19 =	rddreg [dreg:$0x7];
	[sflag:s22] =	ssyncadd.s32 $0xFFFFCF20  }
0x101: {  	[spmem:s11], [sflag:s19] =	dma.local [hbm:s10], $0x30E0  }
0x102: {  	_ =	swait.ge [sflag:s23], $0x30E0  }
0x103: {  	[sflag:s23] =	ssyncset.done $0x0  }
0x104: {  	[sflag:s23] =	ssyncadd.s32 $0xFFFFCF20  }
0x105: {  	[bflag:$0x0] =	sbarrier.arrive $0xFFFF  }
0x106: {  	s7 =	simm.s32 $0x0;
	s22 =	rddreg [dreg:$0xa]  }
0x107: {  	[tilespmem:s7], [sflag:$0x5] =	stream.linear.gather [hbm4b:s22+s7], $0x180, $0x38;
	[tilespmem:$0x1ED00] =	vst v63  }
0x108: {  	_ =	swait.ge [sflag:s23], $0x180  }
0x109: {  	[sflag:s23] =	ssyncset.done $0x0  }
0x10a: {  	[sflag:s23] =	ssyncadd.s32 $0xFFFFFE80  }
0x10b: {  	[tilespmem:s24], [sflag:$0x5] =	stream.linear.gather [hbm4b:s13+s7], $0x180, $0x38;
	[tilespmem:$0x1ED00] =	vst v63  }
0x10c: {  	_ =	swait.ge [sflag:s23], $0x180  }
0x10d: {  	[sflag:s23] =	ssyncset.done $0x0  }
0x10e: {  	s19 =	rddreg [dreg:$0xe];
	[sflag:s23] =	ssyncadd.s32 $0xFFFFFE80  }
.LBB2_8:
0x10f: {  	[tilespmem:s26], [sflag:$0x1] =	stream.indirect.gather [hbm4b:s9+s25], $0x20, s3, s25, $0xb8;
	[tilespmem:$0x1ED00] =	vst v63  }
0x110: {  	p0 =	seq.s32 s7, $0x0  }
0x111: {  	s10 =	simm.s32 @!p0 $0x80;
	s11 =	simm.s32 @!p0 $0x480;
	s22 =	simm.s32 @!p0 $0x3600  }
0x112: {  	[spmem:s2] =	stream.indirect.scatter.add.f32 @!p0 [tilespmem:s22], [sflag:$0x2], $0x20, s11, s10, $0xb8;
	[tilespmem:$0x1ED00] =	vst v63  }
0x113: {  	s11 =	simm.s32 @!p0 $0x500;
	s22 =	simm.s32 @!p0 $0x4600  }
0x114: {  	[spmem:s2] =	stream.indirect.scatter.add.f32 @!p0 [tilespmem:s22], [sflag:$0x2], $0x20, s11, s10, $0xb8;
	[tilespmem:$0x1ED00] =	vst v63  }
0x115: {  	s11 =	simm.s32 @!p0 $0x580;
	s22 =	simm.s32 @!p0 $0x5600  }
0x116: {  	[spmem:s2] =	stream.indirect.scatter.add.f32 @!p0 [tilespmem:s22], [sflag:$0x2], $0x20, s11, s10, $0xb8;
	[tilespmem:$0x1ED00] =	vst v63  }
0x117: {  	s10 =	simm.s32 @!p0 $0x2  }
0x118: {  	_ =	swait.ge @!p0 [sflag:s10], $0x1000  }
0x119: {  	[sflag:s10] =	ssyncset.done @!p0 $0x0  }
0x11a: {  	[sflag:s10] =	ssyncadd.s32 @!p0 $0xFFFFF000  }
0x11b: {  	_ =	swait.ge @!p0 [sflag:s10], $0x1000  }
0x11c: {  	[sflag:s10] =	ssyncset.done @!p0 $0x0  }
0x11d: {  	[sflag:s10] =	ssyncadd.s32 @!p0 $0xFFFFF000  }
0x11e: {  	_ =	swait.ge @!p0 [sflag:s10], $0x1000  }
0x11f: {  	[sflag:s10] =	ssyncset.done @!p0 $0x0  }
0x120: {  	s11 =	sadd.s32 s7, s21;
	[sflag:s10] =	ssyncadd.s32 @!p0 $0xFFFFF000  }
0x121: {  	[tilespmem:s25], [sflag:$0x3] =	stream.linear.gather [hbm4b:s11+s3], $0x180, $0x38;
	[tilespmem:$0x1ED00] =	vst v63  }
0x122: {  	s11 =	sadd.s32 s7, s13  }
0x123: {  	s22 =	sadd.s32 $0x30, s11  }
0x124: {  	[tilespmem:s28], [sflag:$0x3] =	stream.linear.gather [hbm4b:s22+s3], $0x180, $0x38;
	[tilespmem:$0x1ED00] =	vst v63  }
0x125: {  	_ =	swait.ge [sflag:s29], $0x3000  }
0x126: {  	[sflag:s29] =	ssyncset.done $0x0  }
0x127: {  	[sflag:s29] =	ssyncadd.s32 $0xFFFFD000  }
0x128: {  	_ =	swait.ge [sflag:s30], $0x180  }
0x129: {  	[sflag:s30] =	ssyncset.done $0x0  }
0x12a: {  	[sflag:s30] =	ssyncadd.s32 $0xFFFFFE80  }
0x12b: {  	_ =	swait.ge [sflag:s30], $0x180  }
0x12c: {  	[sflag:s30] =	ssyncset.done $0x0  }
0x12d: {  	[sflag:s30] =	ssyncadd.s32 $0xFFFFFE80  }
0x12e: {  	[tilespmem:s31], [sflag:$0x1] =	stream.indirect.gather [hbm4b:s9+s25], $0x20, s25, s25, $0xb8;
	[tilespmem:$0x1ED00] =	vst v63  }
0x12f: {  	_ = 	snop  }
0x130: {  	[spmem:s2] =	stream.indirect.scatter.add.f32 [tilespmem:s26], [sflag:$0x2], $0x20, s24, s0, $0xb8;
	[tilespmem:$0x1ED00] =	vst v63  }
0x131: {  	_ = 	snop  }
0x132: {  	[spmem:s2] =	stream.indirect.scatter.add.f32 [tilespmem:s12], [sflag:$0x2], $0x20, s4, s0, $0xb8;
	[tilespmem:$0x1ED00] =	vst v63  }
0x133: {  	_ = 	snop  }
0x134: {  	[spmem:s2] =	stream.indirect.scatter.add.f32 [tilespmem:s16], [sflag:$0x2], $0x20, s14, s0, $0xb8;
	[tilespmem:$0x1ED00] =	vst v63  }
0x135: {  	_ =	swait.ge [sflag:s17], $0x1000  }
0x136: {  	[sflag:s17] =	ssyncset.done $0x0  }
0x137: {  	[sflag:s17] =	ssyncadd.s32 $0xFFFFF000  }
0x138: {  	p0 =	seq.s32 s7, $0x1860;
	_ =	swait.ge [sflag:s17], $0x1000  }
.Ltmp6:
0x139: {  	[sflag:s17] =	ssyncset.done $0x0;
	(pc) =	sbr.rel @p0 .LBB2_10-.Ltmp6, $4  }
0x13a: {  	[sflag:s17] =	ssyncadd.s32 $0xFFFFF000  }
0x13b: {  	_ =	swait.ge [sflag:s17], $0x1000  }
0x13c: {  	[sflag:s17] =	ssyncset.done $0x0  }
0x13d: {  	[sflag:s17] =	ssyncadd.s32 $0xFFFFF000  }
0x13e: {  	s10 =	sshrl.u32 s19, $0x3  }
0x13f: {  	s10 =	sadd.s32 s6, s10  }
0x140: {  	[tilespmem:s3], [sflag:$0x3] =	stream.linear.gather [hbm4b:s10+s3], $0x180, $0x38;
	[tilespmem:$0x1ED00] =	vst v63  }
0x141: {  	s22 =	sadd.s32 $0x60, s11  }
0x142: {  	[tilespmem:s24], [sflag:$0x3] =	stream.linear.gather [hbm4b:s22+s3], $0x180, $0x38;
	[tilespmem:$0x1ED00] =	vst v63  }
0x143: {  	_ =	swait.ge [sflag:s29], $0x3000  }
0x144: {  	[sflag:s29] =	ssyncset.done $0x0  }
0x145: {  	[sflag:s29] =	ssyncadd.s32 $0xFFFFD000  }
0x146: {  	_ =	swait.ge [sflag:s30], $0x180  }
.Ltmp7:
0x147: {  	[sflag:s30] =	ssyncset.done $0x0;
	(pc) =	sbr.rel .LBB2_8-.Ltmp7, $4  }
0x148: {  	[sflag:s30] =	ssyncadd.s32 $0xFFFFFE80  }
0x149: {  	_ =	swait.ge [sflag:s30], $0x180  }
0x14a: {  	[sflag:s30] =	ssyncset.done $0x0  }
0x14b: {  	s19 =	sadd.s32 $0x300, s19;
	s7 =	sadd.s32 $0x60, s7;
	[sflag:s30] =	ssyncadd.s32 $0xFFFFFE80  }
.LBB2_11:
0x14c: {  	_ =	sfence.sel $0x180000  }
0x14d: {  	[bflag:$0x0] =	sbarrier.arrive $0xFFFF  }
0x14e: {  	_ =	strace $0x90000047  }
0x14f: {  	s0 =	stileid.u32;
	[bflag:$0x2] =	sbarrier.arrive $0xFFFF  }
0x150: {  	p0 =	sne.s32 s0, $0x0;
	s0 =	rddreg [dreg:$0x4]  }
0x151: {  	s0 =	sadd.s32 @!p0 $0x100000, s0  }
0x152: {  	[sflag:s0] =	ssyncadd.tile.s32 @!p0 $0x1;
	_ =	shalt  }
.Lfunc_end2:
_tile_overlayer_lowered:
.L_overlay_start_2:
0x153: {  	(tag) =	ssettag $0x2  }
0x154: {  	s0 =	rddreg [dreg:$0x0];
	s2 =	stileid.u32  }
0x155: {  	s1 =	rddreg [dreg:$0x1];
	p0 =	sne.s32 s2, $0x0  }
0x156: {  	s3 =	rddreg [dreg:$0x2];
	[bflag:$0x3] =	sbarrier.arrive $0xFFFF;
	s2 =	simm.s32 @!p0 $0x1C05  }
0x157: {  	[timem:s3], [sflag:s2] =	dma.local @!p0 [hbm:s0], s1  }
0x158: {  	s0 =	simm.s32 @!p0 $0x5  }
0x159: {  	_ =	swait.ge @!p0 [sflag:s0], s1  }
0x15a: {  	s1 =	ssub.s32 @!p0 $0x0, s1;
	[sflag:s0] =	ssyncset.done @!p0 $0x0  }
0x15b: {  	[sflag:s0] =	ssyncadd.s32 @!p0 s1  }
0x15c: {  	[bflag:$0x3] =	sbarrier.arrive $0xFFFF  }
0x15d: {  	_ =	shalt  }

</sc_bundles>
